<compile_context>
chip_gen: v7x
topology: tpu7x:2x2x1
jax: 0.10.2.dev20260603
libtpu: 0.0.44.dev20260713+nightly
codegen_flags: <defaults>
</compile_context>

<pallas_src>
import functools

import jax
import jax.numpy as jnp
from jax import lax
from jax.experimental import pallas as pl
from jax.experimental.pallas import tpu as pltpu
from jax.experimental.pallas import tpu_sc as plsc

N = 10000
E = 160000
IN_C = 256
HID = 512
OUT_C = 256

NC = 2
NS = 16
SLAB = 128
K = 80
EPT = E // NS
NCHUNK = EPT // K
NP = 10240
RPT = NP // NS


def _make_agg(n_slabs: int, with_deg: bool):
  spc = n_slabs // NC
  mesh = plsc.VectorSubcoreMesh(
      core_axis_name="c", subcore_axis_name="s", num_cores=NC, num_subcores=NS)

  out_type = [jax.ShapeDtypeStruct((NP, SLAB), jnp.float32)
              for _ in range(n_slabs)]
  if with_deg:
    out_type += [jax.ShapeDtypeStruct((NP, SLAB), jnp.float32)] * 2

  scratch = [
      pltpu.VMEM((EPT,), jnp.int32),
      pltpu.VMEM((EPT,), jnp.int32),
      pltpu.VMEM((K, SLAB), jnp.float32),
      pltpu.VMEM((K, SLAB), jnp.float32),
      pltpu.VMEM_SHARED((NP, SLAB), jnp.float32),
      pltpu.SemaphoreType.DMA,
      pltpu.SemaphoreType.DMA,
  ]

  def body(*refs):
    xs = refs[:n_slabs]
    row_h, col_h, zrow = refs[n_slabs:n_slabs + 3]
    i = n_slabs + 3
    if with_deg:
      ones_h = refs[i]; i += 1
    outs = refs[i:i + n_slabs]; i += n_slabs
    if with_deg:
      dega_out = refs[i]; degb_out = refs[i + 1]; i += 2
    row_v, col_v, buf0, buf1, acc, sem0, sem1 = refs[i:i + 7]; i += 7

    c = lax.axis_index("c")
    s = lax.axis_index("s")
    stripe = pl.ds(s * RPT, RPT)
    ebase = s * EPT

    pltpu.sync_copy(row_h.at[pl.ds(ebase, EPT)], row_v)
    pltpu.sync_copy(col_h.at[pl.ds(ebase, EPT)], col_v)

    def ridx(j):
      return row_v.at[pl.ds(j * K, K)]

    def cidx(j):
      return col_v.at[pl.ds(j * K, K)]

    for p in range(spc):
      pltpu.sync_copy(zrow, acc.at[stripe])
      plsc.subcore_barrier()

      for core_id in range(NC):
        slab = p * NC + core_id
        x_s = xs[slab]

        @pl.when(c == core_id)
        def _():
          pltpu.async_copy(x_s.at[ridx(0)], buf0, sem0)

          def chunk(i2, carry):
            j = 2 * i2
            pltpu.async_copy(x_s.at[ridx(j + 1)], buf1, sem1)
            pltpu.make_async_copy(x_s.at[ridx(j)], buf0, sem0).wait()
            pltpu.sync_copy(buf0, acc.at[cidx(j)], add=True)
            pltpu.async_copy(x_s.at[ridx(j + 2)], buf0, sem0)
            pltpu.make_async_copy(x_s.at[ridx(j + 1)], buf1, sem1).wait()
            pltpu.sync_copy(buf1, acc.at[cidx(j + 1)], add=True)
            return carry
          lax.fori_loop(0, NCHUNK // 2, chunk, 0)
          pltpu.make_async_copy(x_s.at[ridx(NCHUNK - 1)], buf0, sem0).wait()
          pltpu.sync_copy(buf0, acc.at[cidx(NCHUNK - 1)], add=True)
      plsc.subcore_barrier()

      for core_id in range(NC):
        out_s = outs[p * NC + core_id]

        @pl.when(c == core_id)
        def _():
          pltpu.sync_copy(acc.at[stripe], out_s.at[stripe])

    if with_deg:
      pltpu.sync_copy(zrow, acc.at[stripe])
      pltpu.sync_copy(ones_h, buf0)
      plsc.subcore_barrier()

      def dchunk(j, carry):
        pltpu.sync_copy(buf0, acc.at[cidx(2 * j + c)], add=True)
        return carry
      lax.fori_loop(0, NCHUNK // 2, dchunk, 0)

      @pl.when(c == 0)
      def _():
        pltpu.sync_copy(buf0, acc.at[cidx(NCHUNK - 1)], add=True)
      plsc.subcore_barrier()

      @pl.when(c == 0)
      def _():
        pltpu.sync_copy(acc.at[stripe], dega_out.at[stripe])

      @pl.when(c == 1)
      def _():
        pltpu.sync_copy(acc.at[stripe], degb_out.at[stripe])

  return functools.partial(
      pl.kernel, mesh=mesh, out_type=tuple(out_type),
      scratch_types=scratch)(body)


_agg2_deg = _make_agg(2, True)
_agg4 = _make_agg(4, False)
_agg2 = _make_agg(2, False)


NB = 1024


def _tc1_body(a0, a1, dega, degb, w0, b0, t0, t1, t2, t3):
  x = jnp.concatenate([a0[:], a1[:]], axis=1)
  h = jnp.dot(x, w0[:], preferred_element_type=jnp.float32) + b0[:]
  h = jnp.maximum(h, 0.0)
  dis = lax.rsqrt(dega[:, :1] + degb[:, :1] + 1.0)
  t = h * dis
  t0[:] = t[:, 0:128]
  t1[:] = t[:, 128:256]
  t2[:] = t[:, 256:384]
  t3[:] = t[:, 384:512]


def _tc1(a0, a1, dega, degb, w0, b0):
  slabspec = pl.BlockSpec((NB, SLAB), lambda i: (i, 0))
  return pl.pallas_call(
      _tc1_body,
      grid=(NP // NB,),
      in_specs=[slabspec, slabspec, slabspec, slabspec,
                pl.BlockSpec((IN_C, HID), lambda i: (0, 0)),
                pl.BlockSpec((1, HID), lambda i: (0, 0))],
      out_specs=[slabspec] * 4,
      out_shape=[jax.ShapeDtypeStruct((NP, SLAB), jnp.float32)] * 4,
  )(a0, a1, dega, degb, w0, b0)


def _tc2_body(s0, s1, s2, s3, t0, t1, t2, t3, dega, degb, w1, b1, w2, y0, y1):
  u = jnp.concatenate(
      [s0[:] + t0[:], s1[:] + t1[:], s2[:] + t2[:], s3[:] + t3[:]], axis=1)
  dis = lax.rsqrt(dega[:, :1] + degb[:, :1] + 1.0)
  u = u * dis
  h = jnp.dot(u, w1[:], preferred_element_type=jnp.float32) + b1[:]
  h = jnp.maximum(h, 0.0)
  y = jnp.dot(h, w2[:], preferred_element_type=jnp.float32)
  y0[:] = y[:, 0:128]
  y1[:] = y[:, 128:256]


def _tc2(s10, s11, s12, s13, t0, t1, t2, t3, dega, degb, w1, b1, w2):
  slabspec = pl.BlockSpec((NB, SLAB), lambda i: (i, 0))
  return pl.pallas_call(
      _tc2_body,
      grid=(NP // NB,),
      in_specs=[slabspec] * 10 + [
          pl.BlockSpec((HID, HID), lambda i: (0, 0)),
          pl.BlockSpec((1, HID), lambda i: (0, 0)),
          pl.BlockSpec((HID, OUT_C), lambda i: (0, 0))],
      out_specs=[slabspec] * 2,
      out_shape=[jax.ShapeDtypeStruct((NP, SLAB), jnp.float32)] * 2,
  )(s10, s11, s12, s13, t0, t1, t2, t3, dega, degb, w1, b1, w2)


def _tc3_body(s0, s1, b2, o):
  o[:] = jnp.concatenate([s0[:], s1[:]], axis=1) + b2[:]


def _tc3(s20, s21, b2):
  slabspec = pl.BlockSpec((NB, SLAB), lambda i: (i, 0))
  return pl.pallas_call(
      _tc3_body,
      grid=(NP // NB,),
      in_specs=[slabspec, slabspec,
                pl.BlockSpec((1, OUT_C), lambda i: (0, 0))],
      out_specs=pl.BlockSpec((NB, OUT_C), lambda i: (i, 0)),
      out_shape=jax.ShapeDtypeStruct((NP, OUT_C), jnp.float32),
  )(s20, s21, b2)


def kernel(edge_index, x_init, W0, b0, W1, b1, W2, b2):
  ei = edge_index.astype(jnp.int32)
  row = ei[0]
  col = ei[1]
  x0 = x_init[:, :SLAB]
  x1 = x_init[:, SLAB:]
  zrow = jnp.zeros((RPT, SLAB), jnp.float32)
  ones = jnp.ones((K, SLAB), jnp.float32)

  a0, a1, dega, degb = _agg2_deg(x0, x1, row, col, zrow, ones)
  t0, t1, t2, t3 = _tc1(a0, a1, dega, degb, W0, b0.reshape(1, HID))
  s10, s11, s12, s13 = _agg4(t0, t1, t2, t3, row, col, zrow)
  y0, y1 = _tc2(s10, s11, s12, s13, t0, t1, t2, t3, dega, degb,
                W1, b1.reshape(1, HID), W2)
  s20, s21 = _agg2(y0, y1, row, col, zrow)
  return _tc3(s20, s21, b2.reshape(1, OUT_C))[:N]

# --- scband reference (transcript-rebuilt; emitter-appended) ---
"""Pipeline reference for scband-gcn-28346784153936 (READ-ONLY COPY).

The authoritative reference and input builder live on the scoring server;
editing this copy changes nothing except your own understanding.
"""

import jax, jax.numpy as jnp
import numpy as np

N = 10000
E = 160000
IN_C = 256
HID = 512
OUT_C = 256


def setup_inputs(seed: int = 0) -> dict:
    key = jax.random.key(seed)
    ks = jax.random.split(key, 8)
    edge_index = jax.random.randint(ks[0], (2, E), 0, N).astype(jnp.int64)
    x_init = jax.random.normal(ks[1], (N, IN_C), dtype=jnp.float32)
    # GCNConv linear weights (stored as [in, out] so forward is x @ W) + biases
    W0 = jax.random.normal(ks[2], (IN_C, HID), dtype=jnp.float32) * (1.0 / np.sqrt(IN_C))
    b0 = jnp.zeros((HID,), dtype=jnp.float32)
    W1 = jax.random.normal(ks[3], (HID, HID), dtype=jnp.float32) * (1.0 / np.sqrt(HID))
    b1 = jnp.zeros((HID,), dtype=jnp.float32)
    W2 = jax.random.normal(ks[4], (HID, OUT_C), dtype=jnp.float32) * (1.0 / np.sqrt(HID))
    b2 = jnp.zeros((OUT_C,), dtype=jnp.float32)
    return {"edge_index": edge_index, "x_init": x_init,
            "W0": W0, "b0": b0, "W1": W1, "b1": b1, "W2": W2, "b2": b2}


def _gcn_conv(x, edge_index, W, b, normalize):
    # PyG GCNConv: x' = lin(x); out = scatter_add(msg, dst) + bias
    x = x @ W
    row = edge_index[0]
    col = edge_index[1]
    if normalize:
        # gcn_norm with added self-loops and symmetric normalization
        loop = jnp.arange(N, dtype=row.dtype)
        row_f = jnp.concatenate([row, loop])
        col_f = jnp.concatenate([col, loop])
        w = jnp.ones((row_f.shape[0],), dtype=x.dtype)
        deg = jnp.zeros((N,), dtype=x.dtype).at[col_f].add(w)
        deg_inv_sqrt = jnp.where(deg > 0, jax.lax.rsqrt(jnp.maximum(deg, 1e-12)), 0.0)
        norm = deg_inv_sqrt[row_f] * deg_inv_sqrt[col_f]
        msg = x[row_f] * norm[:, None]
        out = jnp.zeros((N, x.shape[1]), dtype=x.dtype).at[col_f].add(msg)
    else:
        msg = x[row]
        out = jnp.zeros((N, x.shape[1]), dtype=x.dtype).at[col].add(msg)
    return out + b


def reference(edge_index, x_init, W0, b0, W1, b1, W2, b2):
    # layer 0: normalize=False, then relu (dropout p=0.0 -> identity)
    x = _gcn_conv(x_init, edge_index, W0, b0, False)
    x = jax.nn.relu(x)
    # layer 1 (middle): normalize=True (default), relu
    x = _gcn_conv(x, edge_index, W1, b1, True)
    x = jax.nn.relu(x)
    # layer 2: normalize=False, no activation
    x = _gcn_conv(x, edge_index, W2, b2, False)
    return x

if __name__ == "__main__":
    import jax
    _d = setup_inputs()
    print(jax.jit(kernel)(*tuple(_d.values())))

</pallas_src>

<mosaic_0001>
#map = affine_map<(d0, d1) -> (0, 0)>
#map1 = affine_map<(d0, d1) -> (0)>
module attributes {stable_mosaic.version = 14 : i64} {
  func.func @body(%arg0: i32, %arg1: i32, %arg2: memref<10240x128xf32, #tpu.memory_space<hbm>>, %arg3: memref<10240x128xf32, #tpu.memory_space<hbm>>, %arg4: memref<10240x128xf32, #tpu.memory_space<hbm>>, %arg5: memref<10240x128xf32, #tpu.memory_space<hbm>>, %arg6: memref<160000xi32, #tpu.memory_space<hbm>>, %arg7: memref<160000xi32, #tpu.memory_space<hbm>>, %arg8: memref<640x128xf32, #tpu.memory_space<hbm>>, %arg9: memref<10240x128xf32, #tpu.memory_space<hbm>>, %arg10: memref<10240x128xf32, #tpu.memory_space<hbm>>, %arg11: memref<10240x128xf32, #tpu.memory_space<hbm>>, %arg12: memref<10240x128xf32, #tpu.memory_space<hbm>>, %arg13: memref<10000xi32, #tpu.memory_space<vmem>>, %arg14: memref<10000xi32, #tpu.memory_space<vmem>>, %arg15: memref<80x128xf32, #tpu.memory_space<vmem>>, %arg16: memref<80x128xf32, #tpu.memory_space<vmem>>, %arg17: memref<10240x128xf32, #tpu.memory_space<vmem_shared>>, %arg18: memref<!tpu.dma_semaphore, #tpu.memory_space<semaphore_mem>>, %arg19: memref<!tpu.dma_semaphore, #tpu.memory_space<semaphore_mem>>) attributes {dimension_semantics = [#tpu.dimension_semantics<core_parallel>, #tpu.dimension_semantics<subcore_parallel>], iteration_bounds = array<i64: 2, 16>, scalar_prefetch = 0 : i64, scratch_operands = 7 : i64, tpu.core_type = #tpu.core_type<sc_vector_subcore>, window_params = [{transform_indices = #map}, {transform_indices = #map}, {transform_indices = #map}, {transform_indices = #map}, {transform_indices = #map1}, {transform_indices = #map1}, {transform_indices = #map}, {transform_indices = #map}, {transform_indices = #map}, {transform_indices = #map}, {transform_indices = #map}]} {
    %mul3A = arith.constant 640 : i32
    %mul3A_0 = arith.muli %arg1, %mul3A : i32
    %mul3A_1 = arith.constant 10000 : i32
    %mul3A_2 = arith.muli %arg1, %mul3A_1 : i32
    "tpu.region"() ({
      %run_scoped3A = tpu.sem_alloc : memref<!tpu.dma_semaphore, #tpu.memory_space<semaphore_mem>>
      %dma_start3A = tpu.memref_slice %arg6[%mul3A_2] : memref<160000xi32, #tpu.memory_space<hbm>> -> memref<10000xi32, #tpu.memory_space<hbm>>
      %dma_start3A_43 = tpu.memref_slice %arg6[%mul3A_2] : memref<160000xi32, #tpu.memory_space<hbm>> -> memref<10000xi32, #tpu.memory_space<hbm>>
      tpu.enqueue_dma source(%dma_start3A_43 : memref<10000xi32, #tpu.memory_space<hbm>>) target(%arg13 : memref<10000xi32, #tpu.memory_space<vmem>>) target_semaphore(%run_scoped3A : memref<!tpu.dma_semaphore, #tpu.memory_space<semaphore_mem>>)
      %dma_wait3A = tpu.memref_slice %arg6[%mul3A_2] : memref<160000xi32, #tpu.memory_space<hbm>> -> memref<10000xi32, #tpu.memory_space<hbm>>
      %dma_wait3A_44 = tpu.memref_slice %arg6[%mul3A_2] : memref<160000xi32, #tpu.memory_space<hbm>> -> memref<10000xi32, #tpu.memory_space<hbm>>
      tpu.wait_dma2 semaphore(%run_scoped3A : memref<!tpu.dma_semaphore, #tpu.memory_space<semaphore_mem>>) src(%dma_wait3A_44 : memref<10000xi32, #tpu.memory_space<hbm>>) dst(%arg13 : memref<10000xi32, #tpu.memory_space<vmem>>)
      tpu.yield
    }) : () -> ()
    "tpu.region"() ({
      %run_scoped3A = tpu.sem_alloc : memref<!tpu.dma_semaphore, #tpu.memory_space<semaphore_mem>>
      %dma_start3A = tpu.memref_slice %arg7[%mul3A_2] : memref<160000xi32, #tpu.memory_space<hbm>> -> memref<10000xi32, #tpu.memory_space<hbm>>
      %dma_start3A_43 = tpu.memref_slice %arg7[%mul3A_2] : memref<160000xi32, #tpu.memory_space<hbm>> -> memref<10000xi32, #tpu.memory_space<hbm>>
      tpu.enqueue_dma source(%dma_start3A_43 : memref<10000xi32, #tpu.memory_space<hbm>>) target(%arg14 : memref<10000xi32, #tpu.memory_space<vmem>>) target_semaphore(%run_scoped3A : memref<!tpu.dma_semaphore, #tpu.memory_space<semaphore_mem>>)
      %dma_wait3A = tpu.memref_slice %arg7[%mul3A_2] : memref<160000xi32, #tpu.memory_space<hbm>> -> memref<10000xi32, #tpu.memory_space<hbm>>
      %dma_wait3A_44 = tpu.memref_slice %arg7[%mul3A_2] : memref<160000xi32, #tpu.memory_space<hbm>> -> memref<10000xi32, #tpu.memory_space<hbm>>
      tpu.wait_dma2 semaphore(%run_scoped3A : memref<!tpu.dma_semaphore, #tpu.memory_space<semaphore_mem>>) src(%dma_wait3A_44 : memref<10000xi32, #tpu.memory_space<hbm>>) dst(%arg14 : memref<10000xi32, #tpu.memory_space<vmem>>)
      tpu.yield
    }) : () -> ()
    "tpu.region"() ({
      %run_scoped3A = tpu.sem_alloc : memref<!tpu.dma_semaphore, #tpu.memory_space<semaphore_mem>>
      %dma_start3A = arith.constant 0 : i32
      %dma_start3A_43 = tpu.memref_slice %arg17[%mul3A_0, %dma_start3A] : memref<10240x128xf32, #tpu.memory_space<vmem_shared>> -> memref<640x128xf32, #tpu.memory_space<vmem_shared>>
      tpu.enqueue_dma source(%arg8 : memref<640x128xf32, #tpu.memory_space<hbm>>) target(%dma_start3A_43 : memref<640x128xf32, #tpu.memory_space<vmem_shared>>) target_semaphore(%run_scoped3A : memref<!tpu.dma_semaphore, #tpu.memory_space<semaphore_mem>>)
      %dma_wait3A = arith.constant 0 : i32
      %dma_wait3A_44 = tpu.memref_slice %arg17[%mul3A_0, %dma_wait3A] : memref<10240x128xf32, #tpu.memory_space<vmem_shared>> -> memref<640x128xf32, #tpu.memory_space<vmem_shared>>
      tpu.wait_dma2 semaphore(%run_scoped3A : memref<!tpu.dma_semaphore, #tpu.memory_space<semaphore_mem>>) src(%arg8 : memref<640x128xf32, #tpu.memory_space<hbm>>) dst(%dma_wait3A_44 : memref<640x128xf32, #tpu.memory_space<vmem_shared>>)
      tpu.yield
    }) : () -> ()
    %barrier3A = arith.constant 0 : index
    tpu.barrier barrier_id(%barrier3A)
    %eq3A = arith.constant 0 : i32
    %eq3A_3 = arith.cmpi eq, %arg0, %eq3A : i32
    %convert_element_type3A = arith.extui %eq3A_3 : i1 to i32
    %cond3A = arith.constant 0 : i32
    %cond3A_4 = arith.cmpi ne, %convert_element_type3A, %cond3A : i32
    scf.if %cond3A_4 {
      %dma_start3A = arith.constant 0 : i32
      %dma_start3A_43 = tpu.memref_slice %arg13[%dma_start3A] : memref<10000xi32, #tpu.memory_space<vmem>> -> memref<80xi32, #tpu.memory_space<vmem>>
      %dma_start3A_44 = arith.constant 0 : i32
      %dma_start3A_45 = arith.constant 0 : i32
      %dma_start3A_46 = tpu.memref_slice %arg2[%dma_start3A_44, %dma_start3A_45] : memref<10240x128xf32, #tpu.memory_space<hbm>> -> memref<10240x128xf32, #tpu.memory_space<hbm>>
      tpu.enqueue_indirect_dma source(%dma_start3A_46 : memref<10240x128xf32, #tpu.memory_space<hbm>>) target(%arg15 : memref<80x128xf32, #tpu.memory_space<vmem>>) offsets(%dma_start3A_43 : memref<80xi32, #tpu.memory_space<vmem>>) semaphore(%arg18 : memref<!tpu.dma_semaphore, #tpu.memory_space<semaphore_mem>>)
      %scan3A = arith.constant 0 : i32
      %scan3A_47 = arith.constant 0 : i32
      %scan3A_48 = arith.constant 62 : i32
      %scan3A_49 = arith.addi %scan3A_47, %scan3A_48 : i32
      %scan3A_50 = arith.constant 1 : i32
      scf.for %scan3A_56 = %scan3A_47 to %scan3A_49 step %scan3A_50  : i32 {
        %mul3A_57 = arith.constant 2 : i32
        %mul3A_58 = arith.muli %mul3A_57, %scan3A_56 : i32
        %add3A = arith.constant 1 : i32
        %add3A_59 = arith.addi %mul3A_58, %add3A : i32
        %mul3A_60 = arith.constant 80 : i32
        %mul3A_61 = arith.muli %add3A_59, %mul3A_60 : i32
        %dma_start3A_62 = tpu.memref_slice %arg13[%mul3A_61] : memref<10000xi32, #tpu.memory_space<vmem>> -> memref<80xi32, #tpu.memory_space<vmem>>
        %dma_start3A_63 = arith.constant 0 : i32
        %dma_start3A_64 = arith.constant 0 : i32
        %dma_start3A_65 = tpu.memref_slice %arg2[%dma_start3A_63, %dma_start3A_64] : memref<10240x128xf32, #tpu.memory_space<hbm>> -> memref<10240x128xf32, #tpu.memory_space<hbm>>
        tpu.enqueue_indirect_dma source(%dma_start3A_65 : memref<10240x128xf32, #tpu.memory_space<hbm>>) target(%arg16 : memref<80x128xf32, #tpu.memory_space<vmem>>) offsets(%dma_start3A_62 : memref<80xi32, #tpu.memory_space<vmem>>) semaphore(%arg19 : memref<!tpu.dma_semaphore, #tpu.memory_space<semaphore_mem>>)
        %mul3A_66 = arith.constant 80 : i32
        %mul3A_67 = arith.muli %mul3A_58, %mul3A_66 : i32
        %dma_wait3A_68 = tpu.memref_slice %arg13[%mul3A_67] : memref<10000xi32, #tpu.memory_space<vmem>> -> memref<80xi32, #tpu.memory_space<vmem>>
        %dma_wait3A_69 = arith.constant 0 : i32
        %dma_wait3A_70 = arith.constant 0 : i32
        %dma_wait3A_71 = tpu.memref_slice %arg2[%dma_wait3A_69, %dma_wait3A_70] : memref<10240x128xf32, #tpu.memory_space<hbm>> -> memref<10240x128xf32, #tpu.memory_space<hbm>>
        tpu.wait_indirect_dma semaphore(%arg18 : memref<!tpu.dma_semaphore, #tpu.memory_space<semaphore_mem>>) src(%dma_wait3A_71 : memref<10240x128xf32, #tpu.memory_space<hbm>>) dst(%arg15 : memref<80x128xf32, #tpu.memory_space<vmem>>)
        %mul3A_72 = arith.constant 80 : i32
        %mul3A_73 = arith.muli %mul3A_58, %mul3A_72 : i32
        "tpu.region"() ({
          %run_scoped3A = tpu.sem_alloc : memref<!tpu.dma_semaphore, #tpu.memory_space<semaphore_mem>>
          %dma_start3A_94 = tpu.memref_slice %arg14[%mul3A_73] : memref<10000xi32, #tpu.memory_space<vmem>> -> memref<80xi32, #tpu.memory_space<vmem>>
          %dma_start3A_95 = arith.constant 0 : i32
          %dma_start3A_96 = arith.constant 0 : i32
          %dma_start3A_97 = tpu.memref_slice %arg17[%dma_start3A_95, %dma_start3A_96] : memref<10240x128xf32, #tpu.memory_space<vmem_shared>> -> memref<10240x128xf32, #tpu.memory_space<vmem_shared>>
          tpu.enqueue_indirect_dma source(%arg15 : memref<80x128xf32, #tpu.memory_space<vmem>>) target(%dma_start3A_97 : memref<10240x128xf32, #tpu.memory_space<vmem_shared>>) offsets(%dma_start3A_94 : memref<80xi32, #tpu.memory_space<vmem>>) semaphore(%run_scoped3A : memref<!tpu.dma_semaphore, #tpu.memory_space<semaphore_mem>>) {add = true}
          %dma_wait3A_98 = tpu.memref_slice %arg14[%mul3A_73] : memref<10000xi32, #tpu.memory_space<vmem>> -> memref<80xi32, #tpu.memory_space<vmem>>
          %dma_wait3A_99 = arith.constant 0 : i32
          %dma_wait3A_100 = arith.constant 0 : i32
          %dma_wait3A_101 = tpu.memref_slice %arg17[%dma_wait3A_99, %dma_wait3A_100] : memref<10240x128xf32, #tpu.memory_space<vmem_shared>> -> memref<10240x128xf32, #tpu.memory_space<vmem_shared>>
          tpu.wait_indirect_dma semaphore(%run_scoped3A : memref<!tpu.dma_semaphore, #tpu.memory_space<semaphore_mem>>) src(%arg15 : memref<80x128xf32, #tpu.memory_space<vmem>>) dst(%dma_wait3A_101 : memref<10240x128xf32, #tpu.memory_space<vmem_shared>>)
          tpu.yield
        }) : () -> ()
        %add3A_74 = arith.constant 2 : i32
        %add3A_75 = arith.addi %mul3A_58, %add3A_74 : i32
        %mul3A_76 = arith.constant 80 : i32
        %mul3A_77 = arith.muli %add3A_75, %mul3A_76 : i32
        %dma_start3A_78 = tpu.memref_slice %arg13[%mul3A_77] : memref<10000xi32, #tpu.memory_space<vmem>> -> memref<80xi32, #tpu.memory_space<vmem>>
        %dma_start3A_79 = arith.constant 0 : i32
        %dma_start3A_80 = arith.constant 0 : i32
        %dma_start3A_81 = tpu.memref_slice %arg2[%dma_start3A_79, %dma_start3A_80] : memref<10240x128xf32, #tpu.memory_space<hbm>> -> memref<10240x128xf32, #tpu.memory_space<hbm>>
        tpu.enqueue_indirect_dma source(%dma_start3A_81 : memref<10240x128xf32, #tpu.memory_space<hbm>>) target(%arg15 : memref<80x128xf32, #tpu.memory_space<vmem>>) offsets(%dma_start3A_78 : memref<80xi32, #tpu.memory_space<vmem>>) semaphore(%arg18 : memref<!tpu.dma_semaphore, #tpu.memory_space<semaphore_mem>>)
        %add3A_82 = arith.constant 1 : i32
        %add3A_83 = arith.addi %mul3A_58, %add3A_82 : i32
        %mul3A_84 = arith.constant 80 : i32
        %mul3A_85 = arith.muli %add3A_83, %mul3A_84 : i32
        %dma_wait3A_86 = tpu.memref_slice %arg13[%mul3A_85] : memref<10000xi32, #tpu.memory_space<vmem>> -> memref<80xi32, #tpu.memory_space<vmem>>
        %dma_wait3A_87 = arith.constant 0 : i32
        %dma_wait3A_88 = arith.constant 0 : i32
        %dma_wait3A_89 = tpu.memref_slice %arg2[%dma_wait3A_87, %dma_wait3A_88] : memref<10240x128xf32, #tpu.memory_space<hbm>> -> memref<10240x128xf32, #tpu.memory_space<hbm>>
        tpu.wait_indirect_dma semaphore(%arg19 : memref<!tpu.dma_semaphore, #tpu.memory_space<semaphore_mem>>) src(%dma_wait3A_89 : memref<10240x128xf32, #tpu.memory_space<hbm>>) dst(%arg16 : memref<80x128xf32, #tpu.memory_space<vmem>>)
        %add3A_90 = arith.constant 1 : i32
        %add3A_91 = arith.addi %mul3A_58, %add3A_90 : i32
        %mul3A_92 = arith.constant 80 : i32
        %mul3A_93 = arith.muli %add3A_91, %mul3A_92 : i32
        "tpu.region"() ({
          %run_scoped3A = tpu.sem_alloc : memref<!tpu.dma_semaphore, #tpu.memory_space<semaphore_mem>>
          %dma_start3A_94 = tpu.memref_slice %arg14[%mul3A_93] : memref<10000xi32, #tpu.memory_space<vmem>> -> memref<80xi32, #tpu.memory_space<vmem>>
          %dma_start3A_95 = arith.constant 0 : i32
          %dma_start3A_96 = arith.constant 0 : i32
          %dma_start3A_97 = tpu.memref_slice %arg17[%dma_start3A_95, %dma_start3A_96] : memref<10240x128xf32, #tpu.memory_space<vmem_shared>> -> memref<10240x128xf32, #tpu.memory_space<vmem_shared>>
          tpu.enqueue_indirect_dma source(%arg16 : memref<80x128xf32, #tpu.memory_space<vmem>>) target(%dma_start3A_97 : memref<10240x128xf32, #tpu.memory_space<vmem_shared>>) offsets(%dma_start3A_94 : memref<80xi32, #tpu.memory_space<vmem>>) semaphore(%run_scoped3A : memref<!tpu.dma_semaphore, #tpu.memory_space<semaphore_mem>>) {add = true}
          %dma_wait3A_98 = tpu.memref_slice %arg14[%mul3A_93] : memref<10000xi32, #tpu.memory_space<vmem>> -> memref<80xi32, #tpu.memory_space<vmem>>
          %dma_wait3A_99 = arith.constant 0 : i32
          %dma_wait3A_100 = arith.constant 0 : i32
          %dma_wait3A_101 = tpu.memref_slice %arg17[%dma_wait3A_99, %dma_wait3A_100] : memref<10240x128xf32, #tpu.memory_space<vmem_shared>> -> memref<10240x128xf32, #tpu.memory_space<vmem_shared>>
          tpu.wait_indirect_dma semaphore(%run_scoped3A : memref<!tpu.dma_semaphore, #tpu.memory_space<semaphore_mem>>) src(%arg16 : memref<80x128xf32, #tpu.memory_space<vmem>>) dst(%dma_wait3A_101 : memref<10240x128xf32, #tpu.memory_space<vmem_shared>>)
          tpu.yield
        }) : () -> ()
      }
      %scan3A_51 = arith.constant 62 : i32
      %dma_wait3A = arith.constant 9920 : i32
      %dma_wait3A_52 = tpu.memref_slice %arg13[%dma_wait3A] : memref<10000xi32, #tpu.memory_space<vmem>> -> memref<80xi32, #tpu.memory_space<vmem>>
      %dma_wait3A_53 = arith.constant 0 : i32
      %dma_wait3A_54 = arith.constant 0 : i32
      %dma_wait3A_55 = tpu.memref_slice %arg2[%dma_wait3A_53, %dma_wait3A_54] : memref<10240x128xf32, #tpu.memory_space<hbm>> -> memref<10240x128xf32, #tpu.memory_space<hbm>>
      tpu.wait_indirect_dma semaphore(%arg18 : memref<!tpu.dma_semaphore, #tpu.memory_space<semaphore_mem>>) src(%dma_wait3A_55 : memref<10240x128xf32, #tpu.memory_space<hbm>>) dst(%arg15 : memref<80x128xf32, #tpu.memory_space<vmem>>)
      "tpu.region"() ({
        %run_scoped3A = tpu.sem_alloc : memref<!tpu.dma_semaphore, #tpu.memory_space<semaphore_mem>>
        %dma_start3A_56 = arith.constant 9920 : i32
        %dma_start3A_57 = tpu.memref_slice %arg14[%dma_start3A_56] : memref<10000xi32, #tpu.memory_space<vmem>> -> memref<80xi32, #tpu.memory_space<vmem>>
        %dma_start3A_58 = arith.constant 0 : i32
        %dma_start3A_59 = arith.constant 0 : i32
        %dma_start3A_60 = tpu.memref_slice %arg17[%dma_start3A_58, %dma_start3A_59] : memref<10240x128xf32, #tpu.memory_space<vmem_shared>> -> memref<10240x128xf32, #tpu.memory_space<vmem_shared>>
        tpu.enqueue_indirect_dma source(%arg15 : memref<80x128xf32, #tpu.memory_space<vmem>>) target(%dma_start3A_60 : memref<10240x128xf32, #tpu.memory_space<vmem_shared>>) offsets(%dma_start3A_57 : memref<80xi32, #tpu.memory_space<vmem>>) semaphore(%run_scoped3A : memref<!tpu.dma_semaphore, #tpu.memory_space<semaphore_mem>>) {add = true}
        %dma_wait3A_61 = arith.constant 9920 : i32
        %dma_wait3A_62 = tpu.memref_slice %arg14[%dma_wait3A_61] : memref<10000xi32, #tpu.memory_space<vmem>> -> memref<80xi32, #tpu.memory_space<vmem>>
        %dma_wait3A_63 = arith.constant 0 : i32
        %dma_wait3A_64 = arith.constant 0 : i32
        %dma_wait3A_65 = tpu.memref_slice %arg17[%dma_wait3A_63, %dma_wait3A_64] : memref<10240x128xf32, #tpu.memory_space<vmem_shared>> -> memref<10240x128xf32, #tpu.memory_space<vmem_shared>>
        tpu.wait_indirect_dma semaphore(%run_scoped3A : memref<!tpu.dma_semaphore, #tpu.memory_space<semaphore_mem>>) src(%arg15 : memref<80x128xf32, #tpu.memory_space<vmem>>) dst(%dma_wait3A_65 : memref<10240x128xf32, #tpu.memory_space<vmem_shared>>)
        tpu.yield
      }) : () -> ()
    } else {
    }
    %eq3A_5 = arith.constant 1 : i32
    %eq3A_6 = arith.cmpi eq, %arg0, %eq3A_5 : i32
    %convert_element_type3A_7 = arith.extui %eq3A_6 : i1 to i32
    %cond3A_8 = arith.constant 0 : i32
    %cond3A_9 = arith.cmpi ne, %convert_element_type3A_7, %cond3A_8 : i32
    scf.if %cond3A_9 {
      %dma_start3A = arith.constant 0 : i32
      %dma_start3A_43 = tpu.memref_slice %arg13[%dma_start3A] : memref<10000xi32, #tpu.memory_space<vmem>> -> memref<80xi32, #tpu.memory_space<vmem>>
      %dma_start3A_44 = arith.constant 0 : i32
      %dma_start3A_45 = arith.constant 0 : i32
      %dma_start3A_46 = tpu.memref_slice %arg3[%dma_start3A_44, %dma_start3A_45] : memref<10240x128xf32, #tpu.memory_space<hbm>> -> memref<10240x128xf32, #tpu.memory_space<hbm>>
      tpu.enqueue_indirect_dma source(%dma_start3A_46 : memref<10240x128xf32, #tpu.memory_space<hbm>>) target(%arg15 : memref<80x128xf32, #tpu.memory_space<vmem>>) offsets(%dma_start3A_43 : memref<80xi32, #tpu.memory_space<vmem>>) semaphore(%arg18 : memref<!tpu.dma_semaphore, #tpu.memory_space<semaphore_mem>>)
      %scan3A = arith.constant 0 : i32
      %scan3A_47 = arith.constant 0 : i32
      %scan3A_48 = arith.constant 62 : i32
      %scan3A_49 = arith.addi %scan3A_47, %scan3A_48 : i32
      %scan3A_50 = arith.constant 1 : i32
      scf.for %scan3A_56 = %scan3A_47 to %scan3A_49 step %scan3A_50  : i32 {
        %mul3A_57 = arith.constant 2 : i32
        %mul3A_58 = arith.muli %mul3A_57, %scan3A_56 : i32
        %add3A = arith.constant 1 : i32
        %add3A_59 = arith.addi %mul3A_58, %add3A : i32
        %mul3A_60 = arith.constant 80 : i32
        %mul3A_61 = arith.muli %add3A_59, %mul3A_60 : i32
        %dma_start3A_62 = tpu.memref_slice %arg13[%mul3A_61] : memref<10000xi32, #tpu.memory_space<vmem>> -> memref<80xi32, #tpu.memory_space<vmem>>
        %dma_start3A_63 = arith.constant 0 : i32
        %dma_start3A_64 = arith.constant 0 : i32
        %dma_start3A_65 = tpu.memref_slice %arg3[%dma_start3A_63, %dma_start3A_64] : memref<10240x128xf32, #tpu.memory_space<hbm>> -> memref<10240x128xf32, #tpu.memory_space<hbm>>
        tpu.enqueue_indirect_dma source(%dma_start3A_65 : memref<10240x128xf32, #tpu.memory_space<hbm>>) target(%arg16 : memref<80x128xf32, #tpu.memory_space<vmem>>) offsets(%dma_start3A_62 : memref<80xi32, #tpu.memory_space<vmem>>) semaphore(%arg19 : memref<!tpu.dma_semaphore, #tpu.memory_space<semaphore_mem>>)
        %mul3A_66 = arith.constant 80 : i32
        %mul3A_67 = arith.muli %mul3A_58, %mul3A_66 : i32
        %dma_wait3A_68 = tpu.memref_slice %arg13[%mul3A_67] : memref<10000xi32, #tpu.memory_space<vmem>> -> memref<80xi32, #tpu.memory_space<vmem>>
        %dma_wait3A_69 = arith.constant 0 : i32
        %dma_wait3A_70 = arith.constant 0 : i32
        %dma_wait3A_71 = tpu.memref_slice %arg3[%dma_wait3A_69, %dma_wait3A_70] : memref<10240x128xf32, #tpu.memory_space<hbm>> -> memref<10240x128xf32, #tpu.memory_space<hbm>>
        tpu.wait_indirect_dma semaphore(%arg18 : memref<!tpu.dma_semaphore, #tpu.memory_space<semaphore_mem>>) src(%dma_wait3A_71 : memref<10240x128xf32, #tpu.memory_space<hbm>>) dst(%arg15 : memref<80x128xf32, #tpu.memory_space<vmem>>)
        %mul3A_72 = arith.constant 80 : i32
        %mul3A_73 = arith.muli %mul3A_58, %mul3A_72 : i32
        "tpu.region"() ({
          %run_scoped3A = tpu.sem_alloc : memref<!tpu.dma_semaphore, #tpu.memory_space<semaphore_mem>>
          %dma_start3A_94 = tpu.memref_slice %arg14[%mul3A_73] : memref<10000xi32, #tpu.memory_space<vmem>> -> memref<80xi32, #tpu.memory_space<vmem>>
          %dma_start3A_95 = arith.constant 0 : i32
          %dma_start3A_96 = arith.constant 0 : i32
          %dma_start3A_97 = tpu.memref_slice %arg17[%dma_start3A_95, %dma_start3A_96] : memref<10240x128xf32, #tpu.memory_space<vmem_shared>> -> memref<10240x128xf32, #tpu.memory_space<vmem_shared>>
          tpu.enqueue_indirect_dma source(%arg15 : memref<80x128xf32, #tpu.memory_space<vmem>>) target(%dma_start3A_97 : memref<10240x128xf32, #tpu.memory_space<vmem_shared>>) offsets(%dma_start3A_94 : memref<80xi32, #tpu.memory_space<vmem>>) semaphore(%run_scoped3A : memref<!tpu.dma_semaphore, #tpu.memory_space<semaphore_mem>>) {add = true}
          %dma_wait3A_98 = tpu.memref_slice %arg14[%mul3A_73] : memref<10000xi32, #tpu.memory_space<vmem>> -> memref<80xi32, #tpu.memory_space<vmem>>
          %dma_wait3A_99 = arith.constant 0 : i32
          %dma_wait3A_100 = arith.constant 0 : i32
          %dma_wait3A_101 = tpu.memref_slice %arg17[%dma_wait3A_99, %dma_wait3A_100] : memref<10240x128xf32, #tpu.memory_space<vmem_shared>> -> memref<10240x128xf32, #tpu.memory_space<vmem_shared>>
          tpu.wait_indirect_dma semaphore(%run_scoped3A : memref<!tpu.dma_semaphore, #tpu.memory_space<semaphore_mem>>) src(%arg15 : memref<80x128xf32, #tpu.memory_space<vmem>>) dst(%dma_wait3A_101 : memref<10240x128xf32, #tpu.memory_space<vmem_shared>>)
          tpu.yield
        }) : () -> ()
        %add3A_74 = arith.constant 2 : i32
        %add3A_75 = arith.addi %mul3A_58, %add3A_74 : i32
        %mul3A_76 = arith.constant 80 : i32
        %mul3A_77 = arith.muli %add3A_75, %mul3A_76 : i32
        %dma_start3A_78 = tpu.memref_slice %arg13[%mul3A_77] : memref<10000xi32, #tpu.memory_space<vmem>> -> memref<80xi32, #tpu.memory_space<vmem>>
        %dma_start3A_79 = arith.constant 0 : i32
        %dma_start3A_80 = arith.constant 0 : i32
        %dma_start3A_81 = tpu.memref_slice %arg3[%dma_start3A_79, %dma_start3A_80] : memref<10240x128xf32, #tpu.memory_space<hbm>> -> memref<10240x128xf32, #tpu.memory_space<hbm>>
        tpu.enqueue_indirect_dma source(%dma_start3A_81 : memref<10240x128xf32, #tpu.memory_space<hbm>>) target(%arg15 : memref<80x128xf32, #tpu.memory_space<vmem>>) offsets(%dma_start3A_78 : memref<80xi32, #tpu.memory_space<vmem>>) semaphore(%arg18 : memref<!tpu.dma_semaphore, #tpu.memory_space<semaphore_mem>>)
        %add3A_82 = arith.constant 1 : i32
        %add3A_83 = arith.addi %mul3A_58, %add3A_82 : i32
        %mul3A_84 = arith.constant 80 : i32
        %mul3A_85 = arith.muli %add3A_83, %mul3A_84 : i32
        %dma_wait3A_86 = tpu.memref_slice %arg13[%mul3A_85] : memref<10000xi32, #tpu.memory_space<vmem>> -> memref<80xi32, #tpu.memory_space<vmem>>
        %dma_wait3A_87 = arith.constant 0 : i32
        %dma_wait3A_88 = arith.constant 0 : i32
        %dma_wait3A_89 = tpu.memref_slice %arg3[%dma_wait3A_87, %dma_wait3A_88] : memref<10240x128xf32, #tpu.memory_space<hbm>> -> memref<10240x128xf32, #tpu.memory_space<hbm>>
        tpu.wait_indirect_dma semaphore(%arg19 : memref<!tpu.dma_semaphore, #tpu.memory_space<semaphore_mem>>) src(%dma_wait3A_89 : memref<10240x128xf32, #tpu.memory_space<hbm>>) dst(%arg16 : memref<80x128xf32, #tpu.memory_space<vmem>>)
        %add3A_90 = arith.constant 1 : i32
        %add3A_91 = arith.addi %mul3A_58, %add3A_90 : i32
        %mul3A_92 = arith.constant 80 : i32
        %mul3A_93 = arith.muli %add3A_91, %mul3A_92 : i32
        "tpu.region"() ({
          %run_scoped3A = tpu.sem_alloc : memref<!tpu.dma_semaphore, #tpu.memory_space<semaphore_mem>>
          %dma_start3A_94 = tpu.memref_slice %arg14[%mul3A_93] : memref<10000xi32, #tpu.memory_space<vmem>> -> memref<80xi32, #tpu.memory_space<vmem>>
          %dma_start3A_95 = arith.constant 0 : i32
          %dma_start3A_96 = arith.constant 0 : i32
          %dma_start3A_97 = tpu.memref_slice %arg17[%dma_start3A_95, %dma_start3A_96] : memref<10240x128xf32, #tpu.memory_space<vmem_shared>> -> memref<10240x128xf32, #tpu.memory_space<vmem_shared>>
          tpu.enqueue_indirect_dma source(%arg16 : memref<80x128xf32, #tpu.memory_space<vmem>>) target(%dma_start3A_97 : memref<10240x128xf32, #tpu.memory_space<vmem_shared>>) offsets(%dma_start3A_94 : memref<80xi32, #tpu.memory_space<vmem>>) semaphore(%run_scoped3A : memref<!tpu.dma_semaphore, #tpu.memory_space<semaphore_mem>>) {add = true}
          %dma_wait3A_98 = tpu.memref_slice %arg14[%mul3A_93] : memref<10000xi32, #tpu.memory_space<vmem>> -> memref<80xi32, #tpu.memory_space<vmem>>
          %dma_wait3A_99 = arith.constant 0 : i32
          %dma_wait3A_100 = arith.constant 0 : i32
          %dma_wait3A_101 = tpu.memref_slice %arg17[%dma_wait3A_99, %dma_wait3A_100] : memref<10240x128xf32, #tpu.memory_space<vmem_shared>> -> memref<10240x128xf32, #tpu.memory_space<vmem_shared>>
          tpu.wait_indirect_dma semaphore(%run_scoped3A : memref<!tpu.dma_semaphore, #tpu.memory_space<semaphore_mem>>) src(%arg16 : memref<80x128xf32, #tpu.memory_space<vmem>>) dst(%dma_wait3A_101 : memref<10240x128xf32, #tpu.memory_space<vmem_shared>>)
          tpu.yield
        }) : () -> ()
      }
      %scan3A_51 = arith.constant 62 : i32
      %dma_wait3A = arith.constant 9920 : i32
      %dma_wait3A_52 = tpu.memref_slice %arg13[%dma_wait3A] : memref<10000xi32, #tpu.memory_space<vmem>> -> memref<80xi32, #tpu.memory_space<vmem>>
      %dma_wait3A_53 = arith.constant 0 : i32
      %dma_wait3A_54 = arith.constant 0 : i32
      %dma_wait3A_55 = tpu.memref_slice %arg3[%dma_wait3A_53, %dma_wait3A_54] : memref<10240x128xf32, #tpu.memory_space<hbm>> -> memref<10240x128xf32, #tpu.memory_space<hbm>>
      tpu.wait_indirect_dma semaphore(%arg18 : memref<!tpu.dma_semaphore, #tpu.memory_space<semaphore_mem>>) src(%dma_wait3A_55 : memref<10240x128xf32, #tpu.memory_space<hbm>>) dst(%arg15 : memref<80x128xf32, #tpu.memory_space<vmem>>)
      "tpu.region"() ({
        %run_scoped3A = tpu.sem_alloc : memref<!tpu.dma_semaphore, #tpu.memory_space<semaphore_mem>>
        %dma_start3A_56 = arith.constant 9920 : i32
        %dma_start3A_57 = tpu.memref_slice %arg14[%dma_start3A_56] : memref<10000xi32, #tpu.memory_space<vmem>> -> memref<80xi32, #tpu.memory_space<vmem>>
        %dma_start3A_58 = arith.constant 0 : i32
        %dma_start3A_59 = arith.constant 0 : i32
        %dma_start3A_60 = tpu.memref_slice %arg17[%dma_start3A_58, %dma_start3A_59] : memref<10240x128xf32, #tpu.memory_space<vmem_shared>> -> memref<10240x128xf32, #tpu.memory_space<vmem_shared>>
        tpu.enqueue_indirect_dma source(%arg15 : memref<80x128xf32, #tpu.memory_space<vmem>>) target(%dma_start3A_60 : memref<10240x128xf32, #tpu.memory_space<vmem_shared>>) offsets(%dma_start3A_57 : memref<80xi32, #tpu.memory_space<vmem>>) semaphore(%run_scoped3A : memref<!tpu.dma_semaphore, #tpu.memory_space<semaphore_mem>>) {add = true}
        %dma_wait3A_61 = arith.constant 9920 : i32
        %dma_wait3A_62 = tpu.memref_slice %arg14[%dma_wait3A_61] : memref<10000xi32, #tpu.memory_space<vmem>> -> memref<80xi32, #tpu.memory_space<vmem>>
        %dma_wait3A_63 = arith.constant 0 : i32
        %dma_wait3A_64 = arith.constant 0 : i32
        %dma_wait3A_65 = tpu.memref_slice %arg17[%dma_wait3A_63, %dma_wait3A_64] : memref<10240x128xf32, #tpu.memory_space<vmem_shared>> -> memref<10240x128xf32, #tpu.memory_space<vmem_shared>>
        tpu.wait_indirect_dma semaphore(%run_scoped3A : memref<!tpu.dma_semaphore, #tpu.memory_space<semaphore_mem>>) src(%arg15 : memref<80x128xf32, #tpu.memory_space<vmem>>) dst(%dma_wait3A_65 : memref<10240x128xf32, #tpu.memory_space<vmem_shared>>)
        tpu.yield
      }) : () -> ()
    } else {
    }
    %barrier3A_10 = arith.constant 0 : index
    tpu.barrier barrier_id(%barrier3A_10)
    %eq3A_11 = arith.constant 0 : i32
    %eq3A_12 = arith.cmpi eq, %arg0, %eq3A_11 : i32
    %convert_element_type3A_13 = arith.extui %eq3A_12 : i1 to i32
    %cond3A_14 = arith.constant 0 : i32
    %cond3A_15 = arith.cmpi ne, %convert_element_type3A_13, %cond3A_14 : i32
    scf.if %cond3A_15 {
      "tpu.region"() ({
        %run_scoped3A = tpu.sem_alloc : memref<!tpu.dma_semaphore, #tpu.memory_space<semaphore_mem>>
        %dma_start3A = arith.constant 0 : i32
        %dma_start3A_43 = tpu.memref_slice %arg9[%mul3A_0, %dma_start3A] : memref<10240x128xf32, #tpu.memory_space<hbm>> -> memref<640x128xf32, #tpu.memory_space<hbm>>
        %dma_start3A_44 = arith.constant 0 : i32
        %dma_start3A_45 = tpu.memref_slice %arg17[%mul3A_0, %dma_start3A_44] : memref<10240x128xf32, #tpu.memory_space<vmem_shared>> -> memref<640x128xf32, #tpu.memory_space<vmem_shared>>
        tpu.enqueue_dma source(%dma_start3A_45 : memref<640x128xf32, #tpu.memory_space<vmem_shared>>) target(%dma_start3A_43 : memref<640x128xf32, #tpu.memory_space<hbm>>) target_semaphore(%run_scoped3A : memref<!tpu.dma_semaphore, #tpu.memory_space<semaphore_mem>>)
        %dma_wait3A = arith.constant 0 : i32
        %dma_wait3A_46 = tpu.memref_slice %arg9[%mul3A_0, %dma_wait3A] : memref<10240x128xf32, #tpu.memory_space<hbm>> -> memref<640x128xf32, #tpu.memory_space<hbm>>
        %dma_wait3A_47 = arith.constant 0 : i32
        %dma_wait3A_48 = tpu.memref_slice %arg17[%mul3A_0, %dma_wait3A_47] : memref<10240x128xf32, #tpu.memory_space<vmem_shared>> -> memref<640x128xf32, #tpu.memory_space<vmem_shared>>
        tpu.wait_dma2 semaphore(%run_scoped3A : memref<!tpu.dma_semaphore, #tpu.memory_space<semaphore_mem>>) src(%dma_wait3A_48 : memref<640x128xf32, #tpu.memory_space<vmem_shared>>) dst(%dma_wait3A_46 : memref<640x128xf32, #tpu.memory_space<hbm>>)
        tpu.yield
      }) : () -> ()
    } else {
    }
    %eq3A_16 = arith.constant 1 : i32
    %eq3A_17 = arith.cmpi eq, %arg0, %eq3A_16 : i32
    %convert_element_type3A_18 = arith.extui %eq3A_17 : i1 to i32
    %cond3A_19 = arith.constant 0 : i32
    %cond3A_20 = arith.cmpi ne, %convert_element_type3A_18, %cond3A_19 : i32
    scf.if %cond3A_20 {
      "tpu.region"() ({
        %run_scoped3A = tpu.sem_alloc : memref<!tpu.dma_semaphore, #tpu.memory_space<semaphore_mem>>
        %dma_start3A = arith.constant 0 : i32
        %dma_start3A_43 = tpu.memref_slice %arg10[%mul3A_0, %dma_start3A] : memref<10240x128xf32, #tpu.memory_space<hbm>> -> memref<640x128xf32, #tpu.memory_space<hbm>>
        %dma_start3A_44 = arith.constant 0 : i32
        %dma_start3A_45 = tpu.memref_slice %arg17[%mul3A_0, %dma_start3A_44] : memref<10240x128xf32, #tpu.memory_space<vmem_shared>> -> memref<640x128xf32, #tpu.memory_space<vmem_shared>>
        tpu.enqueue_dma source(%dma_start3A_45 : memref<640x128xf32, #tpu.memory_space<vmem_shared>>) target(%dma_start3A_43 : memref<640x128xf32, #tpu.memory_space<hbm>>) target_semaphore(%run_scoped3A : memref<!tpu.dma_semaphore, #tpu.memory_space<semaphore_mem>>)
        %dma_wait3A = arith.constant 0 : i32
        %dma_wait3A_46 = tpu.memref_slice %arg10[%mul3A_0, %dma_wait3A] : memref<10240x128xf32, #tpu.memory_space<hbm>> -> memref<640x128xf32, #tpu.memory_space<hbm>>
        %dma_wait3A_47 = arith.constant 0 : i32
        %dma_wait3A_48 = tpu.memref_slice %arg17[%mul3A_0, %dma_wait3A_47] : memref<10240x128xf32, #tpu.memory_space<vmem_shared>> -> memref<640x128xf32, #tpu.memory_space<vmem_shared>>
        tpu.wait_dma2 semaphore(%run_scoped3A : memref<!tpu.dma_semaphore, #tpu.memory_space<semaphore_mem>>) src(%dma_wait3A_48 : memref<640x128xf32, #tpu.memory_space<vmem_shared>>) dst(%dma_wait3A_46 : memref<640x128xf32, #tpu.memory_space<hbm>>)
        tpu.yield
      }) : () -> ()
    } else {
    }
    "tpu.region"() ({
      %run_scoped3A = tpu.sem_alloc : memref<!tpu.dma_semaphore, #tpu.memory_space<semaphore_mem>>
      %dma_start3A = arith.constant 0 : i32
      %dma_start3A_43 = tpu.memref_slice %arg17[%mul3A_0, %dma_start3A] : memref<10240x128xf32, #tpu.memory_space<vmem_shared>> -> memref<640x128xf32, #tpu.memory_space<vmem_shared>>
      tpu.enqueue_dma source(%arg8 : memref<640x128xf32, #tpu.memory_space<hbm>>) target(%dma_start3A_43 : memref<640x128xf32, #tpu.memory_space<vmem_shared>>) target_semaphore(%run_scoped3A : memref<!tpu.dma_semaphore, #tpu.memory_space<semaphore_mem>>)
      %dma_wait3A = arith.constant 0 : i32
      %dma_wait3A_44 = tpu.memref_slice %arg17[%mul3A_0, %dma_wait3A] : memref<10240x128xf32, #tpu.memory_space<vmem_shared>> -> memref<640x128xf32, #tpu.memory_space<vmem_shared>>
      tpu.wait_dma2 semaphore(%run_scoped3A : memref<!tpu.dma_semaphore, #tpu.memory_space<semaphore_mem>>) src(%arg8 : memref<640x128xf32, #tpu.memory_space<hbm>>) dst(%dma_wait3A_44 : memref<640x128xf32, #tpu.memory_space<vmem_shared>>)
      tpu.yield
    }) : () -> ()
    %barrier3A_21 = arith.constant 0 : index
    tpu.barrier barrier_id(%barrier3A_21)
    %eq3A_22 = arith.constant 0 : i32
    %eq3A_23 = arith.cmpi eq, %arg0, %eq3A_22 : i32
    %convert_element_type3A_24 = arith.extui %eq3A_23 : i1 to i32
    %cond3A_25 = arith.constant 0 : i32
    %cond3A_26 = arith.cmpi ne, %convert_element_type3A_24, %cond3A_25 : i32
    scf.if %cond3A_26 {
      %dma_start3A = arith.constant 0 : i32
      %dma_start3A_43 = tpu.memref_slice %arg13[%dma_start3A] : memref<10000xi32, #tpu.memory_space<vmem>> -> memref<80xi32, #tpu.memory_space<vmem>>
      %dma_start3A_44 = arith.constant 0 : i32
      %dma_start3A_45 = arith.constant 0 : i32
      %dma_start3A_46 = tpu.memref_slice %arg4[%dma_start3A_44, %dma_start3A_45] : memref<10240x128xf32, #tpu.memory_space<hbm>> -> memref<10240x128xf32, #tpu.memory_space<hbm>>
      tpu.enqueue_indirect_dma source(%dma_start3A_46 : memref<10240x128xf32, #tpu.memory_space<hbm>>) target(%arg15 : memref<80x128xf32, #tpu.memory_space<vmem>>) offsets(%dma_start3A_43 : memref<80xi32, #tpu.memory_space<vmem>>) semaphore(%arg18 : memref<!tpu.dma_semaphore, #tpu.memory_space<semaphore_mem>>)
      %scan3A = arith.constant 0 : i32
      %scan3A_47 = arith.constant 0 : i32
      %scan3A_48 = arith.constant 62 : i32
      %scan3A_49 = arith.addi %scan3A_47, %scan3A_48 : i32
      %scan3A_50 = arith.constant 1 : i32
      scf.for %scan3A_56 = %scan3A_47 to %scan3A_49 step %scan3A_50  : i32 {
        %mul3A_57 = arith.constant 2 : i32
        %mul3A_58 = arith.muli %mul3A_57, %scan3A_56 : i32
        %add3A = arith.constant 1 : i32
        %add3A_59 = arith.addi %mul3A_58, %add3A : i32
        %mul3A_60 = arith.constant 80 : i32
        %mul3A_61 = arith.muli %add3A_59, %mul3A_60 : i32
        %dma_start3A_62 = tpu.memref_slice %arg13[%mul3A_61] : memref<10000xi32, #tpu.memory_space<vmem>> -> memref<80xi32, #tpu.memory_space<vmem>>
        %dma_start3A_63 = arith.constant 0 : i32
        %dma_start3A_64 = arith.constant 0 : i32
        %dma_start3A_65 = tpu.memref_slice %arg4[%dma_start3A_63, %dma_start3A_64] : memref<10240x128xf32, #tpu.memory_space<hbm>> -> memref<10240x128xf32, #tpu.memory_space<hbm>>
        tpu.enqueue_indirect_dma source(%dma_start3A_65 : memref<10240x128xf32, #tpu.memory_space<hbm>>) target(%arg16 : memref<80x128xf32, #tpu.memory_space<vmem>>) offsets(%dma_start3A_62 : memref<80xi32, #tpu.memory_space<vmem>>) semaphore(%arg19 : memref<!tpu.dma_semaphore, #tpu.memory_space<semaphore_mem>>)
        %mul3A_66 = arith.constant 80 : i32
        %mul3A_67 = arith.muli %mul3A_58, %mul3A_66 : i32
        %dma_wait3A_68 = tpu.memref_slice %arg13[%mul3A_67] : memref<10000xi32, #tpu.memory_space<vmem>> -> memref<80xi32, #tpu.memory_space<vmem>>
        %dma_wait3A_69 = arith.constant 0 : i32
        %dma_wait3A_70 = arith.constant 0 : i32
        %dma_wait3A_71 = tpu.memref_slice %arg4[%dma_wait3A_69, %dma_wait3A_70] : memref<10240x128xf32, #tpu.memory_space<hbm>> -> memref<10240x128xf32, #tpu.memory_space<hbm>>
        tpu.wait_indirect_dma semaphore(%arg18 : memref<!tpu.dma_semaphore, #tpu.memory_space<semaphore_mem>>) src(%dma_wait3A_71 : memref<10240x128xf32, #tpu.memory_space<hbm>>) dst(%arg15 : memref<80x128xf32, #tpu.memory_space<vmem>>)
        %mul3A_72 = arith.constant 80 : i32
        %mul3A_73 = arith.muli %mul3A_58, %mul3A_72 : i32
        "tpu.region"() ({
          %run_scoped3A = tpu.sem_alloc : memref<!tpu.dma_semaphore, #tpu.memory_space<semaphore_mem>>
          %dma_start3A_94 = tpu.memref_slice %arg14[%mul3A_73] : memref<10000xi32, #tpu.memory_space<vmem>> -> memref<80xi32, #tpu.memory_space<vmem>>
          %dma_start3A_95 = arith.constant 0 : i32
          %dma_start3A_96 = arith.constant 0 : i32
          %dma_start3A_97 = tpu.memref_slice %arg17[%dma_start3A_95, %dma_start3A_96] : memref<10240x128xf32, #tpu.memory_space<vmem_shared>> -> memref<10240x128xf32, #tpu.memory_space<vmem_shared>>
          tpu.enqueue_indirect_dma source(%arg15 : memref<80x128xf32, #tpu.memory_space<vmem>>) target(%dma_start3A_97 : memref<10240x128xf32, #tpu.memory_space<vmem_shared>>) offsets(%dma_start3A_94 : memref<80xi32, #tpu.memory_space<vmem>>) semaphore(%run_scoped3A : memref<!tpu.dma_semaphore, #tpu.memory_space<semaphore_mem>>) {add = true}
          %dma_wait3A_98 = tpu.memref_slice %arg14[%mul3A_73] : memref<10000xi32, #tpu.memory_space<vmem>> -> memref<80xi32, #tpu.memory_space<vmem>>
          %dma_wait3A_99 = arith.constant 0 : i32
          %dma_wait3A_100 = arith.constant 0 : i32
          %dma_wait3A_101 = tpu.memref_slice %arg17[%dma_wait3A_99, %dma_wait3A_100] : memref<10240x128xf32, #tpu.memory_space<vmem_shared>> -> memref<10240x128xf32, #tpu.memory_space<vmem_shared>>
          tpu.wait_indirect_dma semaphore(%run_scoped3A : memref<!tpu.dma_semaphore, #tpu.memory_space<semaphore_mem>>) src(%arg15 : memref<80x128xf32, #tpu.memory_space<vmem>>) dst(%dma_wait3A_101 : memref<10240x128xf32, #tpu.memory_space<vmem_shared>>)
          tpu.yield
        }) : () -> ()
        %add3A_74 = arith.constant 2 : i32
        %add3A_75 = arith.addi %mul3A_58, %add3A_74 : i32
        %mul3A_76 = arith.constant 80 : i32
        %mul3A_77 = arith.muli %add3A_75, %mul3A_76 : i32
        %dma_start3A_78 = tpu.memref_slice %arg13[%mul3A_77] : memref<10000xi32, #tpu.memory_space<vmem>> -> memref<80xi32, #tpu.memory_space<vmem>>
        %dma_start3A_79 = arith.constant 0 : i32
        %dma_start3A_80 = arith.constant 0 : i32
        %dma_start3A_81 = tpu.memref_slice %arg4[%dma_start3A_79, %dma_start3A_80] : memref<10240x128xf32, #tpu.memory_space<hbm>> -> memref<10240x128xf32, #tpu.memory_space<hbm>>
        tpu.enqueue_indirect_dma source(%dma_start3A_81 : memref<10240x128xf32, #tpu.memory_space<hbm>>) target(%arg15 : memref<80x128xf32, #tpu.memory_space<vmem>>) offsets(%dma_start3A_78 : memref<80xi32, #tpu.memory_space<vmem>>) semaphore(%arg18 : memref<!tpu.dma_semaphore, #tpu.memory_space<semaphore_mem>>)
        %add3A_82 = arith.constant 1 : i32
        %add3A_83 = arith.addi %mul3A_58, %add3A_82 : i32
        %mul3A_84 = arith.constant 80 : i32
        %mul3A_85 = arith.muli %add3A_83, %mul3A_84 : i32
        %dma_wait3A_86 = tpu.memref_slice %arg13[%mul3A_85] : memref<10000xi32, #tpu.memory_space<vmem>> -> memref<80xi32, #tpu.memory_space<vmem>>
        %dma_wait3A_87 = arith.constant 0 : i32
        %dma_wait3A_88 = arith.constant 0 : i32
        %dma_wait3A_89 = tpu.memref_slice %arg4[%dma_wait3A_87, %dma_wait3A_88] : memref<10240x128xf32, #tpu.memory_space<hbm>> -> memref<10240x128xf32, #tpu.memory_space<hbm>>
        tpu.wait_indirect_dma semaphore(%arg19 : memref<!tpu.dma_semaphore, #tpu.memory_space<semaphore_mem>>) src(%dma_wait3A_89 : memref<10240x128xf32, #tpu.memory_space<hbm>>) dst(%arg16 : memref<80x128xf32, #tpu.memory_space<vmem>>)
        %add3A_90 = arith.constant 1 : i32
        %add3A_91 = arith.addi %mul3A_58, %add3A_90 : i32
        %mul3A_92 = arith.constant 80 : i32
        %mul3A_93 = arith.muli %add3A_91, %mul3A_92 : i32
        "tpu.region"() ({
          %run_scoped3A = tpu.sem_alloc : memref<!tpu.dma_semaphore, #tpu.memory_space<semaphore_mem>>
          %dma_start3A_94 = tpu.memref_slice %arg14[%mul3A_93] : memref<10000xi32, #tpu.memory_space<vmem>> -> memref<80xi32, #tpu.memory_space<vmem>>
          %dma_start3A_95 = arith.constant 0 : i32
          %dma_start3A_96 = arith.constant 0 : i32
          %dma_start3A_97 = tpu.memref_slice %arg17[%dma_start3A_95, %dma_start3A_96] : memref<10240x128xf32, #tpu.memory_space<vmem_shared>> -> memref<10240x128xf32, #tpu.memory_space<vmem_shared>>
          tpu.enqueue_indirect_dma source(%arg16 : memref<80x128xf32, #tpu.memory_space<vmem>>) target(%dma_start3A_97 : memref<10240x128xf32, #tpu.memory_space<vmem_shared>>) offsets(%dma_start3A_94 : memref<80xi32, #tpu.memory_space<vmem>>) semaphore(%run_scoped3A : memref<!tpu.dma_semaphore, #tpu.memory_space<semaphore_mem>>) {add = true}
          %dma_wait3A_98 = tpu.memref_slice %arg14[%mul3A_93] : memref<10000xi32, #tpu.memory_space<vmem>> -> memref<80xi32, #tpu.memory_space<vmem>>
          %dma_wait3A_99 = arith.constant 0 : i32
          %dma_wait3A_100 = arith.constant 0 : i32
          %dma_wait3A_101 = tpu.memref_slice %arg17[%dma_wait3A_99, %dma_wait3A_100] : memref<10240x128xf32, #tpu.memory_space<vmem_shared>> -> memref<10240x128xf32, #tpu.memory_space<vmem_shared>>
          tpu.wait_indirect_dma semaphore(%run_scoped3A : memref<!tpu.dma_semaphore, #tpu.memory_space<semaphore_mem>>) src(%arg16 : memref<80x128xf32, #tpu.memory_space<vmem>>) dst(%dma_wait3A_101 : memref<10240x128xf32, #tpu.memory_space<vmem_shared>>)
          tpu.yield
        }) : () -> ()
      }
      %scan3A_51 = arith.constant 62 : i32
      %dma_wait3A = arith.constant 9920 : i32
      %dma_wait3A_52 = tpu.memref_slice %arg13[%dma_wait3A] : memref<10000xi32, #tpu.memory_space<vmem>> -> memref<80xi32, #tpu.memory_space<vmem>>
      %dma_wait3A_53 = arith.constant 0 : i32
      %dma_wait3A_54 = arith.constant 0 : i32
      %dma_wait3A_55 = tpu.memref_slice %arg4[%dma_wait3A_53, %dma_wait3A_54] : memref<10240x128xf32, #tpu.memory_space<hbm>> -> memref<10240x128xf32, #tpu.memory_space<hbm>>
      tpu.wait_indirect_dma semaphore(%arg18 : memref<!tpu.dma_semaphore, #tpu.memory_space<semaphore_mem>>) src(%dma_wait3A_55 : memref<10240x128xf32, #tpu.memory_space<hbm>>) dst(%arg15 : memref<80x128xf32, #tpu.memory_space<vmem>>)
      "tpu.region"() ({
        %run_scoped3A = tpu.sem_alloc : memref<!tpu.dma_semaphore, #tpu.memory_space<semaphore_mem>>
        %dma_start3A_56 = arith.constant 9920 : i32
        %dma_start3A_57 = tpu.memref_slice %arg14[%dma_start3A_56] : memref<10000xi32, #tpu.memory_space<vmem>> -> memref<80xi32, #tpu.memory_space<vmem>>
        %dma_start3A_58 = arith.constant 0 : i32
        %dma_start3A_59 = arith.constant 0 : i32
        %dma_start3A_60 = tpu.memref_slice %arg17[%dma_start3A_58, %dma_start3A_59] : memref<10240x128xf32, #tpu.memory_space<vmem_shared>> -> memref<10240x128xf32, #tpu.memory_space<vmem_shared>>
        tpu.enqueue_indirect_dma source(%arg15 : memref<80x128xf32, #tpu.memory_space<vmem>>) target(%dma_start3A_60 : memref<10240x128xf32, #tpu.memory_space<vmem_shared>>) offsets(%dma_start3A_57 : memref<80xi32, #tpu.memory_space<vmem>>) semaphore(%run_scoped3A : memref<!tpu.dma_semaphore, #tpu.memory_space<semaphore_mem>>) {add = true}
        %dma_wait3A_61 = arith.constant 9920 : i32
        %dma_wait3A_62 = tpu.memref_slice %arg14[%dma_wait3A_61] : memref<10000xi32, #tpu.memory_space<vmem>> -> memref<80xi32, #tpu.memory_space<vmem>>
        %dma_wait3A_63 = arith.constant 0 : i32
        %dma_wait3A_64 = arith.constant 0 : i32
        %dma_wait3A_65 = tpu.memref_slice %arg17[%dma_wait3A_63, %dma_wait3A_64] : memref<10240x128xf32, #tpu.memory_space<vmem_shared>> -> memref<10240x128xf32, #tpu.memory_space<vmem_shared>>
        tpu.wait_indirect_dma semaphore(%run_scoped3A : memref<!tpu.dma_semaphore, #tpu.memory_space<semaphore_mem>>) src(%arg15 : memref<80x128xf32, #tpu.memory_space<vmem>>) dst(%dma_wait3A_65 : memref<10240x128xf32, #tpu.memory_space<vmem_shared>>)
        tpu.yield
      }) : () -> ()
    } else {
    }
    %eq3A_27 = arith.constant 1 : i32
    %eq3A_28 = arith.cmpi eq, %arg0, %eq3A_27 : i32
    %convert_element_type3A_29 = arith.extui %eq3A_28 : i1 to i32
    %cond3A_30 = arith.constant 0 : i32
    %cond3A_31 = arith.cmpi ne, %convert_element_type3A_29, %cond3A_30 : i32
    scf.if %cond3A_31 {
      %dma_start3A = arith.constant 0 : i32
      %dma_start3A_43 = tpu.memref_slice %arg13[%dma_start3A] : memref<10000xi32, #tpu.memory_space<vmem>> -> memref<80xi32, #tpu.memory_space<vmem>>
      %dma_start3A_44 = arith.constant 0 : i32
      %dma_start3A_45 = arith.constant 0 : i32
      %dma_start3A_46 = tpu.memref_slice %arg5[%dma_start3A_44, %dma_start3A_45] : memref<10240x128xf32, #tpu.memory_space<hbm>> -> memref<10240x128xf32, #tpu.memory_space<hbm>>
      tpu.enqueue_indirect_dma source(%dma_start3A_46 : memref<10240x128xf32, #tpu.memory_space<hbm>>) target(%arg15 : memref<80x128xf32, #tpu.memory_space<vmem>>) offsets(%dma_start3A_43 : memref<80xi32, #tpu.memory_space<vmem>>) semaphore(%arg18 : memref<!tpu.dma_semaphore, #tpu.memory_space<semaphore_mem>>)
      %scan3A = arith.constant 0 : i32
      %scan3A_47 = arith.constant 0 : i32
      %scan3A_48 = arith.constant 62 : i32
      %scan3A_49 = arith.addi %scan3A_47, %scan3A_48 : i32
      %scan3A_50 = arith.constant 1 : i32
      scf.for %scan3A_56 = %scan3A_47 to %scan3A_49 step %scan3A_50  : i32 {
        %mul3A_57 = arith.constant 2 : i32
        %mul3A_58 = arith.muli %mul3A_57, %scan3A_56 : i32
        %add3A = arith.constant 1 : i32
        %add3A_59 = arith.addi %mul3A_58, %add3A : i32
        %mul3A_60 = arith.constant 80 : i32
        %mul3A_61 = arith.muli %add3A_59, %mul3A_60 : i32
        %dma_start3A_62 = tpu.memref_slice %arg13[%mul3A_61] : memref<10000xi32, #tpu.memory_space<vmem>> -> memref<80xi32, #tpu.memory_space<vmem>>
        %dma_start3A_63 = arith.constant 0 : i32
        %dma_start3A_64 = arith.constant 0 : i32
        %dma_start3A_65 = tpu.memref_slice %arg5[%dma_start3A_63, %dma_start3A_64] : memref<10240x128xf32, #tpu.memory_space<hbm>> -> memref<10240x128xf32, #tpu.memory_space<hbm>>
        tpu.enqueue_indirect_dma source(%dma_start3A_65 : memref<10240x128xf32, #tpu.memory_space<hbm>>) target(%arg16 : memref<80x128xf32, #tpu.memory_space<vmem>>) offsets(%dma_start3A_62 : memref<80xi32, #tpu.memory_space<vmem>>) semaphore(%arg19 : memref<!tpu.dma_semaphore, #tpu.memory_space<semaphore_mem>>)
        %mul3A_66 = arith.constant 80 : i32
        %mul3A_67 = arith.muli %mul3A_58, %mul3A_66 : i32
        %dma_wait3A_68 = tpu.memref_slice %arg13[%mul3A_67] : memref<10000xi32, #tpu.memory_space<vmem>> -> memref<80xi32, #tpu.memory_space<vmem>>
        %dma_wait3A_69 = arith.constant 0 : i32
        %dma_wait3A_70 = arith.constant 0 : i32
        %dma_wait3A_71 = tpu.memref_slice %arg5[%dma_wait3A_69, %dma_wait3A_70] : memref<10240x128xf32, #tpu.memory_space<hbm>> -> memref<10240x128xf32, #tpu.memory_space<hbm>>
        tpu.wait_indirect_dma semaphore(%arg18 : memref<!tpu.dma_semaphore, #tpu.memory_space<semaphore_mem>>) src(%dma_wait3A_71 : memref<10240x128xf32, #tpu.memory_space<hbm>>) dst(%arg15 : memref<80x128xf32, #tpu.memory_space<vmem>>)
        %mul3A_72 = arith.constant 80 : i32
        %mul3A_73 = arith.muli %mul3A_58, %mul3A_72 : i32
        "tpu.region"() ({
          %run_scoped3A = tpu.sem_alloc : memref<!tpu.dma_semaphore, #tpu.memory_space<semaphore_mem>>
          %dma_start3A_94 = tpu.memref_slice %arg14[%mul3A_73] : memref<10000xi32, #tpu.memory_space<vmem>> -> memref<80xi32, #tpu.memory_space<vmem>>
          %dma_start3A_95 = arith.constant 0 : i32
          %dma_start3A_96 = arith.constant 0 : i32
          %dma_start3A_97 = tpu.memref_slice %arg17[%dma_start3A_95, %dma_start3A_96] : memref<10240x128xf32, #tpu.memory_space<vmem_shared>> -> memref<10240x128xf32, #tpu.memory_space<vmem_shared>>
          tpu.enqueue_indirect_dma source(%arg15 : memref<80x128xf32, #tpu.memory_space<vmem>>) target(%dma_start3A_97 : memref<10240x128xf32, #tpu.memory_space<vmem_shared>>) offsets(%dma_start3A_94 : memref<80xi32, #tpu.memory_space<vmem>>) semaphore(%run_scoped3A : memref<!tpu.dma_semaphore, #tpu.memory_space<semaphore_mem>>) {add = true}
          %dma_wait3A_98 = tpu.memref_slice %arg14[%mul3A_73] : memref<10000xi32, #tpu.memory_space<vmem>> -> memref<80xi32, #tpu.memory_space<vmem>>
          %dma_wait3A_99 = arith.constant 0 : i32
          %dma_wait3A_100 = arith.constant 0 : i32
          %dma_wait3A_101 = tpu.memref_slice %arg17[%dma_wait3A_99, %dma_wait3A_100] : memref<10240x128xf32, #tpu.memory_space<vmem_shared>> -> memref<10240x128xf32, #tpu.memory_space<vmem_shared>>
          tpu.wait_indirect_dma semaphore(%run_scoped3A : memref<!tpu.dma_semaphore, #tpu.memory_space<semaphore_mem>>) src(%arg15 : memref<80x128xf32, #tpu.memory_space<vmem>>) dst(%dma_wait3A_101 : memref<10240x128xf32, #tpu.memory_space<vmem_shared>>)
          tpu.yield
        }) : () -> ()
        %add3A_74 = arith.constant 2 : i32
        %add3A_75 = arith.addi %mul3A_58, %add3A_74 : i32
        %mul3A_76 = arith.constant 80 : i32
        %mul3A_77 = arith.muli %add3A_75, %mul3A_76 : i32
        %dma_start3A_78 = tpu.memref_slice %arg13[%mul3A_77] : memref<10000xi32, #tpu.memory_space<vmem>> -> memref<80xi32, #tpu.memory_space<vmem>>
        %dma_start3A_79 = arith.constant 0 : i32
        %dma_start3A_80 = arith.constant 0 : i32
        %dma_start3A_81 = tpu.memref_slice %arg5[%dma_start3A_79, %dma_start3A_80] : memref<10240x128xf32, #tpu.memory_space<hbm>> -> memref<10240x128xf32, #tpu.memory_space<hbm>>
        tpu.enqueue_indirect_dma source(%dma_start3A_81 : memref<10240x128xf32, #tpu.memory_space<hbm>>) target(%arg15 : memref<80x128xf32, #tpu.memory_space<vmem>>) offsets(%dma_start3A_78 : memref<80xi32, #tpu.memory_space<vmem>>) semaphore(%arg18 : memref<!tpu.dma_semaphore, #tpu.memory_space<semaphore_mem>>)
        %add3A_82 = arith.constant 1 : i32
        %add3A_83 = arith.addi %mul3A_58, %add3A_82 : i32
        %mul3A_84 = arith.constant 80 : i32
        %mul3A_85 = arith.muli %add3A_83, %mul3A_84 : i32
        %dma_wait3A_86 = tpu.memref_slice %arg13[%mul3A_85] : memref<10000xi32, #tpu.memory_space<vmem>> -> memref<80xi32, #tpu.memory_space<vmem>>
        %dma_wait3A_87 = arith.constant 0 : i32
        %dma_wait3A_88 = arith.constant 0 : i32
        %dma_wait3A_89 = tpu.memref_slice %arg5[%dma_wait3A_87, %dma_wait3A_88] : memref<10240x128xf32, #tpu.memory_space<hbm>> -> memref<10240x128xf32, #tpu.memory_space<hbm>>
        tpu.wait_indirect_dma semaphore(%arg19 : memref<!tpu.dma_semaphore, #tpu.memory_space<semaphore_mem>>) src(%dma_wait3A_89 : memref<10240x128xf32, #tpu.memory_space<hbm>>) dst(%arg16 : memref<80x128xf32, #tpu.memory_space<vmem>>)
        %add3A_90 = arith.constant 1 : i32
        %add3A_91 = arith.addi %mul3A_58, %add3A_90 : i32
        %mul3A_92 = arith.constant 80 : i32
        %mul3A_93 = arith.muli %add3A_91, %mul3A_92 : i32
        "tpu.region"() ({
          %run_scoped3A = tpu.sem_alloc : memref<!tpu.dma_semaphore, #tpu.memory_space<semaphore_mem>>
          %dma_start3A_94 = tpu.memref_slice %arg14[%mul3A_93] : memref<10000xi32, #tpu.memory_space<vmem>> -> memref<80xi32, #tpu.memory_space<vmem>>
          %dma_start3A_95 = arith.constant 0 : i32
          %dma_start3A_96 = arith.constant 0 : i32
          %dma_start3A_97 = tpu.memref_slice %arg17[%dma_start3A_95, %dma_start3A_96] : memref<10240x128xf32, #tpu.memory_space<vmem_shared>> -> memref<10240x128xf32, #tpu.memory_space<vmem_shared>>
          tpu.enqueue_indirect_dma source(%arg16 : memref<80x128xf32, #tpu.memory_space<vmem>>) target(%dma_start3A_97 : memref<10240x128xf32, #tpu.memory_space<vmem_shared>>) offsets(%dma_start3A_94 : memref<80xi32, #tpu.memory_space<vmem>>) semaphore(%run_scoped3A : memref<!tpu.dma_semaphore, #tpu.memory_space<semaphore_mem>>) {add = true}
          %dma_wait3A_98 = tpu.memref_slice %arg14[%mul3A_93] : memref<10000xi32, #tpu.memory_space<vmem>> -> memref<80xi32, #tpu.memory_space<vmem>>
          %dma_wait3A_99 = arith.constant 0 : i32
          %dma_wait3A_100 = arith.constant 0 : i32
          %dma_wait3A_101 = tpu.memref_slice %arg17[%dma_wait3A_99, %dma_wait3A_100] : memref<10240x128xf32, #tpu.memory_space<vmem_shared>> -> memref<10240x128xf32, #tpu.memory_space<vmem_shared>>
          tpu.wait_indirect_dma semaphore(%run_scoped3A : memref<!tpu.dma_semaphore, #tpu.memory_space<semaphore_mem>>) src(%arg16 : memref<80x128xf32, #tpu.memory_space<vmem>>) dst(%dma_wait3A_101 : memref<10240x128xf32, #tpu.memory_space<vmem_shared>>)
          tpu.yield
        }) : () -> ()
      }
      %scan3A_51 = arith.constant 62 : i32
      %dma_wait3A = arith.constant 9920 : i32
      %dma_wait3A_52 = tpu.memref_slice %arg13[%dma_wait3A] : memref<10000xi32, #tpu.memory_space<vmem>> -> memref<80xi32, #tpu.memory_space<vmem>>
      %dma_wait3A_53 = arith.constant 0 : i32
      %dma_wait3A_54 = arith.constant 0 : i32
      %dma_wait3A_55 = tpu.memref_slice %arg5[%dma_wait3A_53, %dma_wait3A_54] : memref<10240x128xf32, #tpu.memory_space<hbm>> -> memref<10240x128xf32, #tpu.memory_space<hbm>>
      tpu.wait_indirect_dma semaphore(%arg18 : memref<!tpu.dma_semaphore, #tpu.memory_space<semaphore_mem>>) src(%dma_wait3A_55 : memref<10240x128xf32, #tpu.memory_space<hbm>>) dst(%arg15 : memref<80x128xf32, #tpu.memory_space<vmem>>)
      "tpu.region"() ({
        %run_scoped3A = tpu.sem_alloc : memref<!tpu.dma_semaphore, #tpu.memory_space<semaphore_mem>>
        %dma_start3A_56 = arith.constant 9920 : i32
        %dma_start3A_57 = tpu.memref_slice %arg14[%dma_start3A_56] : memref<10000xi32, #tpu.memory_space<vmem>> -> memref<80xi32, #tpu.memory_space<vmem>>
        %dma_start3A_58 = arith.constant 0 : i32
        %dma_start3A_59 = arith.constant 0 : i32
        %dma_start3A_60 = tpu.memref_slice %arg17[%dma_start3A_58, %dma_start3A_59] : memref<10240x128xf32, #tpu.memory_space<vmem_shared>> -> memref<10240x128xf32, #tpu.memory_space<vmem_shared>>
        tpu.enqueue_indirect_dma source(%arg15 : memref<80x128xf32, #tpu.memory_space<vmem>>) target(%dma_start3A_60 : memref<10240x128xf32, #tpu.memory_space<vmem_shared>>) offsets(%dma_start3A_57 : memref<80xi32, #tpu.memory_space<vmem>>) semaphore(%run_scoped3A : memref<!tpu.dma_semaphore, #tpu.memory_space<semaphore_mem>>) {add = true}
        %dma_wait3A_61 = arith.constant 9920 : i32
        %dma_wait3A_62 = tpu.memref_slice %arg14[%dma_wait3A_61] : memref<10000xi32, #tpu.memory_space<vmem>> -> memref<80xi32, #tpu.memory_space<vmem>>
        %dma_wait3A_63 = arith.constant 0 : i32
        %dma_wait3A_64 = arith.constant 0 : i32
        %dma_wait3A_65 = tpu.memref_slice %arg17[%dma_wait3A_63, %dma_wait3A_64] : memref<10240x128xf32, #tpu.memory_space<vmem_shared>> -> memref<10240x128xf32, #tpu.memory_space<vmem_shared>>
        tpu.wait_indirect_dma semaphore(%run_scoped3A : memref<!tpu.dma_semaphore, #tpu.memory_space<semaphore_mem>>) src(%arg15 : memref<80x128xf32, #tpu.memory_space<vmem>>) dst(%dma_wait3A_65 : memref<10240x128xf32, #tpu.memory_space<vmem_shared>>)
        tpu.yield
      }) : () -> ()
    } else {
    }
    %barrier3A_32 = arith.constant 0 : index
    tpu.barrier barrier_id(%barrier3A_32)
    %eq3A_33 = arith.constant 0 : i32
    %eq3A_34 = arith.cmpi eq, %arg0, %eq3A_33 : i32
    %convert_element_type3A_35 = arith.extui %eq3A_34 : i1 to i32
    %cond3A_36 = arith.constant 0 : i32
    %cond3A_37 = arith.cmpi ne, %convert_element_type3A_35, %cond3A_36 : i32
    scf.if %cond3A_37 {
      "tpu.region"() ({
        %run_scoped3A = tpu.sem_alloc : memref<!tpu.dma_semaphore, #tpu.memory_space<semaphore_mem>>
        %dma_start3A = arith.constant 0 : i32
        %dma_start3A_43 = tpu.memref_slice %arg11[%mul3A_0, %dma_start3A] : memref<10240x128xf32, #tpu.memory_space<hbm>> -> memref<640x128xf32, #tpu.memory_space<hbm>>
        %dma_start3A_44 = arith.constant 0 : i32
        %dma_start3A_45 = tpu.memref_slice %arg17[%mul3A_0, %dma_start3A_44] : memref<10240x128xf32, #tpu.memory_space<vmem_shared>> -> memref<640x128xf32, #tpu.memory_space<vmem_shared>>
        tpu.enqueue_dma source(%dma_start3A_45 : memref<640x128xf32, #tpu.memory_space<vmem_shared>>) target(%dma_start3A_43 : memref<640x128xf32, #tpu.memory_space<hbm>>) target_semaphore(%run_scoped3A : memref<!tpu.dma_semaphore, #tpu.memory_space<semaphore_mem>>)
        %dma_wait3A = arith.constant 0 : i32
        %dma_wait3A_46 = tpu.memref_slice %arg11[%mul3A_0, %dma_wait3A] : memref<10240x128xf32, #tpu.memory_space<hbm>> -> memref<640x128xf32, #tpu.memory_space<hbm>>
        %dma_wait3A_47 = arith.constant 0 : i32
        %dma_wait3A_48 = tpu.memref_slice %arg17[%mul3A_0, %dma_wait3A_47] : memref<10240x128xf32, #tpu.memory_space<vmem_shared>> -> memref<640x128xf32, #tpu.memory_space<vmem_shared>>
        tpu.wait_dma2 semaphore(%run_scoped3A : memref<!tpu.dma_semaphore, #tpu.memory_space<semaphore_mem>>) src(%dma_wait3A_48 : memref<640x128xf32, #tpu.memory_space<vmem_shared>>) dst(%dma_wait3A_46 : memref<640x128xf32, #tpu.memory_space<hbm>>)
        tpu.yield
      }) : () -> ()
    } else {
    }
    %eq3A_38 = arith.constant 1 : i32
    %eq3A_39 = arith.cmpi eq, %arg0, %eq3A_38 : i32
    %convert_element_type3A_40 = arith.extui %eq3A_39 : i1 to i32
    %cond3A_41 = arith.constant 0 : i32
    %cond3A_42 = arith.cmpi ne, %convert_element_type3A_40, %cond3A_41 : i32
    scf.if %cond3A_42 {
      "tpu.region"() ({
        %run_scoped3A = tpu.sem_alloc : memref<!tpu.dma_semaphore, #tpu.memory_space<semaphore_mem>>
        %dma_start3A = arith.constant 0 : i32
        %dma_start3A_43 = tpu.memref_slice %arg12[%mul3A_0, %dma_start3A] : memref<10240x128xf32, #tpu.memory_space<hbm>> -> memref<640x128xf32, #tpu.memory_space<hbm>>
        %dma_start3A_44 = arith.constant 0 : i32
        %dma_start3A_45 = tpu.memref_slice %arg17[%mul3A_0, %dma_start3A_44] : memref<10240x128xf32, #tpu.memory_space<vmem_shared>> -> memref<640x128xf32, #tpu.memory_space<vmem_shared>>
        tpu.enqueue_dma source(%dma_start3A_45 : memref<640x128xf32, #tpu.memory_space<vmem_shared>>) target(%dma_start3A_43 : memref<640x128xf32, #tpu.memory_space<hbm>>) target_semaphore(%run_scoped3A : memref<!tpu.dma_semaphore, #tpu.memory_space<semaphore_mem>>)
        %dma_wait3A = arith.constant 0 : i32
        %dma_wait3A_46 = tpu.memref_slice %arg12[%mul3A_0, %dma_wait3A] : memref<10240x128xf32, #tpu.memory_space<hbm>> -> memref<640x128xf32, #tpu.memory_space<hbm>>
        %dma_wait3A_47 = arith.constant 0 : i32
        %dma_wait3A_48 = tpu.memref_slice %arg17[%mul3A_0, %dma_wait3A_47] : memref<10240x128xf32, #tpu.memory_space<vmem_shared>> -> memref<640x128xf32, #tpu.memory_space<vmem_shared>>
        tpu.wait_dma2 semaphore(%run_scoped3A : memref<!tpu.dma_semaphore, #tpu.memory_space<semaphore_mem>>) src(%dma_wait3A_48 : memref<640x128xf32, #tpu.memory_space<vmem_shared>>) dst(%dma_wait3A_46 : memref<640x128xf32, #tpu.memory_space<hbm>>)
        tpu.yield
      }) : () -> ()
    } else {
    }
    return
  }
}

#map = affine_map<(d0, d1) -> (0, 0)>
#map1 = affine_map<(d0, d1) -> (0)>
module attributes {stable_mosaic.version = 14 : i64} {
  func.func @body(%arg0: i32, %arg1: i32, %arg2: memref<10000x128xf32, #tpu.memory_space<hbm>>, %arg3: memref<10000x128xf32, #tpu.memory_space<hbm>>, %arg4: memref<160000xi32, #tpu.memory_space<hbm>>, %arg5: memref<160000xi32, #tpu.memory_space<hbm>>, %arg6: memref<640x128xf32, #tpu.memory_space<hbm>>, %arg7: memref<80x128xf32, #tpu.memory_space<hbm>>, %arg8: memref<10240x128xf32, #tpu.memory_space<hbm>>, %arg9: memref<10240x128xf32, #tpu.memory_space<hbm>>, %arg10: memref<10240x128xf32, #tpu.memory_space<hbm>>, %arg11: memref<10240x128xf32, #tpu.memory_space<hbm>>, %arg12: memref<10000xi32, #tpu.memory_space<vmem>>, %arg13: memref<10000xi32, #tpu.memory_space<vmem>>, %arg14: memref<80x128xf32, #tpu.memory_space<vmem>>, %arg15: memref<80x128xf32, #tpu.memory_space<vmem>>, %arg16: memref<10240x128xf32, #tpu.memory_space<vmem_shared>>, %arg17: memref<!tpu.dma_semaphore, #tpu.memory_space<semaphore_mem>>, %arg18: memref<!tpu.dma_semaphore, #tpu.memory_space<semaphore_mem>>) attributes {dimension_semantics = [#tpu.dimension_semantics<core_parallel>, #tpu.dimension_semantics<subcore_parallel>], iteration_bounds = array<i64: 2, 16>, scalar_prefetch = 0 : i64, scratch_operands = 7 : i64, tpu.core_type = #tpu.core_type<sc_vector_subcore>, window_params = [{transform_indices = #map}, {transform_indices = #map}, {transform_indices = #map1}, {transform_indices = #map1}, {transform_indices = #map}, {transform_indices = #map}, {transform_indices = #map}, {transform_indices = #map}, {transform_indices = #map}, {transform_indices = #map}]} {
    %mul3A = arith.constant 640 : i32
    %mul3A_0 = arith.muli %arg1, %mul3A : i32
    %mul3A_1 = arith.constant 10000 : i32
    %mul3A_2 = arith.muli %arg1, %mul3A_1 : i32
    "tpu.region"() ({
      %run_scoped3A = tpu.sem_alloc : memref<!tpu.dma_semaphore, #tpu.memory_space<semaphore_mem>>
      %dma_start3A = tpu.memref_slice %arg4[%mul3A_2] : memref<160000xi32, #tpu.memory_space<hbm>> -> memref<10000xi32, #tpu.memory_space<hbm>>
      %dma_start3A_43 = tpu.memref_slice %arg4[%mul3A_2] : memref<160000xi32, #tpu.memory_space<hbm>> -> memref<10000xi32, #tpu.memory_space<hbm>>
      tpu.enqueue_dma source(%dma_start3A_43 : memref<10000xi32, #tpu.memory_space<hbm>>) target(%arg12 : memref<10000xi32, #tpu.memory_space<vmem>>) target_semaphore(%run_scoped3A : memref<!tpu.dma_semaphore, #tpu.memory_space<semaphore_mem>>)
      %dma_wait3A = tpu.memref_slice %arg4[%mul3A_2] : memref<160000xi32, #tpu.memory_space<hbm>> -> memref<10000xi32, #tpu.memory_space<hbm>>
      %dma_wait3A_44 = tpu.memref_slice %arg4[%mul3A_2] : memref<160000xi32, #tpu.memory_space<hbm>> -> memref<10000xi32, #tpu.memory_space<hbm>>
      tpu.wait_dma2 semaphore(%run_scoped3A : memref<!tpu.dma_semaphore, #tpu.memory_space<semaphore_mem>>) src(%dma_wait3A_44 : memref<10000xi32, #tpu.memory_space<hbm>>) dst(%arg12 : memref<10000xi32, #tpu.memory_space<vmem>>)
      tpu.yield
    }) : () -> ()
    "tpu.region"() ({
      %run_scoped3A = tpu.sem_alloc : memref<!tpu.dma_semaphore, #tpu.memory_space<semaphore_mem>>
      %dma_start3A = tpu.memref_slice %arg5[%mul3A_2] : memref<160000xi32, #tpu.memory_space<hbm>> -> memref<10000xi32, #tpu.memory_space<hbm>>
      %dma_start3A_43 = tpu.memref_slice %arg5[%mul3A_2] : memref<160000xi32, #tpu.memory_space<hbm>> -> memref<10000xi32, #tpu.memory_space<hbm>>
      tpu.enqueue_dma source(%dma_start3A_43 : memref<10000xi32, #tpu.memory_space<hbm>>) target(%arg13 : memref<10000xi32, #tpu.memory_space<vmem>>) target_semaphore(%run_scoped3A : memref<!tpu.dma_semaphore, #tpu.memory_space<semaphore_mem>>)
      %dma_wait3A = tpu.memref_slice %arg5[%mul3A_2] : memref<160000xi32, #tpu.memory_space<hbm>> -> memref<10000xi32, #tpu.memory_space<hbm>>
      %dma_wait3A_44 = tpu.memref_slice %arg5[%mul3A_2] : memref<160000xi32, #tpu.memory_space<hbm>> -> memref<10000xi32, #tpu.memory_space<hbm>>
      tpu.wait_dma2 semaphore(%run_scoped3A : memref<!tpu.dma_semaphore, #tpu.memory_space<semaphore_mem>>) src(%dma_wait3A_44 : memref<10000xi32, #tpu.memory_space<hbm>>) dst(%arg13 : memref<10000xi32, #tpu.memory_space<vmem>>)
      tpu.yield
    }) : () -> ()
    "tpu.region"() ({
      %run_scoped3A = tpu.sem_alloc : memref<!tpu.dma_semaphore, #tpu.memory_space<semaphore_mem>>
      %dma_start3A = arith.constant 0 : i32
      %dma_start3A_43 = tpu.memref_slice %arg16[%mul3A_0, %dma_start3A] : memref<10240x128xf32, #tpu.memory_space<vmem_shared>> -> memref<640x128xf32, #tpu.memory_space<vmem_shared>>
      tpu.enqueue_dma source(%arg6 : memref<640x128xf32, #tpu.memory_space<hbm>>) target(%dma_start3A_43 : memref<640x128xf32, #tpu.memory_space<vmem_shared>>) target_semaphore(%run_scoped3A : memref<!tpu.dma_semaphore, #tpu.memory_space<semaphore_mem>>)
      %dma_wait3A = arith.constant 0 : i32
      %dma_wait3A_44 = tpu.memref_slice %arg16[%mul3A_0, %dma_wait3A] : memref<10240x128xf32, #tpu.memory_space<vmem_shared>> -> memref<640x128xf32, #tpu.memory_space<vmem_shared>>
      tpu.wait_dma2 semaphore(%run_scoped3A : memref<!tpu.dma_semaphore, #tpu.memory_space<semaphore_mem>>) src(%arg6 : memref<640x128xf32, #tpu.memory_space<hbm>>) dst(%dma_wait3A_44 : memref<640x128xf32, #tpu.memory_space<vmem_shared>>)
      tpu.yield
    }) : () -> ()
    %barrier3A = arith.constant 0 : index
    tpu.barrier barrier_id(%barrier3A)
    %eq3A = arith.constant 0 : i32
    %eq3A_3 = arith.cmpi eq, %arg0, %eq3A : i32
    %convert_element_type3A = arith.extui %eq3A_3 : i1 to i32
    %cond3A = arith.constant 0 : i32
    %cond3A_4 = arith.cmpi ne, %convert_element_type3A, %cond3A : i32
    scf.if %cond3A_4 {
      %dma_start3A = arith.constant 0 : i32
      %dma_start3A_43 = tpu.memref_slice %arg12[%dma_start3A] : memref<10000xi32, #tpu.memory_space<vmem>> -> memref<80xi32, #tpu.memory_space<vmem>>
      %dma_start3A_44 = arith.constant 0 : i32
      %dma_start3A_45 = arith.constant 0 : i32
      %dma_start3A_46 = tpu.memref_slice %arg2[%dma_start3A_44, %dma_start3A_45] : memref<10000x128xf32, #tpu.memory_space<hbm>> -> memref<10000x128xf32, #tpu.memory_space<hbm>>
      tpu.enqueue_indirect_dma source(%dma_start3A_46 : memref<10000x128xf32, #tpu.memory_space<hbm>>) target(%arg14 : memref<80x128xf32, #tpu.memory_space<vmem>>) offsets(%dma_start3A_43 : memref<80xi32, #tpu.memory_space<vmem>>) semaphore(%arg17 : memref<!tpu.dma_semaphore, #tpu.memory_space<semaphore_mem>>)
      %scan3A_47 = arith.constant 0 : i32
      %scan3A_48 = arith.constant 0 : i32
      %scan3A_49 = arith.constant 62 : i32
      %scan3A_50 = arith.addi %scan3A_48, %scan3A_49 : i32
      %scan3A_51 = arith.constant 1 : i32
      scf.for %scan3A_57 = %scan3A_48 to %scan3A_50 step %scan3A_51  : i32 {
        %mul3A_58 = arith.constant 2 : i32
        %mul3A_59 = arith.muli %mul3A_58, %scan3A_57 : i32
        %add3A = arith.constant 1 : i32
        %add3A_60 = arith.addi %mul3A_59, %add3A : i32
        %mul3A_61 = arith.constant 80 : i32
        %mul3A_62 = arith.muli %add3A_60, %mul3A_61 : i32
        %dma_start3A_63 = tpu.memref_slice %arg12[%mul3A_62] : memref<10000xi32, #tpu.memory_space<vmem>> -> memref<80xi32, #tpu.memory_space<vmem>>
        %dma_start3A_64 = arith.constant 0 : i32
        %dma_start3A_65 = arith.constant 0 : i32
        %dma_start3A_66 = tpu.memref_slice %arg2[%dma_start3A_64, %dma_start3A_65] : memref<10000x128xf32, #tpu.memory_space<hbm>> -> memref<10000x128xf32, #tpu.memory_space<hbm>>
        tpu.enqueue_indirect_dma source(%dma_start3A_66 : memref<10000x128xf32, #tpu.memory_space<hbm>>) target(%arg15 : memref<80x128xf32, #tpu.memory_space<vmem>>) offsets(%dma_start3A_63 : memref<80xi32, #tpu.memory_space<vmem>>) semaphore(%arg18 : memref<!tpu.dma_semaphore, #tpu.memory_space<semaphore_mem>>)
        %mul3A_67 = arith.constant 80 : i32
        %mul3A_68 = arith.muli %mul3A_59, %mul3A_67 : i32
        %dma_wait3A_69 = tpu.memref_slice %arg12[%mul3A_68] : memref<10000xi32, #tpu.memory_space<vmem>> -> memref<80xi32, #tpu.memory_space<vmem>>
        %dma_wait3A_70 = arith.constant 0 : i32
        %dma_wait3A_71 = arith.constant 0 : i32
        %dma_wait3A_72 = tpu.memref_slice %arg2[%dma_wait3A_70, %dma_wait3A_71] : memref<10000x128xf32, #tpu.memory_space<hbm>> -> memref<10000x128xf32, #tpu.memory_space<hbm>>
        tpu.wait_indirect_dma semaphore(%arg17 : memref<!tpu.dma_semaphore, #tpu.memory_space<semaphore_mem>>) src(%dma_wait3A_72 : memref<10000x128xf32, #tpu.memory_space<hbm>>) dst(%arg14 : memref<80x128xf32, #tpu.memory_space<vmem>>)
        %mul3A_73 = arith.constant 80 : i32
        %mul3A_74 = arith.muli %mul3A_59, %mul3A_73 : i32
        "tpu.region"() ({
          %run_scoped3A = tpu.sem_alloc : memref<!tpu.dma_semaphore, #tpu.memory_space<semaphore_mem>>
          %dma_start3A_95 = tpu.memref_slice %arg13[%mul3A_74] : memref<10000xi32, #tpu.memory_space<vmem>> -> memref<80xi32, #tpu.memory_space<vmem>>
          %dma_start3A_96 = arith.constant 0 : i32
          %dma_start3A_97 = arith.constant 0 : i32
          %dma_start3A_98 = tpu.memref_slice %arg16[%dma_start3A_96, %dma_start3A_97] : memref<10240x128xf32, #tpu.memory_space<vmem_shared>> -> memref<10240x128xf32, #tpu.memory_space<vmem_shared>>
          tpu.enqueue_indirect_dma source(%arg14 : memref<80x128xf32, #tpu.memory_space<vmem>>) target(%dma_start3A_98 : memref<10240x128xf32, #tpu.memory_space<vmem_shared>>) offsets(%dma_start3A_95 : memref<80xi32, #tpu.memory_space<vmem>>) semaphore(%run_scoped3A : memref<!tpu.dma_semaphore, #tpu.memory_space<semaphore_mem>>) {add = true}
          %dma_wait3A_99 = tpu.memref_slice %arg13[%mul3A_74] : memref<10000xi32, #tpu.memory_space<vmem>> -> memref<80xi32, #tpu.memory_space<vmem>>
          %dma_wait3A_100 = arith.constant 0 : i32
          %dma_wait3A_101 = arith.constant 0 : i32
          %dma_wait3A_102 = tpu.memref_slice %arg16[%dma_wait3A_100, %dma_wait3A_101] : memref<10240x128xf32, #tpu.memory_space<vmem_shared>> -> memref<10240x128xf32, #tpu.memory_space<vmem_shared>>
          tpu.wait_indirect_dma semaphore(%run_scoped3A : memref<!tpu.dma_semaphore, #tpu.memory_space<semaphore_mem>>) src(%arg14 : memref<80x128xf32, #tpu.memory_space<vmem>>) dst(%dma_wait3A_102 : memref<10240x128xf32, #tpu.memory_space<vmem_shared>>)
          tpu.yield
        }) : () -> ()
        %add3A_75 = arith.constant 2 : i32
        %add3A_76 = arith.addi %mul3A_59, %add3A_75 : i32
        %mul3A_77 = arith.constant 80 : i32
        %mul3A_78 = arith.muli %add3A_76, %mul3A_77 : i32
        %dma_start3A_79 = tpu.memref_slice %arg12[%mul3A_78] : memref<10000xi32, #tpu.memory_space<vmem>> -> memref<80xi32, #tpu.memory_space<vmem>>
        %dma_start3A_80 = arith.constant 0 : i32
        %dma_start3A_81 = arith.constant 0 : i32
        %dma_start3A_82 = tpu.memref_slice %arg2[%dma_start3A_80, %dma_start3A_81] : memref<10000x128xf32, #tpu.memory_space<hbm>> -> memref<10000x128xf32, #tpu.memory_space<hbm>>
        tpu.enqueue_indirect_dma source(%dma_start3A_82 : memref<10000x128xf32, #tpu.memory_space<hbm>>) target(%arg14 : memref<80x128xf32, #tpu.memory_space<vmem>>) offsets(%dma_start3A_79 : memref<80xi32, #tpu.memory_space<vmem>>) semaphore(%arg17 : memref<!tpu.dma_semaphore, #tpu.memory_space<semaphore_mem>>)
        %add3A_83 = arith.constant 1 : i32
        %add3A_84 = arith.addi %mul3A_59, %add3A_83 : i32
        %mul3A_85 = arith.constant 80 : i32
        %mul3A_86 = arith.muli %add3A_84, %mul3A_85 : i32
        %dma_wait3A_87 = tpu.memref_slice %arg12[%mul3A_86] : memref<10000xi32, #tpu.memory_space<vmem>> -> memref<80xi32, #tpu.memory_space<vmem>>
        %dma_wait3A_88 = arith.constant 0 : i32
        %dma_wait3A_89 = arith.constant 0 : i32
        %dma_wait3A_90 = tpu.memref_slice %arg2[%dma_wait3A_88, %dma_wait3A_89] : memref<10000x128xf32, #tpu.memory_space<hbm>> -> memref<10000x128xf32, #tpu.memory_space<hbm>>
        tpu.wait_indirect_dma semaphore(%arg18 : memref<!tpu.dma_semaphore, #tpu.memory_space<semaphore_mem>>) src(%dma_wait3A_90 : memref<10000x128xf32, #tpu.memory_space<hbm>>) dst(%arg15 : memref<80x128xf32, #tpu.memory_space<vmem>>)
        %add3A_91 = arith.constant 1 : i32
        %add3A_92 = arith.addi %mul3A_59, %add3A_91 : i32
        %mul3A_93 = arith.constant 80 : i32
        %mul3A_94 = arith.muli %add3A_92, %mul3A_93 : i32
        "tpu.region"() ({
          %run_scoped3A = tpu.sem_alloc : memref<!tpu.dma_semaphore, #tpu.memory_space<semaphore_mem>>
          %dma_start3A_95 = tpu.memref_slice %arg13[%mul3A_94] : memref<10000xi32, #tpu.memory_space<vmem>> -> memref<80xi32, #tpu.memory_space<vmem>>
          %dma_start3A_96 = arith.constant 0 : i32
          %dma_start3A_97 = arith.constant 0 : i32
          %dma_start3A_98 = tpu.memref_slice %arg16[%dma_start3A_96, %dma_start3A_97] : memref<10240x128xf32, #tpu.memory_space<vmem_shared>> -> memref<10240x128xf32, #tpu.memory_space<vmem_shared>>
          tpu.enqueue_indirect_dma source(%arg15 : memref<80x128xf32, #tpu.memory_space<vmem>>) target(%dma_start3A_98 : memref<10240x128xf32, #tpu.memory_space<vmem_shared>>) offsets(%dma_start3A_95 : memref<80xi32, #tpu.memory_space<vmem>>) semaphore(%run_scoped3A : memref<!tpu.dma_semaphore, #tpu.memory_space<semaphore_mem>>) {add = true}
          %dma_wait3A_99 = tpu.memref_slice %arg13[%mul3A_94] : memref<10000xi32, #tpu.memory_space<vmem>> -> memref<80xi32, #tpu.memory_space<vmem>>
          %dma_wait3A_100 = arith.constant 0 : i32
          %dma_wait3A_101 = arith.constant 0 : i32
          %dma_wait3A_102 = tpu.memref_slice %arg16[%dma_wait3A_100, %dma_wait3A_101] : memref<10240x128xf32, #tpu.memory_space<vmem_shared>> -> memref<10240x128xf32, #tpu.memory_space<vmem_shared>>
          tpu.wait_indirect_dma semaphore(%run_scoped3A : memref<!tpu.dma_semaphore, #tpu.memory_space<semaphore_mem>>) src(%arg15 : memref<80x128xf32, #tpu.memory_space<vmem>>) dst(%dma_wait3A_102 : memref<10240x128xf32, #tpu.memory_space<vmem_shared>>)
          tpu.yield
        }) : () -> ()
      }
      %scan3A_52 = arith.constant 62 : i32
      %dma_wait3A = arith.constant 9920 : i32
      %dma_wait3A_53 = tpu.memref_slice %arg12[%dma_wait3A] : memref<10000xi32, #tpu.memory_space<vmem>> -> memref<80xi32, #tpu.memory_space<vmem>>
      %dma_wait3A_54 = arith.constant 0 : i32
      %dma_wait3A_55 = arith.constant 0 : i32
      %dma_wait3A_56 = tpu.memref_slice %arg2[%dma_wait3A_54, %dma_wait3A_55] : memref<10000x128xf32, #tpu.memory_space<hbm>> -> memref<10000x128xf32, #tpu.memory_space<hbm>>
      tpu.wait_indirect_dma semaphore(%arg17 : memref<!tpu.dma_semaphore, #tpu.memory_space<semaphore_mem>>) src(%dma_wait3A_56 : memref<10000x128xf32, #tpu.memory_space<hbm>>) dst(%arg14 : memref<80x128xf32, #tpu.memory_space<vmem>>)
      "tpu.region"() ({
        %run_scoped3A = tpu.sem_alloc : memref<!tpu.dma_semaphore, #tpu.memory_space<semaphore_mem>>
        %dma_start3A_57 = arith.constant 9920 : i32
        %dma_start3A_58 = tpu.memref_slice %arg13[%dma_start3A_57] : memref<10000xi32, #tpu.memory_space<vmem>> -> memref<80xi32, #tpu.memory_space<vmem>>
        %dma_start3A_59 = arith.constant 0 : i32
        %dma_start3A_60 = arith.constant 0 : i32
        %dma_start3A_61 = tpu.memref_slice %arg16[%dma_start3A_59, %dma_start3A_60] : memref<10240x128xf32, #tpu.memory_space<vmem_shared>> -> memref<10240x128xf32, #tpu.memory_space<vmem_shared>>
        tpu.enqueue_indirect_dma source(%arg14 : memref<80x128xf32, #tpu.memory_space<vmem>>) target(%dma_start3A_61 : memref<10240x128xf32, #tpu.memory_space<vmem_shared>>) offsets(%dma_start3A_58 : memref<80xi32, #tpu.memory_space<vmem>>) semaphore(%run_scoped3A : memref<!tpu.dma_semaphore, #tpu.memory_space<semaphore_mem>>) {add = true}
        %dma_wait3A_62 = arith.constant 9920 : i32
        %dma_wait3A_63 = tpu.memref_slice %arg13[%dma_wait3A_62] : memref<10000xi32, #tpu.memory_space<vmem>> -> memref<80xi32, #tpu.memory_space<vmem>>
        %dma_wait3A_64 = arith.constant 0 : i32
        %dma_wait3A_65 = arith.constant 0 : i32
        %dma_wait3A_66 = tpu.memref_slice %arg16[%dma_wait3A_64, %dma_wait3A_65] : memref<10240x128xf32, #tpu.memory_space<vmem_shared>> -> memref<10240x128xf32, #tpu.memory_space<vmem_shared>>
        tpu.wait_indirect_dma semaphore(%run_scoped3A : memref<!tpu.dma_semaphore, #tpu.memory_space<semaphore_mem>>) src(%arg14 : memref<80x128xf32, #tpu.memory_space<vmem>>) dst(%dma_wait3A_66 : memref<10240x128xf32, #tpu.memory_space<vmem_shared>>)
        tpu.yield
      }) : () -> ()
    } else {
    }
    %eq3A_5 = arith.constant 1 : i32
    %eq3A_6 = arith.cmpi eq, %arg0, %eq3A_5 : i32
    %convert_element_type3A_7 = arith.extui %eq3A_6 : i1 to i32
    %cond3A_8 = arith.constant 0 : i32
    %cond3A_9 = arith.cmpi ne, %convert_element_type3A_7, %cond3A_8 : i32
    scf.if %cond3A_9 {
      %dma_start3A = arith.constant 0 : i32
      %dma_start3A_43 = tpu.memref_slice %arg12[%dma_start3A] : memref<10000xi32, #tpu.memory_space<vmem>> -> memref<80xi32, #tpu.memory_space<vmem>>
      %dma_start3A_44 = arith.constant 0 : i32
      %dma_start3A_45 = arith.constant 0 : i32
      %dma_start3A_46 = tpu.memref_slice %arg3[%dma_start3A_44, %dma_start3A_45] : memref<10000x128xf32, #tpu.memory_space<hbm>> -> memref<10000x128xf32, #tpu.memory_space<hbm>>
      tpu.enqueue_indirect_dma source(%dma_start3A_46 : memref<10000x128xf32, #tpu.memory_space<hbm>>) target(%arg14 : memref<80x128xf32, #tpu.memory_space<vmem>>) offsets(%dma_start3A_43 : memref<80xi32, #tpu.memory_space<vmem>>) semaphore(%arg17 : memref<!tpu.dma_semaphore, #tpu.memory_space<semaphore_mem>>)
      %scan3A_47 = arith.constant 0 : i32
      %scan3A_48 = arith.constant 0 : i32
      %scan3A_49 = arith.constant 62 : i32
      %scan3A_50 = arith.addi %scan3A_48, %scan3A_49 : i32
      %scan3A_51 = arith.constant 1 : i32
      scf.for %scan3A_57 = %scan3A_48 to %scan3A_50 step %scan3A_51  : i32 {
        %mul3A_58 = arith.constant 2 : i32
        %mul3A_59 = arith.muli %mul3A_58, %scan3A_57 : i32
        %add3A = arith.constant 1 : i32
        %add3A_60 = arith.addi %mul3A_59, %add3A : i32
        %mul3A_61 = arith.constant 80 : i32
        %mul3A_62 = arith.muli %add3A_60, %mul3A_61 : i32
        %dma_start3A_63 = tpu.memref_slice %arg12[%mul3A_62] : memref<10000xi32, #tpu.memory_space<vmem>> -> memref<80xi32, #tpu.memory_space<vmem>>
        %dma_start3A_64 = arith.constant 0 : i32
        %dma_start3A_65 = arith.constant 0 : i32
        %dma_start3A_66 = tpu.memref_slice %arg3[%dma_start3A_64, %dma_start3A_65] : memref<10000x128xf32, #tpu.memory_space<hbm>> -> memref<10000x128xf32, #tpu.memory_space<hbm>>
        tpu.enqueue_indirect_dma source(%dma_start3A_66 : memref<10000x128xf32, #tpu.memory_space<hbm>>) target(%arg15 : memref<80x128xf32, #tpu.memory_space<vmem>>) offsets(%dma_start3A_63 : memref<80xi32, #tpu.memory_space<vmem>>) semaphore(%arg18 : memref<!tpu.dma_semaphore, #tpu.memory_space<semaphore_mem>>)
        %mul3A_67 = arith.constant 80 : i32
        %mul3A_68 = arith.muli %mul3A_59, %mul3A_67 : i32
        %dma_wait3A_69 = tpu.memref_slice %arg12[%mul3A_68] : memref<10000xi32, #tpu.memory_space<vmem>> -> memref<80xi32, #tpu.memory_space<vmem>>
        %dma_wait3A_70 = arith.constant 0 : i32
        %dma_wait3A_71 = arith.constant 0 : i32
        %dma_wait3A_72 = tpu.memref_slice %arg3[%dma_wait3A_70, %dma_wait3A_71] : memref<10000x128xf32, #tpu.memory_space<hbm>> -> memref<10000x128xf32, #tpu.memory_space<hbm>>
        tpu.wait_indirect_dma semaphore(%arg17 : memref<!tpu.dma_semaphore, #tpu.memory_space<semaphore_mem>>) src(%dma_wait3A_72 : memref<10000x128xf32, #tpu.memory_space<hbm>>) dst(%arg14 : memref<80x128xf32, #tpu.memory_space<vmem>>)
        %mul3A_73 = arith.constant 80 : i32
        %mul3A_74 = arith.muli %mul3A_59, %mul3A_73 : i32
        "tpu.region"() ({
          %run_scoped3A = tpu.sem_alloc : memref<!tpu.dma_semaphore, #tpu.memory_space<semaphore_mem>>
          %dma_start3A_95 = tpu.memref_slice %arg13[%mul3A_74] : memref<10000xi32, #tpu.memory_space<vmem>> -> memref<80xi32, #tpu.memory_space<vmem>>
          %dma_start3A_96 = arith.constant 0 : i32
          %dma_start3A_97 = arith.constant 0 : i32
          %dma_start3A_98 = tpu.memref_slice %arg16[%dma_start3A_96, %dma_start3A_97] : memref<10240x128xf32, #tpu.memory_space<vmem_shared>> -> memref<10240x128xf32, #tpu.memory_space<vmem_shared>>
          tpu.enqueue_indirect_dma source(%arg14 : memref<80x128xf32, #tpu.memory_space<vmem>>) target(%dma_start3A_98 : memref<10240x128xf32, #tpu.memory_space<vmem_shared>>) offsets(%dma_start3A_95 : memref<80xi32, #tpu.memory_space<vmem>>) semaphore(%run_scoped3A : memref<!tpu.dma_semaphore, #tpu.memory_space<semaphore_mem>>) {add = true}
          %dma_wait3A_99 = tpu.memref_slice %arg13[%mul3A_74] : memref<10000xi32, #tpu.memory_space<vmem>> -> memref<80xi32, #tpu.memory_space<vmem>>
          %dma_wait3A_100 = arith.constant 0 : i32
          %dma_wait3A_101 = arith.constant 0 : i32
          %dma_wait3A_102 = tpu.memref_slice %arg16[%dma_wait3A_100, %dma_wait3A_101] : memref<10240x128xf32, #tpu.memory_space<vmem_shared>> -> memref<10240x128xf32, #tpu.memory_space<vmem_shared>>
          tpu.wait_indirect_dma semaphore(%run_scoped3A : memref<!tpu.dma_semaphore, #tpu.memory_space<semaphore_mem>>) src(%arg14 : memref<80x128xf32, #tpu.memory_space<vmem>>) dst(%dma_wait3A_102 : memref<10240x128xf32, #tpu.memory_space<vmem_shared>>)
          tpu.yield
        }) : () -> ()
        %add3A_75 = arith.constant 2 : i32
        %add3A_76 = arith.addi %mul3A_59, %add3A_75 : i32
        %mul3A_77 = arith.constant 80 : i32
        %mul3A_78 = arith.muli %add3A_76, %mul3A_77 : i32
        %dma_start3A_79 = tpu.memref_slice %arg12[%mul3A_78] : memref<10000xi32, #tpu.memory_space<vmem>> -> memref<80xi32, #tpu.memory_space<vmem>>
        %dma_start3A_80 = arith.constant 0 : i32
        %dma_start3A_81 = arith.constant 0 : i32
        %dma_start3A_82 = tpu.memref_slice %arg3[%dma_start3A_80, %dma_start3A_81] : memref<10000x128xf32, #tpu.memory_space<hbm>> -> memref<10000x128xf32, #tpu.memory_space<hbm>>
        tpu.enqueue_indirect_dma source(%dma_start3A_82 : memref<10000x128xf32, #tpu.memory_space<hbm>>) target(%arg14 : memref<80x128xf32, #tpu.memory_space<vmem>>) offsets(%dma_start3A_79 : memref<80xi32, #tpu.memory_space<vmem>>) semaphore(%arg17 : memref<!tpu.dma_semaphore, #tpu.memory_space<semaphore_mem>>)
        %add3A_83 = arith.constant 1 : i32
        %add3A_84 = arith.addi %mul3A_59, %add3A_83 : i32
        %mul3A_85 = arith.constant 80 : i32
        %mul3A_86 = arith.muli %add3A_84, %mul3A_85 : i32
        %dma_wait3A_87 = tpu.memref_slice %arg12[%mul3A_86] : memref<10000xi32, #tpu.memory_space<vmem>> -> memref<80xi32, #tpu.memory_space<vmem>>
        %dma_wait3A_88 = arith.constant 0 : i32
        %dma_wait3A_89 = arith.constant 0 : i32
        %dma_wait3A_90 = tpu.memref_slice %arg3[%dma_wait3A_88, %dma_wait3A_89] : memref<10000x128xf32, #tpu.memory_space<hbm>> -> memref<10000x128xf32, #tpu.memory_space<hbm>>
        tpu.wait_indirect_dma semaphore(%arg18 : memref<!tpu.dma_semaphore, #tpu.memory_space<semaphore_mem>>) src(%dma_wait3A_90 : memref<10000x128xf32, #tpu.memory_space<hbm>>) dst(%arg15 : memref<80x128xf32, #tpu.memory_space<vmem>>)
        %add3A_91 = arith.constant 1 : i32
        %add3A_92 = arith.addi %mul3A_59, %add3A_91 : i32
        %mul3A_93 = arith.constant 80 : i32
        %mul3A_94 = arith.muli %add3A_92, %mul3A_93 : i32
        "tpu.region"() ({
          %run_scoped3A = tpu.sem_alloc : memref<!tpu.dma_semaphore, #tpu.memory_space<semaphore_mem>>
          %dma_start3A_95 = tpu.memref_slice %arg13[%mul3A_94] : memref<10000xi32, #tpu.memory_space<vmem>> -> memref<80xi32, #tpu.memory_space<vmem>>
          %dma_start3A_96 = arith.constant 0 : i32
          %dma_start3A_97 = arith.constant 0 : i32
          %dma_start3A_98 = tpu.memref_slice %arg16[%dma_start3A_96, %dma_start3A_97] : memref<10240x128xf32, #tpu.memory_space<vmem_shared>> -> memref<10240x128xf32, #tpu.memory_space<vmem_shared>>
          tpu.enqueue_indirect_dma source(%arg15 : memref<80x128xf32, #tpu.memory_space<vmem>>) target(%dma_start3A_98 : memref<10240x128xf32, #tpu.memory_space<vmem_shared>>) offsets(%dma_start3A_95 : memref<80xi32, #tpu.memory_space<vmem>>) semaphore(%run_scoped3A : memref<!tpu.dma_semaphore, #tpu.memory_space<semaphore_mem>>) {add = true}
          %dma_wait3A_99 = tpu.memref_slice %arg13[%mul3A_94] : memref<10000xi32, #tpu.memory_space<vmem>> -> memref<80xi32, #tpu.memory_space<vmem>>
          %dma_wait3A_100 = arith.constant 0 : i32
          %dma_wait3A_101 = arith.constant 0 : i32
          %dma_wait3A_102 = tpu.memref_slice %arg16[%dma_wait3A_100, %dma_wait3A_101] : memref<10240x128xf32, #tpu.memory_space<vmem_shared>> -> memref<10240x128xf32, #tpu.memory_space<vmem_shared>>
          tpu.wait_indirect_dma semaphore(%run_scoped3A : memref<!tpu.dma_semaphore, #tpu.memory_space<semaphore_mem>>) src(%arg15 : memref<80x128xf32, #tpu.memory_space<vmem>>) dst(%dma_wait3A_102 : memref<10240x128xf32, #tpu.memory_space<vmem_shared>>)
          tpu.yield
        }) : () -> ()
      }
      %scan3A_52 = arith.constant 62 : i32
      %dma_wait3A = arith.constant 9920 : i32
      %dma_wait3A_53 = tpu.memref_slice %arg12[%dma_wait3A] : memref<10000xi32, #tpu.memory_space<vmem>> -> memref<80xi32, #tpu.memory_space<vmem>>
      %dma_wait3A_54 = arith.constant 0 : i32
      %dma_wait3A_55 = arith.constant 0 : i32
      %dma_wait3A_56 = tpu.memref_slice %arg3[%dma_wait3A_54, %dma_wait3A_55] : memref<10000x128xf32, #tpu.memory_space<hbm>> -> memref<10000x128xf32, #tpu.memory_space<hbm>>
      tpu.wait_indirect_dma semaphore(%arg17 : memref<!tpu.dma_semaphore, #tpu.memory_space<semaphore_mem>>) src(%dma_wait3A_56 : memref<10000x128xf32, #tpu.memory_space<hbm>>) dst(%arg14 : memref<80x128xf32, #tpu.memory_space<vmem>>)
      "tpu.region"() ({
        %run_scoped3A = tpu.sem_alloc : memref<!tpu.dma_semaphore, #tpu.memory_space<semaphore_mem>>
        %dma_start3A_57 = arith.constant 9920 : i32
        %dma_start3A_58 = tpu.memref_slice %arg13[%dma_start3A_57] : memref<10000xi32, #tpu.memory_space<vmem>> -> memref<80xi32, #tpu.memory_space<vmem>>
        %dma_start3A_59 = arith.constant 0 : i32
        %dma_start3A_60 = arith.constant 0 : i32
        %dma_start3A_61 = tpu.memref_slice %arg16[%dma_start3A_59, %dma_start3A_60] : memref<10240x128xf32, #tpu.memory_space<vmem_shared>> -> memref<10240x128xf32, #tpu.memory_space<vmem_shared>>
        tpu.enqueue_indirect_dma source(%arg14 : memref<80x128xf32, #tpu.memory_space<vmem>>) target(%dma_start3A_61 : memref<10240x128xf32, #tpu.memory_space<vmem_shared>>) offsets(%dma_start3A_58 : memref<80xi32, #tpu.memory_space<vmem>>) semaphore(%run_scoped3A : memref<!tpu.dma_semaphore, #tpu.memory_space<semaphore_mem>>) {add = true}
        %dma_wait3A_62 = arith.constant 9920 : i32
        %dma_wait3A_63 = tpu.memref_slice %arg13[%dma_wait3A_62] : memref<10000xi32, #tpu.memory_space<vmem>> -> memref<80xi32, #tpu.memory_space<vmem>>
        %dma_wait3A_64 = arith.constant 0 : i32
        %dma_wait3A_65 = arith.constant 0 : i32
        %dma_wait3A_66 = tpu.memref_slice %arg16[%dma_wait3A_64, %dma_wait3A_65] : memref<10240x128xf32, #tpu.memory_space<vmem_shared>> -> memref<10240x128xf32, #tpu.memory_space<vmem_shared>>
        tpu.wait_indirect_dma semaphore(%run_scoped3A : memref<!tpu.dma_semaphore, #tpu.memory_space<semaphore_mem>>) src(%arg14 : memref<80x128xf32, #tpu.memory_space<vmem>>) dst(%dma_wait3A_66 : memref<10240x128xf32, #tpu.memory_space<vmem_shared>>)
        tpu.yield
      }) : () -> ()
    } else {
    }
    %barrier3A_10 = arith.constant 0 : index
    tpu.barrier barrier_id(%barrier3A_10)
    %eq3A_11 = arith.constant 0 : i32
    %eq3A_12 = arith.cmpi eq, %arg0, %eq3A_11 : i32
    %convert_element_type3A_13 = arith.extui %eq3A_12 : i1 to i32
    %cond3A_14 = arith.constant 0 : i32
    %cond3A_15 = arith.cmpi ne, %convert_element_type3A_13, %cond3A_14 : i32
    scf.if %cond3A_15 {
      "tpu.region"() ({
        %run_scoped3A = tpu.sem_alloc : memref<!tpu.dma_semaphore, #tpu.memory_space<semaphore_mem>>
        %dma_start3A = arith.constant 0 : i32
        %dma_start3A_43 = tpu.memref_slice %arg8[%mul3A_0, %dma_start3A] : memref<10240x128xf32, #tpu.memory_space<hbm>> -> memref<640x128xf32, #tpu.memory_space<hbm>>
        %dma_start3A_44 = arith.constant 0 : i32
        %dma_start3A_45 = tpu.memref_slice %arg16[%mul3A_0, %dma_start3A_44] : memref<10240x128xf32, #tpu.memory_space<vmem_shared>> -> memref<640x128xf32, #tpu.memory_space<vmem_shared>>
        tpu.enqueue_dma source(%dma_start3A_45 : memref<640x128xf32, #tpu.memory_space<vmem_shared>>) target(%dma_start3A_43 : memref<640x128xf32, #tpu.memory_space<hbm>>) target_semaphore(%run_scoped3A : memref<!tpu.dma_semaphore, #tpu.memory_space<semaphore_mem>>)
        %dma_wait3A = arith.constant 0 : i32
        %dma_wait3A_46 = tpu.memref_slice %arg8[%mul3A_0, %dma_wait3A] : memref<10240x128xf32, #tpu.memory_space<hbm>> -> memref<640x128xf32, #tpu.memory_space<hbm>>
        %dma_wait3A_47 = arith.constant 0 : i32
        %dma_wait3A_48 = tpu.memref_slice %arg16[%mul3A_0, %dma_wait3A_47] : memref<10240x128xf32, #tpu.memory_space<vmem_shared>> -> memref<640x128xf32, #tpu.memory_space<vmem_shared>>
        tpu.wait_dma2 semaphore(%run_scoped3A : memref<!tpu.dma_semaphore, #tpu.memory_space<semaphore_mem>>) src(%dma_wait3A_48 : memref<640x128xf32, #tpu.memory_space<vmem_shared>>) dst(%dma_wait3A_46 : memref<640x128xf32, #tpu.memory_space<hbm>>)
        tpu.yield
      }) : () -> ()
    } else {
    }
    %eq3A_16 = arith.constant 1 : i32
    %eq3A_17 = arith.cmpi eq, %arg0, %eq3A_16 : i32
    %convert_element_type3A_18 = arith.extui %eq3A_17 : i1 to i32
    %cond3A_19 = arith.constant 0 : i32
    %cond3A_20 = arith.cmpi ne, %convert_element_type3A_18, %cond3A_19 : i32
    scf.if %cond3A_20 {
      "tpu.region"() ({
        %run_scoped3A = tpu.sem_alloc : memref<!tpu.dma_semaphore, #tpu.memory_space<semaphore_mem>>
        %dma_start3A = arith.constant 0 : i32
        %dma_start3A_43 = tpu.memref_slice %arg9[%mul3A_0, %dma_start3A] : memref<10240x128xf32, #tpu.memory_space<hbm>> -> memref<640x128xf32, #tpu.memory_space<hbm>>
        %dma_start3A_44 = arith.constant 0 : i32
        %dma_start3A_45 = tpu.memref_slice %arg16[%mul3A_0, %dma_start3A_44] : memref<10240x128xf32, #tpu.memory_space<vmem_shared>> -> memref<640x128xf32, #tpu.memory_space<vmem_shared>>
        tpu.enqueue_dma source(%dma_start3A_45 : memref<640x128xf32, #tpu.memory_space<vmem_shared>>) target(%dma_start3A_43 : memref<640x128xf32, #tpu.memory_space<hbm>>) target_semaphore(%run_scoped3A : memref<!tpu.dma_semaphore, #tpu.memory_space<semaphore_mem>>)
        %dma_wait3A = arith.constant 0 : i32
        %dma_wait3A_46 = tpu.memref_slice %arg9[%mul3A_0, %dma_wait3A] : memref<10240x128xf32, #tpu.memory_space<hbm>> -> memref<640x128xf32, #tpu.memory_space<hbm>>
        %dma_wait3A_47 = arith.constant 0 : i32
        %dma_wait3A_48 = tpu.memref_slice %arg16[%mul3A_0, %dma_wait3A_47] : memref<10240x128xf32, #tpu.memory_space<vmem_shared>> -> memref<640x128xf32, #tpu.memory_space<vmem_shared>>
        tpu.wait_dma2 semaphore(%run_scoped3A : memref<!tpu.dma_semaphore, #tpu.memory_space<semaphore_mem>>) src(%dma_wait3A_48 : memref<640x128xf32, #tpu.memory_space<vmem_shared>>) dst(%dma_wait3A_46 : memref<640x128xf32, #tpu.memory_space<hbm>>)
        tpu.yield
      }) : () -> ()
    } else {
    }
    "tpu.region"() ({
      %run_scoped3A = tpu.sem_alloc : memref<!tpu.dma_semaphore, #tpu.memory_space<semaphore_mem>>
      %dma_start3A = arith.constant 0 : i32
      %dma_start3A_43 = tpu.memref_slice %arg16[%mul3A_0, %dma_start3A] : memref<10240x128xf32, #tpu.memory_space<vmem_shared>> -> memref<640x128xf32, #tpu.memory_space<vmem_shared>>
      tpu.enqueue_dma source(%arg6 : memref<640x128xf32, #tpu.memory_space<hbm>>) target(%dma_start3A_43 : memref<640x128xf32, #tpu.memory_space<vmem_shared>>) target_semaphore(%run_scoped3A : memref<!tpu.dma_semaphore, #tpu.memory_space<semaphore_mem>>)
      %dma_wait3A = arith.constant 0 : i32
      %dma_wait3A_44 = tpu.memref_slice %arg16[%mul3A_0, %dma_wait3A] : memref<10240x128xf32, #tpu.memory_space<vmem_shared>> -> memref<640x128xf32, #tpu.memory_space<vmem_shared>>
      tpu.wait_dma2 semaphore(%run_scoped3A : memref<!tpu.dma_semaphore, #tpu.memory_space<semaphore_mem>>) src(%arg6 : memref<640x128xf32, #tpu.memory_space<hbm>>) dst(%dma_wait3A_44 : memref<640x128xf32, #tpu.memory_space<vmem_shared>>)
      tpu.yield
    }) : () -> ()
    "tpu.region"() ({
      %run_scoped3A = tpu.sem_alloc : memref<!tpu.dma_semaphore, #tpu.memory_space<semaphore_mem>>
      tpu.enqueue_dma source(%arg7 : memref<80x128xf32, #tpu.memory_space<hbm>>) target(%arg14 : memref<80x128xf32, #tpu.memory_space<vmem>>) target_semaphore(%run_scoped3A : memref<!tpu.dma_semaphore, #tpu.memory_space<semaphore_mem>>)
      tpu.wait_dma2 semaphore(%run_scoped3A : memref<!tpu.dma_semaphore, #tpu.memory_space<semaphore_mem>>) src(%arg7 : memref<80x128xf32, #tpu.memory_space<hbm>>) dst(%arg14 : memref<80x128xf32, #tpu.memory_space<vmem>>)
      tpu.yield
    }) : () -> ()
    %barrier3A_21 = arith.constant 0 : index
    tpu.barrier barrier_id(%barrier3A_21)
    %scan3A = arith.constant 0 : i32
    %scan3A_22 = arith.constant 0 : i32
    %scan3A_23 = arith.constant 62 : i32
    %scan3A_24 = arith.addi %scan3A_22, %scan3A_23 : i32
    %scan3A_25 = arith.constant 1 : i32
    scf.for %scan3A_43 = %scan3A_22 to %scan3A_24 step %scan3A_25  : i32 {
      %mul3A_44 = arith.constant 2 : i32
      %mul3A_45 = arith.muli %mul3A_44, %scan3A_43 : i32
      %add3A = arith.addi %mul3A_45, %arg0 : i32
      %mul3A_46 = arith.constant 80 : i32
      %mul3A_47 = arith.muli %add3A, %mul3A_46 : i32
      "tpu.region"() ({
        %run_scoped3A = tpu.sem_alloc : memref<!tpu.dma_semaphore, #tpu.memory_space<semaphore_mem>>
        %dma_start3A = tpu.memref_slice %arg13[%mul3A_47] : memref<10000xi32, #tpu.memory_space<vmem>> -> memref<80xi32, #tpu.memory_space<vmem>>
        %dma_start3A_48 = arith.constant 0 : i32
        %dma_start3A_49 = arith.constant 0 : i32
        %dma_start3A_50 = tpu.memref_slice %arg16[%dma_start3A_48, %dma_start3A_49] : memref<10240x128xf32, #tpu.memory_space<vmem_shared>> -> memref<10240x128xf32, #tpu.memory_space<vmem_shared>>
        tpu.enqueue_indirect_dma source(%arg14 : memref<80x128xf32, #tpu.memory_space<vmem>>) target(%dma_start3A_50 : memref<10240x128xf32, #tpu.memory_space<vmem_shared>>) offsets(%dma_start3A : memref<80xi32, #tpu.memory_space<vmem>>) semaphore(%run_scoped3A : memref<!tpu.dma_semaphore, #tpu.memory_space<semaphore_mem>>) {add = true}
        %dma_wait3A = tpu.memref_slice %arg13[%mul3A_47] : memref<10000xi32, #tpu.memory_space<vmem>> -> memref<80xi32, #tpu.memory_space<vmem>>
        %dma_wait3A_51 = arith.constant 0 : i32
        %dma_wait3A_52 = arith.constant 0 : i32
        %dma_wait3A_53 = tpu.memref_slice %arg16[%dma_wait3A_51, %dma_wait3A_52] : memref<10240x128xf32, #tpu.memory_space<vmem_shared>> -> memref<10240x128xf32, #tpu.memory_space<vmem_shared>>
        tpu.wait_indirect_dma semaphore(%run_scoped3A : memref<!tpu.dma_semaphore, #tpu.memory_space<semaphore_mem>>) src(%arg14 : memref<80x128xf32, #tpu.memory_space<vmem>>) dst(%dma_wait3A_53 : memref<10240x128xf32, #tpu.memory_space<vmem_shared>>)
        tpu.yield
      }) : () -> ()
    }
    %scan3A_26 = arith.constant 62 : i32
    %eq3A_27 = arith.constant 0 : i32
    %eq3A_28 = arith.cmpi eq, %arg0, %eq3A_27 : i32
    %convert_element_type3A_29 = arith.extui %eq3A_28 : i1 to i32
    %cond3A_30 = arith.constant 0 : i32
    %cond3A_31 = arith.cmpi ne, %convert_element_type3A_29, %cond3A_30 : i32
    scf.if %cond3A_31 {
      "tpu.region"() ({
        %run_scoped3A = tpu.sem_alloc : memref<!tpu.dma_semaphore, #tpu.memory_space<semaphore_mem>>
        %dma_start3A = arith.constant 9920 : i32
        %dma_start3A_43 = tpu.memref_slice %arg13[%dma_start3A] : memref<10000xi32, #tpu.memory_space<vmem>> -> memref<80xi32, #tpu.memory_space<vmem>>
        %dma_start3A_44 = arith.constant 0 : i32
        %dma_start3A_45 = arith.constant 0 : i32
        %dma_start3A_46 = tpu.memref_slice %arg16[%dma_start3A_44, %dma_start3A_45] : memref<10240x128xf32, #tpu.memory_space<vmem_shared>> -> memref<10240x128xf32, #tpu.memory_space<vmem_shared>>
        tpu.enqueue_indirect_dma source(%arg14 : memref<80x128xf32, #tpu.memory_space<vmem>>) target(%dma_start3A_46 : memref<10240x128xf32, #tpu.memory_space<vmem_shared>>) offsets(%dma_start3A_43 : memref<80xi32, #tpu.memory_space<vmem>>) semaphore(%run_scoped3A : memref<!tpu.dma_semaphore, #tpu.memory_space<semaphore_mem>>) {add = true}
        %dma_wait3A = arith.constant 9920 : i32
        %dma_wait3A_47 = tpu.memref_slice %arg13[%dma_wait3A] : memref<10000xi32, #tpu.memory_space<vmem>> -> memref<80xi32, #tpu.memory_space<vmem>>
        %dma_wait3A_48 = arith.constant 0 : i32
        %dma_wait3A_49 = arith.constant 0 : i32
        %dma_wait3A_50 = tpu.memref_slice %arg16[%dma_wait3A_48, %dma_wait3A_49] : memref<10240x128xf32, #tpu.memory_space<vmem_shared>> -> memref<10240x128xf32, #tpu.memory_space<vmem_shared>>
        tpu.wait_indirect_dma semaphore(%run_scoped3A : memref<!tpu.dma_semaphore, #tpu.memory_space<semaphore_mem>>) src(%arg14 : memref<80x128xf32, #tpu.memory_space<vmem>>) dst(%dma_wait3A_50 : memref<10240x128xf32, #tpu.memory_space<vmem_shared>>)
        tpu.yield
      }) : () -> ()
    } else {
    }
    %barrier3A_32 = arith.constant 0 : index
    tpu.barrier barrier_id(%barrier3A_32)
    %eq3A_33 = arith.constant 0 : i32
    %eq3A_34 = arith.cmpi eq, %arg0, %eq3A_33 : i32
    %convert_element_type3A_35 = arith.extui %eq3A_34 : i1 to i32
    %cond3A_36 = arith.constant 0 : i32
    %cond3A_37 = arith.cmpi ne, %convert_element_type3A_35, %cond3A_36 : i32
    scf.if %cond3A_37 {
      "tpu.region"() ({
        %run_scoped3A = tpu.sem_alloc : memref<!tpu.dma_semaphore, #tpu.memory_space<semaphore_mem>>
        %dma_start3A = arith.constant 0 : i32
        %dma_start3A_43 = tpu.memref_slice %arg10[%mul3A_0, %dma_start3A] : memref<10240x128xf32, #tpu.memory_space<hbm>> -> memref<640x128xf32, #tpu.memory_space<hbm>>
        %dma_start3A_44 = arith.constant 0 : i32
        %dma_start3A_45 = tpu.memref_slice %arg16[%mul3A_0, %dma_start3A_44] : memref<10240x128xf32, #tpu.memory_space<vmem_shared>> -> memref<640x128xf32, #tpu.memory_space<vmem_shared>>
        tpu.enqueue_dma source(%dma_start3A_45 : memref<640x128xf32, #tpu.memory_space<vmem_shared>>) target(%dma_start3A_43 : memref<640x128xf32, #tpu.memory_space<hbm>>) target_semaphore(%run_scoped3A : memref<!tpu.dma_semaphore, #tpu.memory_space<semaphore_mem>>)
        %dma_wait3A = arith.constant 0 : i32
        %dma_wait3A_46 = tpu.memref_slice %arg10[%mul3A_0, %dma_wait3A] : memref<10240x128xf32, #tpu.memory_space<hbm>> -> memref<640x128xf32, #tpu.memory_space<hbm>>
        %dma_wait3A_47 = arith.constant 0 : i32
        %dma_wait3A_48 = tpu.memref_slice %arg16[%mul3A_0, %dma_wait3A_47] : memref<10240x128xf32, #tpu.memory_space<vmem_shared>> -> memref<640x128xf32, #tpu.memory_space<vmem_shared>>
        tpu.wait_dma2 semaphore(%run_scoped3A : memref<!tpu.dma_semaphore, #tpu.memory_space<semaphore_mem>>) src(%dma_wait3A_48 : memref<640x128xf32, #tpu.memory_space<vmem_shared>>) dst(%dma_wait3A_46 : memref<640x128xf32, #tpu.memory_space<hbm>>)
        tpu.yield
      }) : () -> ()
    } else {
    }
    %eq3A_38 = arith.constant 1 : i32
    %eq3A_39 = arith.cmpi eq, %arg0, %eq3A_38 : i32
    %convert_element_type3A_40 = arith.extui %eq3A_39 : i1 to i32
    %cond3A_41 = arith.constant 0 : i32
    %cond3A_42 = arith.cmpi ne, %convert_element_type3A_40, %cond3A_41 : i32
    scf.if %cond3A_42 {
      "tpu.region"() ({
        %run_scoped3A = tpu.sem_alloc : memref<!tpu.dma_semaphore, #tpu.memory_space<semaphore_mem>>
        %dma_start3A = arith.constant 0 : i32
        %dma_start3A_43 = tpu.memref_slice %arg11[%mul3A_0, %dma_start3A] : memref<10240x128xf32, #tpu.memory_space<hbm>> -> memref<640x128xf32, #tpu.memory_space<hbm>>
        %dma_start3A_44 = arith.constant 0 : i32
        %dma_start3A_45 = tpu.memref_slice %arg16[%mul3A_0, %dma_start3A_44] : memref<10240x128xf32, #tpu.memory_space<vmem_shared>> -> memref<640x128xf32, #tpu.memory_space<vmem_shared>>
        tpu.enqueue_dma source(%dma_start3A_45 : memref<640x128xf32, #tpu.memory_space<vmem_shared>>) target(%dma_start3A_43 : memref<640x128xf32, #tpu.memory_space<hbm>>) target_semaphore(%run_scoped3A : memref<!tpu.dma_semaphore, #tpu.memory_space<semaphore_mem>>)
        %dma_wait3A = arith.constant 0 : i32
        %dma_wait3A_46 = tpu.memref_slice %arg11[%mul3A_0, %dma_wait3A] : memref<10240x128xf32, #tpu.memory_space<hbm>> -> memref<640x128xf32, #tpu.memory_space<hbm>>
        %dma_wait3A_47 = arith.constant 0 : i32
        %dma_wait3A_48 = tpu.memref_slice %arg16[%mul3A_0, %dma_wait3A_47] : memref<10240x128xf32, #tpu.memory_space<vmem_shared>> -> memref<640x128xf32, #tpu.memory_space<vmem_shared>>
        tpu.wait_dma2 semaphore(%run_scoped3A : memref<!tpu.dma_semaphore, #tpu.memory_space<semaphore_mem>>) src(%dma_wait3A_48 : memref<640x128xf32, #tpu.memory_space<vmem_shared>>) dst(%dma_wait3A_46 : memref<640x128xf32, #tpu.memory_space<hbm>>)
        tpu.yield
      }) : () -> ()
    } else {
    }
    return
  }
}

#map = affine_map<(d0, d1) -> (0, 0)>
#map1 = affine_map<(d0, d1) -> (0)>
module attributes {stable_mosaic.version = 14 : i64} {
  func.func @body(%arg0: i32, %arg1: i32, %arg2: memref<10240x128xf32, #tpu.memory_space<hbm>>, %arg3: memref<10240x128xf32, #tpu.memory_space<hbm>>, %arg4: memref<160000xi32, #tpu.memory_space<hbm>>, %arg5: memref<160000xi32, #tpu.memory_space<hbm>>, %arg6: memref<640x128xf32, #tpu.memory_space<hbm>>, %arg7: memref<10240x128xf32, #tpu.memory_space<hbm>>, %arg8: memref<10240x128xf32, #tpu.memory_space<hbm>>, %arg9: memref<10000xi32, #tpu.memory_space<vmem>>, %arg10: memref<10000xi32, #tpu.memory_space<vmem>>, %arg11: memref<80x128xf32, #tpu.memory_space<vmem>>, %arg12: memref<80x128xf32, #tpu.memory_space<vmem>>, %arg13: memref<10240x128xf32, #tpu.memory_space<vmem_shared>>, %arg14: memref<!tpu.dma_semaphore, #tpu.memory_space<semaphore_mem>>, %arg15: memref<!tpu.dma_semaphore, #tpu.memory_space<semaphore_mem>>) attributes {dimension_semantics = [#tpu.dimension_semantics<core_parallel>, #tpu.dimension_semantics<subcore_parallel>], iteration_bounds = array<i64: 2, 16>, scalar_prefetch = 0 : i64, scratch_operands = 7 : i64, tpu.core_type = #tpu.core_type<sc_vector_subcore>, window_params = [{transform_indices = #map}, {transform_indices = #map}, {transform_indices = #map1}, {transform_indices = #map1}, {transform_indices = #map}, {transform_indices = #map}, {transform_indices = #map}]} {
    %mul3A = arith.constant 640 : i32
    %mul3A_0 = arith.muli %arg1, %mul3A : i32
    %mul3A_1 = arith.constant 10000 : i32
    %mul3A_2 = arith.muli %arg1, %mul3A_1 : i32
    "tpu.region"() ({
      %run_scoped3A = tpu.sem_alloc : memref<!tpu.dma_semaphore, #tpu.memory_space<semaphore_mem>>
      %dma_start3A = tpu.memref_slice %arg4[%mul3A_2] : memref<160000xi32, #tpu.memory_space<hbm>> -> memref<10000xi32, #tpu.memory_space<hbm>>
      %dma_start3A_21 = tpu.memref_slice %arg4[%mul3A_2] : memref<160000xi32, #tpu.memory_space<hbm>> -> memref<10000xi32, #tpu.memory_space<hbm>>
      tpu.enqueue_dma source(%dma_start3A_21 : memref<10000xi32, #tpu.memory_space<hbm>>) target(%arg9 : memref<10000xi32, #tpu.memory_space<vmem>>) target_semaphore(%run_scoped3A : memref<!tpu.dma_semaphore, #tpu.memory_space<semaphore_mem>>)
      %dma_wait3A = tpu.memref_slice %arg4[%mul3A_2] : memref<160000xi32, #tpu.memory_space<hbm>> -> memref<10000xi32, #tpu.memory_space<hbm>>
      %dma_wait3A_22 = tpu.memref_slice %arg4[%mul3A_2] : memref<160000xi32, #tpu.memory_space<hbm>> -> memref<10000xi32, #tpu.memory_space<hbm>>
      tpu.wait_dma2 semaphore(%run_scoped3A : memref<!tpu.dma_semaphore, #tpu.memory_space<semaphore_mem>>) src(%dma_wait3A_22 : memref<10000xi32, #tpu.memory_space<hbm>>) dst(%arg9 : memref<10000xi32, #tpu.memory_space<vmem>>)
      tpu.yield
    }) : () -> ()
    "tpu.region"() ({
      %run_scoped3A = tpu.sem_alloc : memref<!tpu.dma_semaphore, #tpu.memory_space<semaphore_mem>>
      %dma_start3A = tpu.memref_slice %arg5[%mul3A_2] : memref<160000xi32, #tpu.memory_space<hbm>> -> memref<10000xi32, #tpu.memory_space<hbm>>
      %dma_start3A_21 = tpu.memref_slice %arg5[%mul3A_2] : memref<160000xi32, #tpu.memory_space<hbm>> -> memref<10000xi32, #tpu.memory_space<hbm>>
      tpu.enqueue_dma source(%dma_start3A_21 : memref<10000xi32, #tpu.memory_space<hbm>>) target(%arg10 : memref<10000xi32, #tpu.memory_space<vmem>>) target_semaphore(%run_scoped3A : memref<!tpu.dma_semaphore, #tpu.memory_space<semaphore_mem>>)
      %dma_wait3A = tpu.memref_slice %arg5[%mul3A_2] : memref<160000xi32, #tpu.memory_space<hbm>> -> memref<10000xi32, #tpu.memory_space<hbm>>
      %dma_wait3A_22 = tpu.memref_slice %arg5[%mul3A_2] : memref<160000xi32, #tpu.memory_space<hbm>> -> memref<10000xi32, #tpu.memory_space<hbm>>
      tpu.wait_dma2 semaphore(%run_scoped3A : memref<!tpu.dma_semaphore, #tpu.memory_space<semaphore_mem>>) src(%dma_wait3A_22 : memref<10000xi32, #tpu.memory_space<hbm>>) dst(%arg10 : memref<10000xi32, #tpu.memory_space<vmem>>)
      tpu.yield
    }) : () -> ()
    "tpu.region"() ({
      %run_scoped3A = tpu.sem_alloc : memref<!tpu.dma_semaphore, #tpu.memory_space<semaphore_mem>>
      %dma_start3A = arith.constant 0 : i32
      %dma_start3A_21 = tpu.memref_slice %arg13[%mul3A_0, %dma_start3A] : memref<10240x128xf32, #tpu.memory_space<vmem_shared>> -> memref<640x128xf32, #tpu.memory_space<vmem_shared>>
      tpu.enqueue_dma source(%arg6 : memref<640x128xf32, #tpu.memory_space<hbm>>) target(%dma_start3A_21 : memref<640x128xf32, #tpu.memory_space<vmem_shared>>) target_semaphore(%run_scoped3A : memref<!tpu.dma_semaphore, #tpu.memory_space<semaphore_mem>>)
      %dma_wait3A = arith.constant 0 : i32
      %dma_wait3A_22 = tpu.memref_slice %arg13[%mul3A_0, %dma_wait3A] : memref<10240x128xf32, #tpu.memory_space<vmem_shared>> -> memref<640x128xf32, #tpu.memory_space<vmem_shared>>
      tpu.wait_dma2 semaphore(%run_scoped3A : memref<!tpu.dma_semaphore, #tpu.memory_space<semaphore_mem>>) src(%arg6 : memref<640x128xf32, #tpu.memory_space<hbm>>) dst(%dma_wait3A_22 : memref<640x128xf32, #tpu.memory_space<vmem_shared>>)
      tpu.yield
    }) : () -> ()
    %barrier3A = arith.constant 0 : index
    tpu.barrier barrier_id(%barrier3A)
    %eq3A = arith.constant 0 : i32
    %eq3A_3 = arith.cmpi eq, %arg0, %eq3A : i32
    %convert_element_type3A = arith.extui %eq3A_3 : i1 to i32
    %cond3A = arith.constant 0 : i32
    %cond3A_4 = arith.cmpi ne, %convert_element_type3A, %cond3A : i32
    scf.if %cond3A_4 {
      %dma_start3A = arith.constant 0 : i32
      %dma_start3A_21 = tpu.memref_slice %arg9[%dma_start3A] : memref<10000xi32, #tpu.memory_space<vmem>> -> memref<80xi32, #tpu.memory_space<vmem>>
      %dma_start3A_22 = arith.constant 0 : i32
      %dma_start3A_23 = arith.constant 0 : i32
      %dma_start3A_24 = tpu.memref_slice %arg2[%dma_start3A_22, %dma_start3A_23] : memref<10240x128xf32, #tpu.memory_space<hbm>> -> memref<10240x128xf32, #tpu.memory_space<hbm>>
      tpu.enqueue_indirect_dma source(%dma_start3A_24 : memref<10240x128xf32, #tpu.memory_space<hbm>>) target(%arg11 : memref<80x128xf32, #tpu.memory_space<vmem>>) offsets(%dma_start3A_21 : memref<80xi32, #tpu.memory_space<vmem>>) semaphore(%arg14 : memref<!tpu.dma_semaphore, #tpu.memory_space<semaphore_mem>>)
      %scan3A = arith.constant 0 : i32
      %scan3A_25 = arith.constant 0 : i32
      %scan3A_26 = arith.constant 62 : i32
      %scan3A_27 = arith.addi %scan3A_25, %scan3A_26 : i32
      %scan3A_28 = arith.constant 1 : i32
      scf.for %scan3A_34 = %scan3A_25 to %scan3A_27 step %scan3A_28  : i32 {
        %mul3A_35 = arith.constant 2 : i32
        %mul3A_36 = arith.muli %mul3A_35, %scan3A_34 : i32
        %add3A = arith.constant 1 : i32
        %add3A_37 = arith.addi %mul3A_36, %add3A : i32
        %mul3A_38 = arith.constant 80 : i32
        %mul3A_39 = arith.muli %add3A_37, %mul3A_38 : i32
        %dma_start3A_40 = tpu.memref_slice %arg9[%mul3A_39] : memref<10000xi32, #tpu.memory_space<vmem>> -> memref<80xi32, #tpu.memory_space<vmem>>
        %dma_start3A_41 = arith.constant 0 : i32
        %dma_start3A_42 = arith.constant 0 : i32
        %dma_start3A_43 = tpu.memref_slice %arg2[%dma_start3A_41, %dma_start3A_42] : memref<10240x128xf32, #tpu.memory_space<hbm>> -> memref<10240x128xf32, #tpu.memory_space<hbm>>
        tpu.enqueue_indirect_dma source(%dma_start3A_43 : memref<10240x128xf32, #tpu.memory_space<hbm>>) target(%arg12 : memref<80x128xf32, #tpu.memory_space<vmem>>) offsets(%dma_start3A_40 : memref<80xi32, #tpu.memory_space<vmem>>) semaphore(%arg15 : memref<!tpu.dma_semaphore, #tpu.memory_space<semaphore_mem>>)
        %mul3A_44 = arith.constant 80 : i32
        %mul3A_45 = arith.muli %mul3A_36, %mul3A_44 : i32
        %dma_wait3A_46 = tpu.memref_slice %arg9[%mul3A_45] : memref<10000xi32, #tpu.memory_space<vmem>> -> memref<80xi32, #tpu.memory_space<vmem>>
        %dma_wait3A_47 = arith.constant 0 : i32
        %dma_wait3A_48 = arith.constant 0 : i32
        %dma_wait3A_49 = tpu.memref_slice %arg2[%dma_wait3A_47, %dma_wait3A_48] : memref<10240x128xf32, #tpu.memory_space<hbm>> -> memref<10240x128xf32, #tpu.memory_space<hbm>>
        tpu.wait_indirect_dma semaphore(%arg14 : memref<!tpu.dma_semaphore, #tpu.memory_space<semaphore_mem>>) src(%dma_wait3A_49 : memref<10240x128xf32, #tpu.memory_space<hbm>>) dst(%arg11 : memref<80x128xf32, #tpu.memory_space<vmem>>)
        %mul3A_50 = arith.constant 80 : i32
        %mul3A_51 = arith.muli %mul3A_36, %mul3A_50 : i32
        "tpu.region"() ({
          %run_scoped3A = tpu.sem_alloc : memref<!tpu.dma_semaphore, #tpu.memory_space<semaphore_mem>>
          %dma_start3A_72 = tpu.memref_slice %arg10[%mul3A_51] : memref<10000xi32, #tpu.memory_space<vmem>> -> memref<80xi32, #tpu.memory_space<vmem>>
          %dma_start3A_73 = arith.constant 0 : i32
          %dma_start3A_74 = arith.constant 0 : i32
          %dma_start3A_75 = tpu.memref_slice %arg13[%dma_start3A_73, %dma_start3A_74] : memref<10240x128xf32, #tpu.memory_space<vmem_shared>> -> memref<10240x128xf32, #tpu.memory_space<vmem_shared>>
          tpu.enqueue_indirect_dma source(%arg11 : memref<80x128xf32, #tpu.memory_space<vmem>>) target(%dma_start3A_75 : memref<10240x128xf32, #tpu.memory_space<vmem_shared>>) offsets(%dma_start3A_72 : memref<80xi32, #tpu.memory_space<vmem>>) semaphore(%run_scoped3A : memref<!tpu.dma_semaphore, #tpu.memory_space<semaphore_mem>>) {add = true}
          %dma_wait3A_76 = tpu.memref_slice %arg10[%mul3A_51] : memref<10000xi32, #tpu.memory_space<vmem>> -> memref<80xi32, #tpu.memory_space<vmem>>
          %dma_wait3A_77 = arith.constant 0 : i32
          %dma_wait3A_78 = arith.constant 0 : i32
          %dma_wait3A_79 = tpu.memref_slice %arg13[%dma_wait3A_77, %dma_wait3A_78] : memref<10240x128xf32, #tpu.memory_space<vmem_shared>> -> memref<10240x128xf32, #tpu.memory_space<vmem_shared>>
          tpu.wait_indirect_dma semaphore(%run_scoped3A : memref<!tpu.dma_semaphore, #tpu.memory_space<semaphore_mem>>) src(%arg11 : memref<80x128xf32, #tpu.memory_space<vmem>>) dst(%dma_wait3A_79 : memref<10240x128xf32, #tpu.memory_space<vmem_shared>>)
          tpu.yield
        }) : () -> ()
        %add3A_52 = arith.constant 2 : i32
        %add3A_53 = arith.addi %mul3A_36, %add3A_52 : i32
        %mul3A_54 = arith.constant 80 : i32
        %mul3A_55 = arith.muli %add3A_53, %mul3A_54 : i32
        %dma_start3A_56 = tpu.memref_slice %arg9[%mul3A_55] : memref<10000xi32, #tpu.memory_space<vmem>> -> memref<80xi32, #tpu.memory_space<vmem>>
        %dma_start3A_57 = arith.constant 0 : i32
        %dma_start3A_58 = arith.constant 0 : i32
        %dma_start3A_59 = tpu.memref_slice %arg2[%dma_start3A_57, %dma_start3A_58] : memref<10240x128xf32, #tpu.memory_space<hbm>> -> memref<10240x128xf32, #tpu.memory_space<hbm>>
        tpu.enqueue_indirect_dma source(%dma_start3A_59 : memref<10240x128xf32, #tpu.memory_space<hbm>>) target(%arg11 : memref<80x128xf32, #tpu.memory_space<vmem>>) offsets(%dma_start3A_56 : memref<80xi32, #tpu.memory_space<vmem>>) semaphore(%arg14 : memref<!tpu.dma_semaphore, #tpu.memory_space<semaphore_mem>>)
        %add3A_60 = arith.constant 1 : i32
        %add3A_61 = arith.addi %mul3A_36, %add3A_60 : i32
        %mul3A_62 = arith.constant 80 : i32
        %mul3A_63 = arith.muli %add3A_61, %mul3A_62 : i32
        %dma_wait3A_64 = tpu.memref_slice %arg9[%mul3A_63] : memref<10000xi32, #tpu.memory_space<vmem>> -> memref<80xi32, #tpu.memory_space<vmem>>
        %dma_wait3A_65 = arith.constant 0 : i32
        %dma_wait3A_66 = arith.constant 0 : i32
        %dma_wait3A_67 = tpu.memref_slice %arg2[%dma_wait3A_65, %dma_wait3A_66] : memref<10240x128xf32, #tpu.memory_space<hbm>> -> memref<10240x128xf32, #tpu.memory_space<hbm>>
        tpu.wait_indirect_dma semaphore(%arg15 : memref<!tpu.dma_semaphore, #tpu.memory_space<semaphore_mem>>) src(%dma_wait3A_67 : memref<10240x128xf32, #tpu.memory_space<hbm>>) dst(%arg12 : memref<80x128xf32, #tpu.memory_space<vmem>>)
        %add3A_68 = arith.constant 1 : i32
        %add3A_69 = arith.addi %mul3A_36, %add3A_68 : i32
        %mul3A_70 = arith.constant 80 : i32
        %mul3A_71 = arith.muli %add3A_69, %mul3A_70 : i32
        "tpu.region"() ({
          %run_scoped3A = tpu.sem_alloc : memref<!tpu.dma_semaphore, #tpu.memory_space<semaphore_mem>>
          %dma_start3A_72 = tpu.memref_slice %arg10[%mul3A_71] : memref<10000xi32, #tpu.memory_space<vmem>> -> memref<80xi32, #tpu.memory_space<vmem>>
          %dma_start3A_73 = arith.constant 0 : i32
          %dma_start3A_74 = arith.constant 0 : i32
          %dma_start3A_75 = tpu.memref_slice %arg13[%dma_start3A_73, %dma_start3A_74] : memref<10240x128xf32, #tpu.memory_space<vmem_shared>> -> memref<10240x128xf32, #tpu.memory_space<vmem_shared>>
          tpu.enqueue_indirect_dma source(%arg12 : memref<80x128xf32, #tpu.memory_space<vmem>>) target(%dma_start3A_75 : memref<10240x128xf32, #tpu.memory_space<vmem_shared>>) offsets(%dma_start3A_72 : memref<80xi32, #tpu.memory_space<vmem>>) semaphore(%run_scoped3A : memref<!tpu.dma_semaphore, #tpu.memory_space<semaphore_mem>>) {add = true}
          %dma_wait3A_76 = tpu.memref_slice %arg10[%mul3A_71] : memref<10000xi32, #tpu.memory_space<vmem>> -> memref<80xi32, #tpu.memory_space<vmem>>
          %dma_wait3A_77 = arith.constant 0 : i32
          %dma_wait3A_78 = arith.constant 0 : i32
          %dma_wait3A_79 = tpu.memref_slice %arg13[%dma_wait3A_77, %dma_wait3A_78] : memref<10240x128xf32, #tpu.memory_space<vmem_shared>> -> memref<10240x128xf32, #tpu.memory_space<vmem_shared>>
          tpu.wait_indirect_dma semaphore(%run_scoped3A : memref<!tpu.dma_semaphore, #tpu.memory_space<semaphore_mem>>) src(%arg12 : memref<80x128xf32, #tpu.memory_space<vmem>>) dst(%dma_wait3A_79 : memref<10240x128xf32, #tpu.memory_space<vmem_shared>>)
          tpu.yield
        }) : () -> ()
      }
      %scan3A_29 = arith.constant 62 : i32
      %dma_wait3A = arith.constant 9920 : i32
      %dma_wait3A_30 = tpu.memref_slice %arg9[%dma_wait3A] : memref<10000xi32, #tpu.memory_space<vmem>> -> memref<80xi32, #tpu.memory_space<vmem>>
      %dma_wait3A_31 = arith.constant 0 : i32
      %dma_wait3A_32 = arith.constant 0 : i32
      %dma_wait3A_33 = tpu.memref_slice %arg2[%dma_wait3A_31, %dma_wait3A_32] : memref<10240x128xf32, #tpu.memory_space<hbm>> -> memref<10240x128xf32, #tpu.memory_space<hbm>>
      tpu.wait_indirect_dma semaphore(%arg14 : memref<!tpu.dma_semaphore, #tpu.memory_space<semaphore_mem>>) src(%dma_wait3A_33 : memref<10240x128xf32, #tpu.memory_space<hbm>>) dst(%arg11 : memref<80x128xf32, #tpu.memory_space<vmem>>)
      "tpu.region"() ({
        %run_scoped3A = tpu.sem_alloc : memref<!tpu.dma_semaphore, #tpu.memory_space<semaphore_mem>>
        %dma_start3A_34 = arith.constant 9920 : i32
        %dma_start3A_35 = tpu.memref_slice %arg10[%dma_start3A_34] : memref<10000xi32, #tpu.memory_space<vmem>> -> memref<80xi32, #tpu.memory_space<vmem>>
        %dma_start3A_36 = arith.constant 0 : i32
        %dma_start3A_37 = arith.constant 0 : i32
        %dma_start3A_38 = tpu.memref_slice %arg13[%dma_start3A_36, %dma_start3A_37] : memref<10240x128xf32, #tpu.memory_space<vmem_shared>> -> memref<10240x128xf32, #tpu.memory_space<vmem_shared>>
        tpu.enqueue_indirect_dma source(%arg11 : memref<80x128xf32, #tpu.memory_space<vmem>>) target(%dma_start3A_38 : memref<10240x128xf32, #tpu.memory_space<vmem_shared>>) offsets(%dma_start3A_35 : memref<80xi32, #tpu.memory_space<vmem>>) semaphore(%run_scoped3A : memref<!tpu.dma_semaphore, #tpu.memory_space<semaphore_mem>>) {add = true}
        %dma_wait3A_39 = arith.constant 9920 : i32
        %dma_wait3A_40 = tpu.memref_slice %arg10[%dma_wait3A_39] : memref<10000xi32, #tpu.memory_space<vmem>> -> memref<80xi32, #tpu.memory_space<vmem>>
        %dma_wait3A_41 = arith.constant 0 : i32
        %dma_wait3A_42 = arith.constant 0 : i32
        %dma_wait3A_43 = tpu.memref_slice %arg13[%dma_wait3A_41, %dma_wait3A_42] : memref<10240x128xf32, #tpu.memory_space<vmem_shared>> -> memref<10240x128xf32, #tpu.memory_space<vmem_shared>>
        tpu.wait_indirect_dma semaphore(%run_scoped3A : memref<!tpu.dma_semaphore, #tpu.memory_space<semaphore_mem>>) src(%arg11 : memref<80x128xf32, #tpu.memory_space<vmem>>) dst(%dma_wait3A_43 : memref<10240x128xf32, #tpu.memory_space<vmem_shared>>)
        tpu.yield
      }) : () -> ()
    } else {
    }
    %eq3A_5 = arith.constant 1 : i32
    %eq3A_6 = arith.cmpi eq, %arg0, %eq3A_5 : i32
    %convert_element_type3A_7 = arith.extui %eq3A_6 : i1 to i32
    %cond3A_8 = arith.constant 0 : i32
    %cond3A_9 = arith.cmpi ne, %convert_element_type3A_7, %cond3A_8 : i32
    scf.if %cond3A_9 {
      %dma_start3A = arith.constant 0 : i32
      %dma_start3A_21 = tpu.memref_slice %arg9[%dma_start3A] : memref<10000xi32, #tpu.memory_space<vmem>> -> memref<80xi32, #tpu.memory_space<vmem>>
      %dma_start3A_22 = arith.constant 0 : i32
      %dma_start3A_23 = arith.constant 0 : i32
      %dma_start3A_24 = tpu.memref_slice %arg3[%dma_start3A_22, %dma_start3A_23] : memref<10240x128xf32, #tpu.memory_space<hbm>> -> memref<10240x128xf32, #tpu.memory_space<hbm>>
      tpu.enqueue_indirect_dma source(%dma_start3A_24 : memref<10240x128xf32, #tpu.memory_space<hbm>>) target(%arg11 : memref<80x128xf32, #tpu.memory_space<vmem>>) offsets(%dma_start3A_21 : memref<80xi32, #tpu.memory_space<vmem>>) semaphore(%arg14 : memref<!tpu.dma_semaphore, #tpu.memory_space<semaphore_mem>>)
      %scan3A = arith.constant 0 : i32
      %scan3A_25 = arith.constant 0 : i32
      %scan3A_26 = arith.constant 62 : i32
      %scan3A_27 = arith.addi %scan3A_25, %scan3A_26 : i32
      %scan3A_28 = arith.constant 1 : i32
      scf.for %scan3A_34 = %scan3A_25 to %scan3A_27 step %scan3A_28  : i32 {
        %mul3A_35 = arith.constant 2 : i32
        %mul3A_36 = arith.muli %mul3A_35, %scan3A_34 : i32
        %add3A = arith.constant 1 : i32
        %add3A_37 = arith.addi %mul3A_36, %add3A : i32
        %mul3A_38 = arith.constant 80 : i32
        %mul3A_39 = arith.muli %add3A_37, %mul3A_38 : i32
        %dma_start3A_40 = tpu.memref_slice %arg9[%mul3A_39] : memref<10000xi32, #tpu.memory_space<vmem>> -> memref<80xi32, #tpu.memory_space<vmem>>
        %dma_start3A_41 = arith.constant 0 : i32
        %dma_start3A_42 = arith.constant 0 : i32
        %dma_start3A_43 = tpu.memref_slice %arg3[%dma_start3A_41, %dma_start3A_42] : memref<10240x128xf32, #tpu.memory_space<hbm>> -> memref<10240x128xf32, #tpu.memory_space<hbm>>
        tpu.enqueue_indirect_dma source(%dma_start3A_43 : memref<10240x128xf32, #tpu.memory_space<hbm>>) target(%arg12 : memref<80x128xf32, #tpu.memory_space<vmem>>) offsets(%dma_start3A_40 : memref<80xi32, #tpu.memory_space<vmem>>) semaphore(%arg15 : memref<!tpu.dma_semaphore, #tpu.memory_space<semaphore_mem>>)
        %mul3A_44 = arith.constant 80 : i32
        %mul3A_45 = arith.muli %mul3A_36, %mul3A_44 : i32
        %dma_wait3A_46 = tpu.memref_slice %arg9[%mul3A_45] : memref<10000xi32, #tpu.memory_space<vmem>> -> memref<80xi32, #tpu.memory_space<vmem>>
        %dma_wait3A_47 = arith.constant 0 : i32
        %dma_wait3A_48 = arith.constant 0 : i32
        %dma_wait3A_49 = tpu.memref_slice %arg3[%dma_wait3A_47, %dma_wait3A_48] : memref<10240x128xf32, #tpu.memory_space<hbm>> -> memref<10240x128xf32, #tpu.memory_space<hbm>>
        tpu.wait_indirect_dma semaphore(%arg14 : memref<!tpu.dma_semaphore, #tpu.memory_space<semaphore_mem>>) src(%dma_wait3A_49 : memref<10240x128xf32, #tpu.memory_space<hbm>>) dst(%arg11 : memref<80x128xf32, #tpu.memory_space<vmem>>)
        %mul3A_50 = arith.constant 80 : i32
        %mul3A_51 = arith.muli %mul3A_36, %mul3A_50 : i32
        "tpu.region"() ({
          %run_scoped3A = tpu.sem_alloc : memref<!tpu.dma_semaphore, #tpu.memory_space<semaphore_mem>>
          %dma_start3A_72 = tpu.memref_slice %arg10[%mul3A_51] : memref<10000xi32, #tpu.memory_space<vmem>> -> memref<80xi32, #tpu.memory_space<vmem>>
          %dma_start3A_73 = arith.constant 0 : i32
          %dma_start3A_74 = arith.constant 0 : i32
          %dma_start3A_75 = tpu.memref_slice %arg13[%dma_start3A_73, %dma_start3A_74] : memref<10240x128xf32, #tpu.memory_space<vmem_shared>> -> memref<10240x128xf32, #tpu.memory_space<vmem_shared>>
          tpu.enqueue_indirect_dma source(%arg11 : memref<80x128xf32, #tpu.memory_space<vmem>>) target(%dma_start3A_75 : memref<10240x128xf32, #tpu.memory_space<vmem_shared>>) offsets(%dma_start3A_72 : memref<80xi32, #tpu.memory_space<vmem>>) semaphore(%run_scoped3A : memref<!tpu.dma_semaphore, #tpu.memory_space<semaphore_mem>>) {add = true}
          %dma_wait3A_76 = tpu.memref_slice %arg10[%mul3A_51] : memref<10000xi32, #tpu.memory_space<vmem>> -> memref<80xi32, #tpu.memory_space<vmem>>
          %dma_wait3A_77 = arith.constant 0 : i32
          %dma_wait3A_78 = arith.constant 0 : i32
          %dma_wait3A_79 = tpu.memref_slice %arg13[%dma_wait3A_77, %dma_wait3A_78] : memref<10240x128xf32, #tpu.memory_space<vmem_shared>> -> memref<10240x128xf32, #tpu.memory_space<vmem_shared>>
          tpu.wait_indirect_dma semaphore(%run_scoped3A : memref<!tpu.dma_semaphore, #tpu.memory_space<semaphore_mem>>) src(%arg11 : memref<80x128xf32, #tpu.memory_space<vmem>>) dst(%dma_wait3A_79 : memref<10240x128xf32, #tpu.memory_space<vmem_shared>>)
          tpu.yield
        }) : () -> ()
        %add3A_52 = arith.constant 2 : i32
        %add3A_53 = arith.addi %mul3A_36, %add3A_52 : i32
        %mul3A_54 = arith.constant 80 : i32
        %mul3A_55 = arith.muli %add3A_53, %mul3A_54 : i32
        %dma_start3A_56 = tpu.memref_slice %arg9[%mul3A_55] : memref<10000xi32, #tpu.memory_space<vmem>> -> memref<80xi32, #tpu.memory_space<vmem>>
        %dma_start3A_57 = arith.constant 0 : i32
        %dma_start3A_58 = arith.constant 0 : i32
        %dma_start3A_59 = tpu.memref_slice %arg3[%dma_start3A_57, %dma_start3A_58] : memref<10240x128xf32, #tpu.memory_space<hbm>> -> memref<10240x128xf32, #tpu.memory_space<hbm>>
        tpu.enqueue_indirect_dma source(%dma_start3A_59 : memref<10240x128xf32, #tpu.memory_space<hbm>>) target(%arg11 : memref<80x128xf32, #tpu.memory_space<vmem>>) offsets(%dma_start3A_56 : memref<80xi32, #tpu.memory_space<vmem>>) semaphore(%arg14 : memref<!tpu.dma_semaphore, #tpu.memory_space<semaphore_mem>>)
        %add3A_60 = arith.constant 1 : i32
        %add3A_61 = arith.addi %mul3A_36, %add3A_60 : i32
        %mul3A_62 = arith.constant 80 : i32
        %mul3A_63 = arith.muli %add3A_61, %mul3A_62 : i32
        %dma_wait3A_64 = tpu.memref_slice %arg9[%mul3A_63] : memref<10000xi32, #tpu.memory_space<vmem>> -> memref<80xi32, #tpu.memory_space<vmem>>
        %dma_wait3A_65 = arith.constant 0 : i32
        %dma_wait3A_66 = arith.constant 0 : i32
        %dma_wait3A_67 = tpu.memref_slice %arg3[%dma_wait3A_65, %dma_wait3A_66] : memref<10240x128xf32, #tpu.memory_space<hbm>> -> memref<10240x128xf32, #tpu.memory_space<hbm>>
        tpu.wait_indirect_dma semaphore(%arg15 : memref<!tpu.dma_semaphore, #tpu.memory_space<semaphore_mem>>) src(%dma_wait3A_67 : memref<10240x128xf32, #tpu.memory_space<hbm>>) dst(%arg12 : memref<80x128xf32, #tpu.memory_space<vmem>>)
        %add3A_68 = arith.constant 1 : i32
        %add3A_69 = arith.addi %mul3A_36, %add3A_68 : i32
        %mul3A_70 = arith.constant 80 : i32
        %mul3A_71 = arith.muli %add3A_69, %mul3A_70 : i32
        "tpu.region"() ({
          %run_scoped3A = tpu.sem_alloc : memref<!tpu.dma_semaphore, #tpu.memory_space<semaphore_mem>>
          %dma_start3A_72 = tpu.memref_slice %arg10[%mul3A_71] : memref<10000xi32, #tpu.memory_space<vmem>> -> memref<80xi32, #tpu.memory_space<vmem>>
          %dma_start3A_73 = arith.constant 0 : i32
          %dma_start3A_74 = arith.constant 0 : i32
          %dma_start3A_75 = tpu.memref_slice %arg13[%dma_start3A_73, %dma_start3A_74] : memref<10240x128xf32, #tpu.memory_space<vmem_shared>> -> memref<10240x128xf32, #tpu.memory_space<vmem_shared>>
          tpu.enqueue_indirect_dma source(%arg12 : memref<80x128xf32, #tpu.memory_space<vmem>>) target(%dma_start3A_75 : memref<10240x128xf32, #tpu.memory_space<vmem_shared>>) offsets(%dma_start3A_72 : memref<80xi32, #tpu.memory_space<vmem>>) semaphore(%run_scoped3A : memref<!tpu.dma_semaphore, #tpu.memory_space<semaphore_mem>>) {add = true}
          %dma_wait3A_76 = tpu.memref_slice %arg10[%mul3A_71] : memref<10000xi32, #tpu.memory_space<vmem>> -> memref<80xi32, #tpu.memory_space<vmem>>
          %dma_wait3A_77 = arith.constant 0 : i32
          %dma_wait3A_78 = arith.constant 0 : i32
          %dma_wait3A_79 = tpu.memref_slice %arg13[%dma_wait3A_77, %dma_wait3A_78] : memref<10240x128xf32, #tpu.memory_space<vmem_shared>> -> memref<10240x128xf32, #tpu.memory_space<vmem_shared>>
          tpu.wait_indirect_dma semaphore(%run_scoped3A : memref<!tpu.dma_semaphore, #tpu.memory_space<semaphore_mem>>) src(%arg12 : memref<80x128xf32, #tpu.memory_space<vmem>>) dst(%dma_wait3A_79 : memref<10240x128xf32, #tpu.memory_space<vmem_shared>>)
          tpu.yield
        }) : () -> ()
      }
      %scan3A_29 = arith.constant 62 : i32
      %dma_wait3A = arith.constant 9920 : i32
      %dma_wait3A_30 = tpu.memref_slice %arg9[%dma_wait3A] : memref<10000xi32, #tpu.memory_space<vmem>> -> memref<80xi32, #tpu.memory_space<vmem>>
      %dma_wait3A_31 = arith.constant 0 : i32
      %dma_wait3A_32 = arith.constant 0 : i32
      %dma_wait3A_33 = tpu.memref_slice %arg3[%dma_wait3A_31, %dma_wait3A_32] : memref<10240x128xf32, #tpu.memory_space<hbm>> -> memref<10240x128xf32, #tpu.memory_space<hbm>>
      tpu.wait_indirect_dma semaphore(%arg14 : memref<!tpu.dma_semaphore, #tpu.memory_space<semaphore_mem>>) src(%dma_wait3A_33 : memref<10240x128xf32, #tpu.memory_space<hbm>>) dst(%arg11 : memref<80x128xf32, #tpu.memory_space<vmem>>)
      "tpu.region"() ({
        %run_scoped3A = tpu.sem_alloc : memref<!tpu.dma_semaphore, #tpu.memory_space<semaphore_mem>>
        %dma_start3A_34 = arith.constant 9920 : i32
        %dma_start3A_35 = tpu.memref_slice %arg10[%dma_start3A_34] : memref<10000xi32, #tpu.memory_space<vmem>> -> memref<80xi32, #tpu.memory_space<vmem>>
        %dma_start3A_36 = arith.constant 0 : i32
        %dma_start3A_37 = arith.constant 0 : i32
        %dma_start3A_38 = tpu.memref_slice %arg13[%dma_start3A_36, %dma_start3A_37] : memref<10240x128xf32, #tpu.memory_space<vmem_shared>> -> memref<10240x128xf32, #tpu.memory_space<vmem_shared>>
        tpu.enqueue_indirect_dma source(%arg11 : memref<80x128xf32, #tpu.memory_space<vmem>>) target(%dma_start3A_38 : memref<10240x128xf32, #tpu.memory_space<vmem_shared>>) offsets(%dma_start3A_35 : memref<80xi32, #tpu.memory_space<vmem>>) semaphore(%run_scoped3A : memref<!tpu.dma_semaphore, #tpu.memory_space<semaphore_mem>>) {add = true}
        %dma_wait3A_39 = arith.constant 9920 : i32
        %dma_wait3A_40 = tpu.memref_slice %arg10[%dma_wait3A_39] : memref<10000xi32, #tpu.memory_space<vmem>> -> memref<80xi32, #tpu.memory_space<vmem>>
        %dma_wait3A_41 = arith.constant 0 : i32
        %dma_wait3A_42 = arith.constant 0 : i32
        %dma_wait3A_43 = tpu.memref_slice %arg13[%dma_wait3A_41, %dma_wait3A_42] : memref<10240x128xf32, #tpu.memory_space<vmem_shared>> -> memref<10240x128xf32, #tpu.memory_space<vmem_shared>>
        tpu.wait_indirect_dma semaphore(%run_scoped3A : memref<!tpu.dma_semaphore, #tpu.memory_space<semaphore_mem>>) src(%arg11 : memref<80x128xf32, #tpu.memory_space<vmem>>) dst(%dma_wait3A_43 : memref<10240x128xf32, #tpu.memory_space<vmem_shared>>)
        tpu.yield
      }) : () -> ()
    } else {
    }
    %barrier3A_10 = arith.constant 0 : index
    tpu.barrier barrier_id(%barrier3A_10)
    %eq3A_11 = arith.constant 0 : i32
    %eq3A_12 = arith.cmpi eq, %arg0, %eq3A_11 : i32
    %convert_element_type3A_13 = arith.extui %eq3A_12 : i1 to i32
    %cond3A_14 = arith.constant 0 : i32
    %cond3A_15 = arith.cmpi ne, %convert_element_type3A_13, %cond3A_14 : i32
    scf.if %cond3A_15 {
      "tpu.region"() ({
        %run_scoped3A = tpu.sem_alloc : memref<!tpu.dma_semaphore, #tpu.memory_space<semaphore_mem>>
        %dma_start3A = arith.constant 0 : i32
        %dma_start3A_21 = tpu.memref_slice %arg7[%mul3A_0, %dma_start3A] : memref<10240x128xf32, #tpu.memory_space<hbm>> -> memref<640x128xf32, #tpu.memory_space<hbm>>
        %dma_start3A_22 = arith.constant 0 : i32
        %dma_start3A_23 = tpu.memref_slice %arg13[%mul3A_0, %dma_start3A_22] : memref<10240x128xf32, #tpu.memory_space<vmem_shared>> -> memref<640x128xf32, #tpu.memory_space<vmem_shared>>
        tpu.enqueue_dma source(%dma_start3A_23 : memref<640x128xf32, #tpu.memory_space<vmem_shared>>) target(%dma_start3A_21 : memref<640x128xf32, #tpu.memory_space<hbm>>) target_semaphore(%run_scoped3A : memref<!tpu.dma_semaphore, #tpu.memory_space<semaphore_mem>>)
        %dma_wait3A = arith.constant 0 : i32
        %dma_wait3A_24 = tpu.memref_slice %arg7[%mul3A_0, %dma_wait3A] : memref<10240x128xf32, #tpu.memory_space<hbm>> -> memref<640x128xf32, #tpu.memory_space<hbm>>
        %dma_wait3A_25 = arith.constant 0 : i32
        %dma_wait3A_26 = tpu.memref_slice %arg13[%mul3A_0, %dma_wait3A_25] : memref<10240x128xf32, #tpu.memory_space<vmem_shared>> -> memref<640x128xf32, #tpu.memory_space<vmem_shared>>
        tpu.wait_dma2 semaphore(%run_scoped3A : memref<!tpu.dma_semaphore, #tpu.memory_space<semaphore_mem>>) src(%dma_wait3A_26 : memref<640x128xf32, #tpu.memory_space<vmem_shared>>) dst(%dma_wait3A_24 : memref<640x128xf32, #tpu.memory_space<hbm>>)
        tpu.yield
      }) : () -> ()
    } else {
    }
    %eq3A_16 = arith.constant 1 : i32
    %eq3A_17 = arith.cmpi eq, %arg0, %eq3A_16 : i32
    %convert_element_type3A_18 = arith.extui %eq3A_17 : i1 to i32
    %cond3A_19 = arith.constant 0 : i32
    %cond3A_20 = arith.cmpi ne, %convert_element_type3A_18, %cond3A_19 : i32
    scf.if %cond3A_20 {
      "tpu.region"() ({
        %run_scoped3A = tpu.sem_alloc : memref<!tpu.dma_semaphore, #tpu.memory_space<semaphore_mem>>
        %dma_start3A = arith.constant 0 : i32
        %dma_start3A_21 = tpu.memref_slice %arg8[%mul3A_0, %dma_start3A] : memref<10240x128xf32, #tpu.memory_space<hbm>> -> memref<640x128xf32, #tpu.memory_space<hbm>>
        %dma_start3A_22 = arith.constant 0 : i32
        %dma_start3A_23 = tpu.memref_slice %arg13[%mul3A_0, %dma_start3A_22] : memref<10240x128xf32, #tpu.memory_space<vmem_shared>> -> memref<640x128xf32, #tpu.memory_space<vmem_shared>>
        tpu.enqueue_dma source(%dma_start3A_23 : memref<640x128xf32, #tpu.memory_space<vmem_shared>>) target(%dma_start3A_21 : memref<640x128xf32, #tpu.memory_space<hbm>>) target_semaphore(%run_scoped3A : memref<!tpu.dma_semaphore, #tpu.memory_space<semaphore_mem>>)
        %dma_wait3A = arith.constant 0 : i32
        %dma_wait3A_24 = tpu.memref_slice %arg8[%mul3A_0, %dma_wait3A] : memref<10240x128xf32, #tpu.memory_space<hbm>> -> memref<640x128xf32, #tpu.memory_space<hbm>>
        %dma_wait3A_25 = arith.constant 0 : i32
        %dma_wait3A_26 = tpu.memref_slice %arg13[%mul3A_0, %dma_wait3A_25] : memref<10240x128xf32, #tpu.memory_space<vmem_shared>> -> memref<640x128xf32, #tpu.memory_space<vmem_shared>>
        tpu.wait_dma2 semaphore(%run_scoped3A : memref<!tpu.dma_semaphore, #tpu.memory_space<semaphore_mem>>) src(%dma_wait3A_26 : memref<640x128xf32, #tpu.memory_space<vmem_shared>>) dst(%dma_wait3A_24 : memref<640x128xf32, #tpu.memory_space<hbm>>)
        tpu.yield
      }) : () -> ()
    } else {
    }
    return
  }
}

module attributes {stable_mosaic.version = 14 : i64} {
  func.func @_tc1_body(%arg0: i32, %arg1: memref<1024x128xf32, #tpu.memory_space<vmem>>, %arg2: memref<1024x128xf32, #tpu.memory_space<vmem>>, %arg3: memref<1024x128xf32, #tpu.memory_space<vmem>>, %arg4: memref<1024x128xf32, #tpu.memory_space<vmem>>, %arg5: memref<256x512xf32, #tpu.memory_space<vmem>>, %arg6: memref<1x512xf32, #tpu.memory_space<vmem>>, %arg7: memref<1024x128xf32, #tpu.memory_space<vmem>>, %arg8: memref<1024x128xf32, #tpu.memory_space<vmem>>, %arg9: memref<1024x128xf32, #tpu.memory_space<vmem>>, %arg10: memref<1024x128xf32, #tpu.memory_space<vmem>>) attributes {dimension_semantics = [#tpu.dimension_semantics<arbitrary>], iteration_bounds = array<i64: 10>, scalar_prefetch = 0 : i64, scratch_operands = 0 : i64, tpu.core_type = #tpu.core_type<tc>, window_params = [{transform_indices = @transform_0, window_bounds = array<i64: 1024, 128>}, {transform_indices = @transform_1, window_bounds = array<i64: 1024, 128>}, {transform_indices = @transform_2, window_bounds = array<i64: 1024, 128>}, {transform_indices = @transform_3, window_bounds = array<i64: 1024, 128>}, {pipeline_mode = #tpu.pipeline_mode<synchronous>, transform_indices = @transform_4, window_bounds = array<i64: 256, 512>}, {pipeline_mode = #tpu.pipeline_mode<synchronous>, transform_indices = @transform_5, window_bounds = array<i64: 1, 512>}, {transform_indices = @transform_6, window_bounds = array<i64: 1024, 128>}, {transform_indices = @transform_7, window_bounds = array<i64: 1024, 128>}, {transform_indices = @transform_8, window_bounds = array<i64: 1024, 128>}, {transform_indices = @transform_9, window_bounds = array<i64: 1024, 128>}]} {
    %get3A = arith.constant 0 : index
    %get3A_0 = arith.constant 0 : index
    %get3A_1 = vector.load %arg1[%get3A, %get3A_0] : memref<1024x128xf32, #tpu.memory_space<vmem>>, vector<1024x128xf32>
    %get3A_2 = arith.constant 0 : index
    %get3A_3 = arith.constant 0 : index
    %get3A_4 = vector.load %arg2[%get3A_2, %get3A_3] : memref<1024x128xf32, #tpu.memory_space<vmem>>, vector<1024x128xf32>
    %concatenate3A = tpu.concatenate %get3A_1, %get3A_4 in 1 : vector<1024x128xf32>, vector<1024x128xf32> -> vector<1024x256xf32>
    %get3A_5 = arith.constant 0 : index
    %get3A_6 = arith.constant 0 : index
    %get3A_7 = vector.load %arg5[%get3A_5, %get3A_6] : memref<256x512xf32, #tpu.memory_space<vmem>>, vector<256x512xf32>
    %dot_general3A = arith.constant dense<0.000000e+00> : vector<1024x512xf32>
    %dot_general3A_8 = tpu.matmul %concatenate3A, %get3A_7, %dot_general3A {dimension_numbers = #tpu.dot_dimension_numbers<[1], [0], [0], [1], [0, 0, 1, 1], [], []>, transpose_lhs_hint = false} : vector<1024x256xf32>, vector<256x512xf32>, vector<1024x512xf32> -> vector<1024x512xf32>
    %get3A_9 = arith.constant 0 : index
    %get3A_10 = arith.constant 0 : index
    %get3A_11 = vector.load %arg6[%get3A_9, %get3A_10] : memref<1x512xf32, #tpu.memory_space<vmem>>, vector<1x512xf32>
    %add3A = vector.broadcast %get3A_11 : vector<1x512xf32> to vector<1024x512xf32>
    %add3A_12 = arith.addf %dot_general3A_8, %add3A : vector<1024x512xf32>
    %max3A = arith.constant 0.000000e+00 : f32
    %max3A_13 = vector.broadcast %max3A : f32 to vector<1024x512xf32>
    %max3A_14 = arith.maximumf %add3A_12, %max3A_13 : vector<1024x512xf32>
    %get3A_15 = arith.constant 0 : index
    %get3A_16 = arith.constant 0 : index
    %get3A_17 = vector.load %arg3[%get3A_15, %get3A_16] : memref<1024x128xf32, #tpu.memory_space<vmem>>, vector<1024x1xf32>
    %get3A_18 = arith.constant 0 : index
    %get3A_19 = arith.constant 0 : index
    %get3A_20 = vector.load %arg4[%get3A_18, %get3A_19] : memref<1024x128xf32, #tpu.memory_space<vmem>>, vector<1024x1xf32>
    %add3A_21 = arith.addf %get3A_17, %get3A_20 : vector<1024x1xf32>
    %add3A_22 = arith.constant 1.000000e+00 : f32
    %add3A_23 = vector.broadcast %add3A_22 : f32 to vector<1024x1xf32>
    %add3A_24 = arith.addf %add3A_21, %add3A_23 : vector<1024x1xf32>
    %rsqrt3A = math.rsqrt %add3A_24 : vector<1024x1xf32>
    %mul3A = vector.broadcast %rsqrt3A : vector<1024x1xf32> to vector<1024x512xf32>
    %mul3A_25 = arith.mulf %max3A_14, %mul3A : vector<1024x512xf32>
    %slice3A = vector.extract_strided_slice %mul3A_25 {offsets = [0, 0], sizes = [1024, 128], strides = [1, 1]} : vector<1024x512xf32> to vector<1024x128xf32>
    %swap3A = arith.constant 0 : index
    %swap3A_26 = arith.constant 0 : index
    %swap3A_27 = vector.load %arg7[%swap3A, %swap3A_26] : memref<1024x128xf32, #tpu.memory_space<vmem>>, vector<1024x128xf32>
    tpu.vector_store %arg7[%swap3A, %swap3A_26], %slice3A {strides = array<i32>} : memref<1024x128xf32, #tpu.memory_space<vmem>>, vector<1024x128xf32>,
    %slice3A_28 = vector.extract_strided_slice %mul3A_25 {offsets = [0, 128], sizes = [1024, 128], strides = [1, 1]} : vector<1024x512xf32> to vector<1024x128xf32>
    %swap3A_29 = arith.constant 0 : index
    %swap3A_30 = arith.constant 0 : index
    %swap3A_31 = vector.load %arg8[%swap3A_29, %swap3A_30] : memref<1024x128xf32, #tpu.memory_space<vmem>>, vector<1024x128xf32>
    tpu.vector_store %arg8[%swap3A_29, %swap3A_30], %slice3A_28 {strides = array<i32>} : memref<1024x128xf32, #tpu.memory_space<vmem>>, vector<1024x128xf32>,
    %slice3A_32 = vector.extract_strided_slice %mul3A_25 {offsets = [0, 256], sizes = [1024, 128], strides = [1, 1]} : vector<1024x512xf32> to vector<1024x128xf32>
    %swap3A_33 = arith.constant 0 : index
    %swap3A_34 = arith.constant 0 : index
    %swap3A_35 = vector.load %arg9[%swap3A_33, %swap3A_34] : memref<1024x128xf32, #tpu.memory_space<vmem>>, vector<1024x128xf32>
    tpu.vector_store %arg9[%swap3A_33, %swap3A_34], %slice3A_32 {strides = array<i32>} : memref<1024x128xf32, #tpu.memory_space<vmem>>, vector<1024x128xf32>,
    %slice3A_36 = vector.extract_strided_slice %mul3A_25 {offsets = [0, 384], sizes = [1024, 128], strides = [1, 1]} : vector<1024x512xf32> to vector<1024x128xf32>
    %swap3A_37 = arith.constant 0 : index
    %swap3A_38 = arith.constant 0 : index
    %swap3A_39 = vector.load %arg10[%swap3A_37, %swap3A_38] : memref<1024x128xf32, #tpu.memory_space<vmem>>, vector<1024x128xf32>
    tpu.vector_store %arg10[%swap3A_37, %swap3A_38], %slice3A_36 {strides = array<i32>} : memref<1024x128xf32, #tpu.memory_space<vmem>>, vector<1024x128xf32>,
    return
  }
  func.func @transform_0(%arg0: i32) -> (i32, i32) {
    %c0_i32 = arith.constant 0 : i32
    %c0_i32_0 = arith.constant 0 : i32
    return %arg0, %c0_i32 : i32, i32
  }
  func.func @transform_1(%arg0: i32) -> (i32, i32) {
    %c0_i32 = arith.constant 0 : i32
    %c0_i32_0 = arith.constant 0 : i32
    return %arg0, %c0_i32 : i32, i32
  }
  func.func @transform_2(%arg0: i32) -> (i32, i32) {
    %c0_i32 = arith.constant 0 : i32
    %c0_i32_0 = arith.constant 0 : i32
    return %arg0, %c0_i32 : i32, i32
  }
  func.func @transform_3(%arg0: i32) -> (i32, i32) {
    %c0_i32 = arith.constant 0 : i32
    %c0_i32_0 = arith.constant 0 : i32
    return %arg0, %c0_i32 : i32, i32
  }
  func.func @transform_4(%arg0: i32) -> (i32, i32) {
    %c0_i32 = arith.constant 0 : i32
    %c0_i32_0 = arith.constant 0 : i32
    %c0_i32_1 = arith.constant 0 : i32
    return %c0_i32, %c0_i32_0 : i32, i32
  }
  func.func @transform_5(%arg0: i32) -> (i32, i32) {
    %c0_i32 = arith.constant 0 : i32
    %c0_i32_0 = arith.constant 0 : i32
    %c0_i32_1 = arith.constant 0 : i32
    return %c0_i32, %c0_i32_0 : i32, i32
  }
  func.func @transform_6(%arg0: i32) -> (i32, i32) {
    %c0_i32 = arith.constant 0 : i32
    %c0_i32_0 = arith.constant 0 : i32
    return %arg0, %c0_i32 : i32, i32
  }
  func.func @transform_7(%arg0: i32) -> (i32, i32) {
    %c0_i32 = arith.constant 0 : i32
    %c0_i32_0 = arith.constant 0 : i32
    return %arg0, %c0_i32 : i32, i32
  }
  func.func @transform_8(%arg0: i32) -> (i32, i32) {
    %c0_i32 = arith.constant 0 : i32
    %c0_i32_0 = arith.constant 0 : i32
    return %arg0, %c0_i32 : i32, i32
  }
  func.func @transform_9(%arg0: i32) -> (i32, i32) {
    %c0_i32 = arith.constant 0 : i32
    %c0_i32_0 = arith.constant 0 : i32
    return %arg0, %c0_i32 : i32, i32
  }
}

module attributes {stable_mosaic.version = 14 : i64} {
  func.func @_tc2_body(%arg0: i32, %arg1: memref<1024x128xf32, #tpu.memory_space<vmem>>, %arg2: memref<1024x128xf32, #tpu.memory_space<vmem>>, %arg3: memref<1024x128xf32, #tpu.memory_space<vmem>>, %arg4: memref<1024x128xf32, #tpu.memory_space<vmem>>, %arg5: memref<1024x128xf32, #tpu.memory_space<vmem>>, %arg6: memref<1024x128xf32, #tpu.memory_space<vmem>>, %arg7: memref<1024x128xf32, #tpu.memory_space<vmem>>, %arg8: memref<1024x128xf32, #tpu.memory_space<vmem>>, %arg9: memref<1024x128xf32, #tpu.memory_space<vmem>>, %arg10: memref<1024x128xf32, #tpu.memory_space<vmem>>, %arg11: memref<512x512xf32, #tpu.memory_space<vmem>>, %arg12: memref<1x512xf32, #tpu.memory_space<vmem>>, %arg13: memref<512x256xf32, #tpu.memory_space<vmem>>, %arg14: memref<1024x128xf32, #tpu.memory_space<vmem>>, %arg15: memref<1024x128xf32, #tpu.memory_space<vmem>>) attributes {dimension_semantics = [#tpu.dimension_semantics<arbitrary>], iteration_bounds = array<i64: 10>, scalar_prefetch = 0 : i64, scratch_operands = 0 : i64, tpu.core_type = #tpu.core_type<tc>, window_params = [{transform_indices = @transform_0, window_bounds = array<i64: 1024, 128>}, {transform_indices = @transform_1, window_bounds = array<i64: 1024, 128>}, {transform_indices = @transform_2, window_bounds = array<i64: 1024, 128>}, {transform_indices = @transform_3, window_bounds = array<i64: 1024, 128>}, {transform_indices = @transform_4, window_bounds = array<i64: 1024, 128>}, {transform_indices = @transform_5, window_bounds = array<i64: 1024, 128>}, {transform_indices = @transform_6, window_bounds = array<i64: 1024, 128>}, {transform_indices = @transform_7, window_bounds = array<i64: 1024, 128>}, {transform_indices = @transform_8, window_bounds = array<i64: 1024, 128>}, {transform_indices = @transform_9, window_bounds = array<i64: 1024, 128>}, {pipeline_mode = #tpu.pipeline_mode<synchronous>, transform_indices = @transform_10, window_bounds = array<i64: 512, 512>}, {pipeline_mode = #tpu.pipeline_mode<synchronous>, transform_indices = @transform_11, window_bounds = array<i64: 1, 512>}, {pipeline_mode = #tpu.pipeline_mode<synchronous>, transform_indices = @transform_12, window_bounds = array<i64: 512, 256>}, {transform_indices = @transform_13, window_bounds = array<i64: 1024, 128>}, {transform_indices = @transform_14, window_bounds = array<i64: 1024, 128>}]} {
    %get3A = arith.constant 0 : index
    %get3A_0 = arith.constant 0 : index
    %get3A_1 = vector.load %arg1[%get3A, %get3A_0] : memref<1024x128xf32, #tpu.memory_space<vmem>>, vector<1024x128xf32>
    %get3A_2 = arith.constant 0 : index
    %get3A_3 = arith.constant 0 : index
    %get3A_4 = vector.load %arg5[%get3A_2, %get3A_3] : memref<1024x128xf32, #tpu.memory_space<vmem>>, vector<1024x128xf32>
    %add3A = arith.addf %get3A_1, %get3A_4 : vector<1024x128xf32>
    %get3A_5 = arith.constant 0 : index
    %get3A_6 = arith.constant 0 : index
    %get3A_7 = vector.load %arg2[%get3A_5, %get3A_6] : memref<1024x128xf32, #tpu.memory_space<vmem>>, vector<1024x128xf32>
    %get3A_8 = arith.constant 0 : index
    %get3A_9 = arith.constant 0 : index
    %get3A_10 = vector.load %arg6[%get3A_8, %get3A_9] : memref<1024x128xf32, #tpu.memory_space<vmem>>, vector<1024x128xf32>
    %add3A_11 = arith.addf %get3A_7, %get3A_10 : vector<1024x128xf32>
    %get3A_12 = arith.constant 0 : index
    %get3A_13 = arith.constant 0 : index
    %get3A_14 = vector.load %arg3[%get3A_12, %get3A_13] : memref<1024x128xf32, #tpu.memory_space<vmem>>, vector<1024x128xf32>
    %get3A_15 = arith.constant 0 : index
    %get3A_16 = arith.constant 0 : index
    %get3A_17 = vector.load %arg7[%get3A_15, %get3A_16] : memref<1024x128xf32, #tpu.memory_space<vmem>>, vector<1024x128xf32>
    %add3A_18 = arith.addf %get3A_14, %get3A_17 : vector<1024x128xf32>
    %get3A_19 = arith.constant 0 : index
    %get3A_20 = arith.constant 0 : index
    %get3A_21 = vector.load %arg4[%get3A_19, %get3A_20] : memref<1024x128xf32, #tpu.memory_space<vmem>>, vector<1024x128xf32>
    %get3A_22 = arith.constant 0 : index
    %get3A_23 = arith.constant 0 : index
    %get3A_24 = vector.load %arg8[%get3A_22, %get3A_23] : memref<1024x128xf32, #tpu.memory_space<vmem>>, vector<1024x128xf32>
    %add3A_25 = arith.addf %get3A_21, %get3A_24 : vector<1024x128xf32>
    %concatenate3A = tpu.concatenate %add3A, %add3A_11, %add3A_18, %add3A_25 in 1 : vector<1024x128xf32>, vector<1024x128xf32>, vector<1024x128xf32>, vector<1024x128xf32> -> vector<1024x512xf32>
    %get3A_26 = arith.constant 0 : index
    %get3A_27 = arith.constant 0 : index
    %get3A_28 = vector.load %arg9[%get3A_26, %get3A_27] : memref<1024x128xf32, #tpu.memory_space<vmem>>, vector<1024x1xf32>
    %get3A_29 = arith.constant 0 : index
    %get3A_30 = arith.constant 0 : index
    %get3A_31 = vector.load %arg10[%get3A_29, %get3A_30] : memref<1024x128xf32, #tpu.memory_space<vmem>>, vector<1024x1xf32>
    %add3A_32 = arith.addf %get3A_28, %get3A_31 : vector<1024x1xf32>
    %add3A_33 = arith.constant 1.000000e+00 : f32
    %add3A_34 = vector.broadcast %add3A_33 : f32 to vector<1024x1xf32>
    %add3A_35 = arith.addf %add3A_32, %add3A_34 : vector<1024x1xf32>
    %rsqrt3A = math.rsqrt %add3A_35 : vector<1024x1xf32>
    %mul3A = vector.broadcast %rsqrt3A : vector<1024x1xf32> to vector<1024x512xf32>
    %mul3A_36 = arith.mulf %concatenate3A, %mul3A : vector<1024x512xf32>
    %get3A_37 = arith.constant 0 : index
    %get3A_38 = arith.constant 0 : index
    %get3A_39 = vector.load %arg11[%get3A_37, %get3A_38] : memref<512x512xf32, #tpu.memory_space<vmem>>, vector<512x512xf32>
    %dot_general3A = arith.constant dense<0.000000e+00> : vector<1024x512xf32>
    %dot_general3A_40 = tpu.matmul %mul3A_36, %get3A_39, %dot_general3A {dimension_numbers = #tpu.dot_dimension_numbers<[1], [0], [0], [1], [0, 0, 1, 1], [], []>, transpose_lhs_hint = false} : vector<1024x512xf32>, vector<512x512xf32>, vector<1024x512xf32> -> vector<1024x512xf32>
    %get3A_41 = arith.constant 0 : index
    %get3A_42 = arith.constant 0 : index
    %get3A_43 = vector.load %arg12[%get3A_41, %get3A_42] : memref<1x512xf32, #tpu.memory_space<vmem>>, vector<1x512xf32>
    %add3A_44 = vector.broadcast %get3A_43 : vector<1x512xf32> to vector<1024x512xf32>
    %add3A_45 = arith.addf %dot_general3A_40, %add3A_44 : vector<1024x512xf32>
    %max3A = arith.constant 0.000000e+00 : f32
    %max3A_46 = vector.broadcast %max3A : f32 to vector<1024x512xf32>
    %max3A_47 = arith.maximumf %add3A_45, %max3A_46 : vector<1024x512xf32>
    %get3A_48 = arith.constant 0 : index
    %get3A_49 = arith.constant 0 : index
    %get3A_50 = vector.load %arg13[%get3A_48, %get3A_49] : memref<512x256xf32, #tpu.memory_space<vmem>>, vector<512x256xf32>
    %dot_general3A_51 = arith.constant dense<0.000000e+00> : vector<1024x256xf32>
    %dot_general3A_52 = tpu.matmul %max3A_47, %get3A_50, %dot_general3A_51 {dimension_numbers = #tpu.dot_dimension_numbers<[1], [0], [0], [1], [0, 0, 1, 1], [], []>, transpose_lhs_hint = false} : vector<1024x512xf32>, vector<512x256xf32>, vector<1024x256xf32> -> vector<1024x256xf32>
    %slice3A = vector.extract_strided_slice %dot_general3A_52 {offsets = [0, 0], sizes = [1024, 128], strides = [1, 1]} : vector<1024x256xf32> to vector<1024x128xf32>
    %swap3A = arith.constant 0 : index
    %swap3A_53 = arith.constant 0 : index
    %swap3A_54 = vector.load %arg14[%swap3A, %swap3A_53] : memref<1024x128xf32, #tpu.memory_space<vmem>>, vector<1024x128xf32>
    tpu.vector_store %arg14[%swap3A, %swap3A_53], %slice3A {strides = array<i32>} : memref<1024x128xf32, #tpu.memory_space<vmem>>, vector<1024x128xf32>,
    %slice3A_55 = vector.extract_strided_slice %dot_general3A_52 {offsets = [0, 128], sizes = [1024, 128], strides = [1, 1]} : vector<1024x256xf32> to vector<1024x128xf32>
    %swap3A_56 = arith.constant 0 : index
    %swap3A_57 = arith.constant 0 : index
    %swap3A_58 = vector.load %arg15[%swap3A_56, %swap3A_57] : memref<1024x128xf32, #tpu.memory_space<vmem>>, vector<1024x128xf32>
    tpu.vector_store %arg15[%swap3A_56, %swap3A_57], %slice3A_55 {strides = array<i32>} : memref<1024x128xf32, #tpu.memory_space<vmem>>, vector<1024x128xf32>,
    return
  }
  func.func @transform_0(%arg0: i32) -> (i32, i32) {
    %c0_i32 = arith.constant 0 : i32
    %c0_i32_0 = arith.constant 0 : i32
    return %arg0, %c0_i32 : i32, i32
  }
  func.func @transform_1(%arg0: i32) -> (i32, i32) {
    %c0_i32 = arith.constant 0 : i32
    %c0_i32_0 = arith.constant 0 : i32
    return %arg0, %c0_i32 : i32, i32
  }
  func.func @transform_2(%arg0: i32) -> (i32, i32) {
    %c0_i32 = arith.constant 0 : i32
    %c0_i32_0 = arith.constant 0 : i32
    return %arg0, %c0_i32 : i32, i32
  }
  func.func @transform_3(%arg0: i32) -> (i32, i32) {
    %c0_i32 = arith.constant 0 : i32
    %c0_i32_0 = arith.constant 0 : i32
    return %arg0, %c0_i32 : i32, i32
  }
  func.func @transform_4(%arg0: i32) -> (i32, i32) {
    %c0_i32 = arith.constant 0 : i32
    %c0_i32_0 = arith.constant 0 : i32
    return %arg0, %c0_i32 : i32, i32
  }
  func.func @transform_5(%arg0: i32) -> (i32, i32) {
    %c0_i32 = arith.constant 0 : i32
    %c0_i32_0 = arith.constant 0 : i32
    return %arg0, %c0_i32 : i32, i32
  }
  func.func @transform_6(%arg0: i32) -> (i32, i32) {
    %c0_i32 = arith.constant 0 : i32
    %c0_i32_0 = arith.constant 0 : i32
    return %arg0, %c0_i32 : i32, i32
  }
  func.func @transform_7(%arg0: i32) -> (i32, i32) {
    %c0_i32 = arith.constant 0 : i32
    %c0_i32_0 = arith.constant 0 : i32
    return %arg0, %c0_i32 : i32, i32
  }
  func.func @transform_8(%arg0: i32) -> (i32, i32) {
    %c0_i32 = arith.constant 0 : i32
    %c0_i32_0 = arith.constant 0 : i32
    return %arg0, %c0_i32 : i32, i32
  }
  func.func @transform_9(%arg0: i32) -> (i32, i32) {
    %c0_i32 = arith.constant 0 : i32
    %c0_i32_0 = arith.constant 0 : i32
    return %arg0, %c0_i32 : i32, i32
  }
  func.func @transform_10(%arg0: i32) -> (i32, i32) {
    %c0_i32 = arith.constant 0 : i32
    %c0_i32_0 = arith.constant 0 : i32
    %c0_i32_1 = arith.constant 0 : i32
    return %c0_i32, %c0_i32_0 : i32, i32
  }
  func.func @transform_11(%arg0: i32) -> (i32, i32) {
    %c0_i32 = arith.constant 0 : i32
    %c0_i32_0 = arith.constant 0 : i32
    %c0_i32_1 = arith.constant 0 : i32
    return %c0_i32, %c0_i32_0 : i32, i32
  }
  func.func @transform_12(%arg0: i32) -> (i32, i32) {
    %c0_i32 = arith.constant 0 : i32
    %c0_i32_0 = arith.constant 0 : i32
    %c0_i32_1 = arith.constant 0 : i32
    return %c0_i32, %c0_i32_0 : i32, i32
  }
  func.func @transform_13(%arg0: i32) -> (i32, i32) {
    %c0_i32 = arith.constant 0 : i32
    %c0_i32_0 = arith.constant 0 : i32
    return %arg0, %c0_i32 : i32, i32
  }
  func.func @transform_14(%arg0: i32) -> (i32, i32) {
    %c0_i32 = arith.constant 0 : i32
    %c0_i32_0 = arith.constant 0 : i32
    return %arg0, %c0_i32 : i32, i32
  }
}

module attributes {stable_mosaic.version = 14 : i64} {
  func.func @_tc3_body(%arg0: i32, %arg1: memref<1024x128xf32, #tpu.memory_space<vmem>>, %arg2: memref<1024x128xf32, #tpu.memory_space<vmem>>, %arg3: memref<1x256xf32, #tpu.memory_space<vmem>>, %arg4: memref<1024x256xf32, #tpu.memory_space<vmem>>) attributes {dimension_semantics = [#tpu.dimension_semantics<arbitrary>], iteration_bounds = array<i64: 10>, scalar_prefetch = 0 : i64, scratch_operands = 0 : i64, tpu.core_type = #tpu.core_type<tc>, window_params = [{transform_indices = @transform_0, window_bounds = array<i64: 1024, 128>}, {transform_indices = @transform_1, window_bounds = array<i64: 1024, 128>}, {pipeline_mode = #tpu.pipeline_mode<synchronous>, transform_indices = @transform_2, window_bounds = array<i64: 1, 256>}, {transform_indices = @transform_3, window_bounds = array<i64: 1024, 256>}]} {
    %get3A = arith.constant 0 : index
    %get3A_0 = arith.constant 0 : index
    %get3A_1 = vector.load %arg1[%get3A, %get3A_0] : memref<1024x128xf32, #tpu.memory_space<vmem>>, vector<1024x128xf32>
    %get3A_2 = arith.constant 0 : index
    %get3A_3 = arith.constant 0 : index
    %get3A_4 = vector.load %arg2[%get3A_2, %get3A_3] : memref<1024x128xf32, #tpu.memory_space<vmem>>, vector<1024x128xf32>
    %concatenate3A = tpu.concatenate %get3A_1, %get3A_4 in 1 : vector<1024x128xf32>, vector<1024x128xf32> -> vector<1024x256xf32>
    %get3A_5 = arith.constant 0 : index
    %get3A_6 = arith.constant 0 : index
    %get3A_7 = vector.load %arg3[%get3A_5, %get3A_6] : memref<1x256xf32, #tpu.memory_space<vmem>>, vector<1x256xf32>
    %add3A = vector.broadcast %get3A_7 : vector<1x256xf32> to vector<1024x256xf32>
    %add3A_8 = arith.addf %concatenate3A, %add3A : vector<1024x256xf32>
    %swap3A = arith.constant 0 : index
    %swap3A_9 = arith.constant 0 : index
    %swap3A_10 = vector.load %arg4[%swap3A, %swap3A_9] : memref<1024x256xf32, #tpu.memory_space<vmem>>, vector<1024x256xf32>
    tpu.vector_store %arg4[%swap3A, %swap3A_9], %add3A_8 {strides = array<i32>} : memref<1024x256xf32, #tpu.memory_space<vmem>>, vector<1024x256xf32>,
    return
  }
  func.func @transform_0(%arg0: i32) -> (i32, i32) {
    %c0_i32 = arith.constant 0 : i32
    %c0_i32_0 = arith.constant 0 : i32
    return %arg0, %c0_i32 : i32, i32
  }
  func.func @transform_1(%arg0: i32) -> (i32, i32) {
    %c0_i32 = arith.constant 0 : i32
    %c0_i32_0 = arith.constant 0 : i32
    return %arg0, %c0_i32 : i32, i32
  }
  func.func @transform_2(%arg0: i32) -> (i32, i32) {
    %c0_i32 = arith.constant 0 : i32
    %c0_i32_0 = arith.constant 0 : i32
    %c0_i32_1 = arith.constant 0 : i32
    return %c0_i32, %c0_i32_0 : i32, i32
  }
  func.func @transform_3(%arg0: i32) -> (i32, i32) {
    %c0_i32 = arith.constant 0 : i32
    %c0_i32_0 = arith.constant 0 : i32
    return %arg0, %c0_i32 : i32, i32
  }
}

</mosaic_0001>

<sc_bundles>
// kernel: kernel.11.cloned.1.call-start
scs
__scs_entry_jumppad:
0x0: {  	(pc) =	sbr.rel $0x88, $3  }
0x1: {  	(tag) =	ssettag $0x0;
	lr =	simm.s32 $0x1  }
0x2: {  	[smem:$0x3F99] =	sst lr;
	_ =	strace $0xD0000000  }
0x3: {  	_ = 	snop  }
0x4: {  	_ = 	snop  }
0x5: {  	_ = 	snop  }
0x6: {  	_ = 	snop  }
0x7: {  	_ = 	snop  }
__scs_overlays_trampoline_lowered:
0x8: {  	[smem:$0x3FA8] =	sst s0  }
0x9: {  	[smem:$0x3FA9] =	sst s1  }
0xa: {  	[smem:$0x3FAA] =	sst s2  }
0xb: {  	[smem:$0x3FAB] =	sst s3  }
0xc: {  	[smem:$0x3FAC] =	sst s4  }
0xd: {  	[smem:$0x3FAD] =	sst s5  }
0xe: {  	[smem:$0x3FAE] =	sst s6  }
0xf: {  	[smem:$0x3FAF] =	sst s7  }
0x10: {  	[smem:$0x3FB0] =	sst s8  }
0x11: {  	[smem:$0x3FB1] =	sst s9;
	s0 =	simm.s32 @!p0 $0x0  }
0x12: {  	s1 =	sld [smem:$0x3F97];
	s0 =	simm.s32 @p0 $0x1  }
0x13: {  	[smem:$0x3FB2] =	sst s0;
	s0 =	simm.s32 @!p1 $0x0  }
0x14: {  	s2 =	sld [smem:$0x3F96];
	s0 =	simm.s32 @p1 $0x1  }
0x15: {  	[smem:$0x3FB3] =	sst s0;
	s0 =	simm.s32 @!p2 $0x0  }
0x16: {  	s3 =	sld [smem:$0x3FDB];
	s0 =	simm.s32 @p2 $0x1  }
0x17: {  	s4 =	simm.s32 $0x1BF5;
	[smem:$0x3FB5] =	sst s0  }
0x18: {  	s0 =	sld [smem:$0x3F98];
	_ =	swait.ge [sflag:s4], $0x0  }
0x19: {  	s7 =	sld [smem:$0x3F99]  }
0x1a: {  	s8 =	sadd.s32 $0xFFFFE003, lr  }
0x1b: {  	s9 =	sadd.s32 $0xFFFFFEF7, lr;
	s5 =	simm.s32 $0xFFFFFFFF;
	p2 =	slt.u32 s8, $0xFFFFF086  }
0x1c: {  	p1 =	slt.u32 s9, $0xF7A;
	s5 =	simm.s32 @!p2 $0x0  }
0x1d: {  	s5 =	simm.s32 @p1 $0x1;
	p0 =	seq.s32 s7, s2  }
0x1e: {  	s7 =	smul.u32 @!p0 $0xF7A, s2;
	p2 =	seq.s32 @!p0 s5, $0x0  }
0x1f: {  	s9 =	smul.u32 $0xF7A, s1;
	s8 =	simm.s32 @!p0 $0x1BF5;
	p2 =	por !p2, p0  }
0x20: {  	[sflag:s8] =	ssyncset.s32 @!p0 $0xFFFFF086;
	s6 =	sadd.s32 @!p0 s3, s7;
	s7 =	simm.s32 @!p0 $0x108  }
0x21: {  	s3 =	sadd.s32 s3, s9;
	s6 =	sadd.s32 @!p0 $0x88, s6;
	s7 =	simm.s32 @p2 $0x1082  }
0x22: {  	[simem:s7], [sflag:s8] =	dma.local @!p0 [hbm:s6], $0xF7A  }
0x23: {  	s9 =	sor.u32 $0xD0000000, s2;
	s6 =	simm.s32 $0x108;
	_ =	swait.ge @!p0 [sflag:s8], $0x0  }
0x24: {  	s3 =	sadd.s32 $0x88, s3;
	s6 =	simm.s32 @!p1 $0x1082;
	[sflag:s4] =	ssyncset.s32 $0xFFFFF086  }
0x25: {  	[simem:s6], [sflag:s4] =	dma.local [hbm:s3], $0xF7A  }
0x26: {  	[smem:$0x3F99] =	sst s1;
	(tag) =	ssettag s2;
	_ =	strace s9  }
0x27: {  	s1 =	sld [smem:$0x3FA9]  }
0x28: {  	s2 =	sld [smem:$0x3FAA]  }
0x29: {  	s4 =	sld [smem:$0x3FAC]  }
0x2a: {  	p0 =	seq.s32 s5, $0x0;
	s5 =	sld [smem:$0x3FAD]  }
0x2b: {  	s6 =	sld [smem:$0x3FAE]  }
0x2c: {  	s7 =	sld [smem:$0x3FAF]  }
0x2d: {  	s3 =	simm.s32 $0x108;
	s8 =	sld [smem:$0x3FB0]  }
0x2e: {  	s3 =	simm.s32 @!p0 $0x1082;
	s9 =	sld [smem:$0x3FB1]  }
0x2f: {  	lr =	sadd.s32 s0, s3;
	s0 =	sld [smem:$0x3FA8]  }
0x30: {  	s3 =	sld [smem:$0x3FAB]  }
0x31: {  	[smem:$0x3FB4] =	sst s10  }
0x32: {  	s10 =	sld [smem:$0x3FB2];
	_ =	sdelay $0x3  }
0x33: {  	p0 =	seq.s32 s10, $0x1;
	s10 =	sld [smem:$0x3FB4];
	_ =	sdelay $0x3  }
0x34: {  	[smem:$0x3FB4] =	sst s10  }
0x35: {  	s10 =	sld [smem:$0x3FB3];
	_ =	sdelay $0x3  }
0x36: {  	p1 =	seq.s32 s10, $0x1;
	s10 =	sld [smem:$0x3FB4];
	_ =	sdelay $0x3  }
0x37: {  	[smem:$0x3FB4] =	sst s10  }
0x38: {  	s10 =	sld [smem:$0x3FB5]  }
0x39: {  	_ = 	snop;
	(pc) =	sbr.ind lr, $3  }
0x3a: {  	_ = 	snop  }
0x3b: {  	_ = 	snop  }
0x3c: {  	p2 =	seq.s32 s10, $0x1;
	s10 =	sld [smem:$0x3FB4]  }
0x3d: {  	_ =	shalt  }
0x3e: {  	_ =	shalt  }
0x3f: {  	_ =	shalt  }
0x40: {  	_ =	shalt  }
0x41: {  	_ =	shalt  }
0x42: {  	_ =	shalt  }
0x43: {  	_ =	shalt  }
0x44: {  	_ =	shalt  }
0x45: {  	_ =	shalt  }
0x46: {  	_ =	shalt  }
0x47: {  	_ =	shalt  }
0x48: {  	_ =	shalt  }
0x49: {  	_ =	shalt  }
0x4a: {  	_ =	shalt  }
0x4b: {  	_ =	shalt  }
0x4c: {  	_ =	shalt  }
0x4d: {  	_ =	shalt  }
0x4e: {  	_ =	shalt  }
0x4f: {  	_ =	shalt  }
0x50: {  	_ =	shalt  }
0x51: {  	_ =	shalt  }
0x52: {  	_ =	shalt  }
0x53: {  	_ =	shalt  }
0x54: {  	_ =	shalt  }
0x55: {  	_ =	shalt  }
0x56: {  	_ =	shalt  }
0x57: {  	_ =	shalt  }
0x58: {  	_ =	shalt  }
0x59: {  	_ =	shalt  }
0x5a: {  	_ =	shalt  }
0x5b: {  	_ =	shalt  }
0x5c: {  	_ =	shalt  }
0x5d: {  	_ =	shalt  }
0x5e: {  	_ =	shalt  }
0x5f: {  	_ =	shalt  }
0x60: {  	_ =	shalt  }
0x61: {  	_ =	shalt  }
0x62: {  	_ =	shalt  }
0x63: {  	_ =	shalt  }
0x64: {  	_ =	shalt  }
0x65: {  	_ =	shalt  }
0x66: {  	_ =	shalt  }
0x67: {  	_ =	shalt  }
0x68: {  	_ =	shalt  }
0x69: {  	_ =	shalt  }
0x6a: {  	_ =	shalt  }
0x6b: {  	_ =	shalt  }
0x6c: {  	_ =	shalt  }
0x6d: {  	_ =	shalt  }
0x6e: {  	_ =	shalt  }
0x6f: {  	_ =	shalt  }
0x70: {  	_ =	shalt  }
0x71: {  	_ =	shalt  }
0x72: {  	_ =	shalt  }
0x73: {  	_ =	shalt  }
0x74: {  	_ =	shalt  }
0x75: {  	_ =	shalt  }
0x76: {  	_ =	shalt  }
0x77: {  	_ =	shalt  }
0x78: {  	_ =	shalt  }
0x79: {  	_ =	shalt  }
0x7a: {  	_ =	shalt  }
0x7b: {  	_ =	shalt  }
0x7c: {  	_ =	shalt  }
0x7d: {  	_ =	shalt  }
0x7e: {  	_ =	shalt  }
0x7f: {  	_ =	shalt  }
0x80: {  	_ =	shalt  }
0x81: {  	_ =	shalt  }
0x82: {  	_ =	shalt  }
0x83: {  	_ =	shalt  }
0x84: {  	_ =	shalt  }
0x85: {  	_ =	shalt  }
0x86: {  	_ =	shalt  }
0x87: {  	_ =	shalt  }
.Lfunc_end0:
.L_simem_size_0:
called_computation.1_lowered:
.L_overlay_start_0:
0x88: {  	s2 =	sld [smem:$0x3FD9]  }
0x89: {  	s3 =	sld [smem:$0x3FFE];
	_ =	sdelay $0x1  }
0x8a: {  	s1 =	srdreg.scid  }
0x8b: {  	s0 =	sand.u32 $0x1, s1  }
0x8c: {  	s17 =	sshll.u32 s0, $0xA;
	s2 =	sadd.s32 s3, s2  }
0x8d: {  	s2 =	sadd.s32 s2, s17  }
0x8e: {  	[smem:$0x3FC0] =	sst s2  }
0x8f: {  	_ = 	snop  }
0x90: {  	s2 =	sld [smem:$0x3FD0];
	(tm) =	ssettm $0x1  }
0x91: {  	s18 =	sld [smem:$0x3FFB];
	_ =	sdelay $0x3  }
0x92: {  	_ =	strace s18  }
0x93: {  	s3 =	sld [smem:$0x3FFC];
	_ =	sdelay $0x3  }
0x94: {  	_ =	strace s3  }
0x95: {  	s3 =	sld [smem:$0x3FFD];
	_ =	sdelay $0x3  }
0x96: {  	_ =	strace s3  }
0x97: {  	_ =	strace $0x8FFFFFFF  }
0x98: {  	s19 =	sld [smem:$0x3FDB];
	_ =	sdelay $0x1  }
0x99: {  	s4 =	simm.s32 $_scs_section_size  }
0x9a: {  	s5 =	simm.s32 $_size__tile_overlayer_lowered;
	s6 =	simm.s32 $_tile_overlayer_lowered  }
0x9b: {  	s22 =	simm.s32 $0x1BFF;
	s21 =	sshll.u32 s6, $0x1;
	s3 =	sadd.s32 s4, s19  }
0x9c: {  	s7 =	simm.s32 $0x0;
	s20 =	sshll.u32 s5, $0x1;
	s5 =	sadd.s32 s21, s3  }
0x9d: {  	[timem:s7], [sflag:s22] =	dma.local [hbm:s5], s20  }
0x9e: {  	_ =	swait.ge [sflag:s22], s20  }
0x9f: {  	s4 =	ssub.s32 $0x0, s20;
	[sflag:s22] =	ssyncset.done $0x0  }
0xa0: {  	[sflag:s22] =	ssyncadd.s32 s4;
	_ =	sdelay $0x1  }
0xa1: {  	s23 =	simm.s32 $0x1B8B  }
0xa2: {  	_ =	swait.ge [sflag:s23], $0x1  }
0xa3: {  	[sflag:s23] =	ssyncset.done $0x0  }
0xa4: {  	s25 =	simm.s32 $0x1B8E;
	s24 =	sld [smem:$0x3FFE];
	[sflag:s23] =	ssyncadd.s32 $0xFFFFFFFF  }
0xa5: {  	s26 =	simm.s32 $execute0_lowered;
	[smem:$0x3FD2] =	sst s25  }
0xa6: {  	s5 =	sshll.u32 s26, $0x1;
	_ =	strace $0x80000049;
	[dreg:$0x1] =	wrdreg $0xFFFFFFFF  }
0xa7: {  	s28 =	simm.s32 $_size_execute0_lowered;
	s3 =	sadd.s32 s3, s5;
	[dreg:$0x0] =	wrdreg $0x0  }
0xa8: {  	s5 =	sshll.u32 s28, $0x1;
	[dreg:$0x2] =	wrdreg s3  }
0xa9: {  	[dreg:$0x3] =	wrdreg s5  }
0xaa: {  	[dreg:$0x4] =	wrdreg $0xC0  }
0xab: {  	_ =	task [dreg:s7], $0x5FFFF  }
0xac: {  	[dreg:$0x1] =	wrdreg $0xFFFFFFFF  }
0xad: {  	[dreg:$0x0] =	wrdreg $0x60  }
0xae: {  	[dreg:$0x2] =	wrdreg s2  }
0xaf: {  	[dreg:$0x3] =	wrdreg s24  }
0xb0: {  	[dreg:$0x4] =	wrdreg $0x9F000  }
0xb1: {  	[dreg:$0x5] =	wrdreg $0x9  }
0xb2: {  	_ =	task.clear_ibuf [dreg:s7], $0x6FFFF;
	_ =	strace $0x90000049  }
0xb3: {  	s29 =	simm.s32 $0x9;
	_ =	strace $0x8000004B  }
0xb4: {  	_ =	swait.ge [sflag:s29], $0x1  }
0xb5: {  	[sflag:s29] =	ssyncadd.s32 $0xFFFFFFFF  }
0xb6: {  	_ =	strace $0x9000004B  }
0xb7: {  	_ =	sfence  }
0xb8: {  	s30 =	sld [smem:$0x0];
	_ =	sdelay $0x2  }
0xb9: {  	s31 =	sshll.u32 s1, $0xD;
	s1 =	sshrl.u32 s1, $0x2  }
0xba: {  	s3 =	sand.u32 $0x4000, s31;
	s1 =	sadd.s32 s1, s30  }
0xbb: {  	s0 =	sor.u32 s3, s0;
	s1 =	sshll.u32 s1, $0x11  }
0xbc: {  	s0 =	sor.u32 s1, s0  }
0xbd: {  	s0 =	sadd.s32 $0x8F2B, s0  }
0xbe: {  	[sflag:s0] =	ssyncadd.remote.s32 $0x1  }
0xbf: {  	_ =	sfence.sel $0xFFFF  }
0xc0: {  	[dreg:$0x0] =	wrdreg $0xFFFFFFFF;
	(pc) =	sbr.abs _section_cstart, $3  }
0xc1: {  	[dreg:$0x1] =	wrdreg $0xFFFFFFFF  }
0xc2: {  	_ =	task.clear_ibuf [dreg:s7], $0x2FFFF;
	_ =	strace $0x9FFFFFFF  }
0xc3: {  	(tm) =	ssettm $0x7FFFFFFF  }
tec
execute0_lowered:
.L_overlay_start_1:
0x0: {  	(tag) =	ssettag $0x1  }
0x1: {  	s1 =	rddreg [dreg:$0x0]  }
0x2: {  	s12 =	rddreg [dreg:$0x1]  }
0x3: {  	s3 =	rddreg [dreg:$0x2];
	s4 =	simm.s32 $0x0  }
0x4: {  	s0 =	stileid.u32;
	s9 =	srdreg.scid;
	s18 =	simm.s32 $0x2780  }
0x5: {  	s21 =	simm.s32 $0x50;
	s22 =	simm.s32 $0x4F00;
	s23 =	simm.s32 $0x7700  }
0x6: {  	s24 =	simm.s32 $0x1;
	s25 =	simm.s32 $0x2;
	s26 =	simm.s32 $0x4E40  }
0x7: {  	s28 =	simm.s32 $0x0;
	[smem:$0x7FF] =	sst s4;
	s5 =	sadd.s32 $0x5E800, s12  }
0x8: {  	s8 =	smul.u32 $0x4E2, s0;
	s6 =	sadd.s32 $0xD600, s12;
	s7 =	sadd.s32 $0xD6800, s12  }
0x9: {  	s17 =	sand.u32 $0x1, s9;
	s9 =	sadd.s32 $0xFE800, s12;
	s15 =	smul.u32 $0x50000, s0  }
0xa: {  	s10 =	sadd.s32 $0x126800, s12;
	s11 =	sadd.s32 $0x14E800, s12;
	s19 =	sshll.u32 s0, $0x6  }
0xb: {  	_ =	strace $0x8000004A;
	s13 =	ssub.s32 $0x2, s17;
	p0 =	sne.s32 s17, $0x0  }
.Ltmp0:
0xc: {  	s17 =	simm.s32 $0x3;
	s19 =	sor.u32 $0x1C03, s19;
	(pc) =	sbr.rel .LBB2_1-.Ltmp0, $4  }
0xd: {  	s14 =	sadd.s32 s8, s12;
	s8 =	sadd.s32 $0x5C000, s12;
	s16 =	sshrl.u32 s13, $0x1  }
0xe: {  	s12 =	sadd.s32 $0x176800, s12;
	s15 =	sshrl.u32 s15, $0x2;
	s16 =	ssub.s32 s13, s16  }
0xf: {  	s13 =	sadd.s32 $0x8600, s14;
	s14 =	sadd.s32 $0x3600, s14;
	s20 =	sadd.s32 s15, s3  }
0x10: {  	s15 =	smul.u32 $0x2800, s0;
	s16 =	smax.u32 s16, $0x1;
	s20 =	sshrl.u32 s20, $0x3  }
.LBB2_14:
0x11: {  	s0 =	sadd.s32 $0x50, s29;
	[sflag:s17] =	ssyncadd.s32 $0xFFFFD800  }
0x12: {  	[tilespmem:s23], [sflag:$0x2] =	stream.indirect.gather [hbm4b:s7+s21], $0x80, s0, s21, $0xb8;
	[tilespmem:$0x1DF00] =	vst v63  }
0x13: {  	_ =	swait.ge [sflag:s24], $0x2800  }
0x14: {  	[sflag:s24] =	ssyncset.done $0x0  }
0x15: {  	s2 =	sadd.s32 $0x2780, s29;
	[sflag:s24] =	ssyncadd.s32 $0xFFFFD800  }
0x16: {  	[spmem:s3] =	stream.indirect.scatter.add.f32 [tilespmem:s22], [sflag:$0x3], $0x80, s2, s21, $0xb8;
	[tilespmem:$0x1DF00] =	vst v63  }
0x17: {  	_ =	swait.ge [sflag:s17], $0x2800  }
0x18: {  	[sflag:s17] =	ssyncset.done $0x0  }
0x19: {  	s30 =	sadd.s32 $0xA0, s29;
	[sflag:s17] =	ssyncadd.s32 $0xFFFFD800  }
0x1a: {  	[tilespmem:s22], [sflag:$0x1] =	stream.indirect.gather [hbm4b:s7+s21], $0x80, s30, s21, $0xb8;
	[tilespmem:$0x1DF00] =	vst v63  }
0x1b: {  	_ =	swait.ge [sflag:s25], $0x2800  }
0x1c: {  	[sflag:s25] =	ssyncset.done $0x0  }
0x1d: {  	s31 =	sadd.s32 $0x27D0, s29;
	[sflag:s25] =	ssyncadd.s32 $0xFFFFD800  }
0x1e: {  	[spmem:s3] =	stream.indirect.scatter.add.f32 [tilespmem:s23], [sflag:$0x3], $0x80, s31, s21, $0xb8;
	[tilespmem:$0x1DF00] =	vst v63  }
0x1f: {  	_ =	swait.ge [sflag:s17], $0x2800  }
0x20: {  	[sflag:s17] =	ssyncset.done $0x0  }
0x21: {  	s29 =	smov.u32 s12;
	[sflag:s17] =	ssyncadd.s32 $0xFFFFD800  }
.LBB2_15:
0x22: {  	_ =	swait.ge [sflag:s24], $0x2800  }
0x23: {  	[sflag:s24] =	ssyncset.done $0x0  }
0x24: {  	[sflag:s24] =	ssyncadd.s32 $0xFFFFD800  }
0x25: {  	[spmem:s3] =	stream.indirect.scatter.add.f32 [tilespmem:s22], [sflag:$0x3], $0x80, s26, s21, $0xb8;
	[tilespmem:$0x1DF00] =	vst v63  }
0x26: {  	_ =	swait.ge [sflag:s17], $0x2800  }
0x27: {  	s28 =	sadd.s32 $0x1, s28;
	[sflag:s17] =	ssyncset.done $0x0  }
0x28: {  	p1 =	sne.s32 s28, s16;
	[sflag:s17] =	ssyncadd.s32 $0xFFFFD800  }
.Ltmp1:
0x29: {  	s0 =	sadd.s32 s29, s15;
	[bflag:$0x0] =	sbarrier.arrive $0xFFFF;
	(pc) =	sbr.rel @!p1 .LBB2_16-.Ltmp1, $4  }
0x2a: {  	[hbm:s0], [sflag:s19] =	dma.local [spmem:s20], $0x2800  }
0x2b: {  	_ =	swait.ge [sflag:s17], $0x2800  }
0x2c: {  	[sflag:s17] =	ssyncset.done $0x0  }
0x2d: {  	[sflag:s17] =	ssyncadd.s32 $0xFFFFD800  }
.LBB2_1:
0x2e: {  	[tilespmem:s4], [sflag:$0x3] =	stream.linear.gather [hbm4b:s13+s4], $0x2710, $0x38;
	[tilespmem:$0x1DF00] =	vst v63  }
0x2f: {  	_ =	swait.ge [sflag:s17], $0x2710  }
0x30: {  	[sflag:s17] =	ssyncset.done $0x0  }
0x31: {  	[sflag:s17] =	ssyncadd.s32 $0xFFFFD8F0  }
0x32: {  	[tilespmem:s18], [sflag:$0x3] =	stream.linear.gather [hbm4b:s14+s4], $0x2710, $0x38;
	[tilespmem:$0x1DF00] =	vst v63  }
0x33: {  	_ =	swait.ge [sflag:s17], $0x2710  }
0x34: {  	[sflag:s17] =	ssyncset.done $0x0  }
0x35: {  	[sflag:s17] =	ssyncadd.s32 $0xFFFFD8F0  }
0x36: {  	[spmem:s20], [sflag:s19] =	dma.local [hbm:s8], $0x2800  }
.Ltmp2:
0x37: {  	_ =	swait.ge [sflag:s17], $0x2800;
	(pc) =	sbr.rel @p0 .LBB2_5-.Ltmp2, $3  }
0x38: {  	[sflag:s17] =	ssyncset.done $0x0  }
0x39: {  	[sflag:s17] =	ssyncadd.s32 $0xFFFFD800  }
0x3a: {  	[bflag:$0x0] =	sbarrier.arrive $0xFFFF;
	_ =	sdelay $0x1  }
0x3b: {  	s29 =	simm.s32 $0x0  }
0x3c: {  	[tilespmem:s22], [sflag:$0x1] =	stream.indirect.gather [hbm4b:s1+s21], $0x80, s29, s21, $0xb8;
	[tilespmem:$0x1DF00] =	vst v63  }
0x3d: {  	s29 =	simm.s32 $0x50  }
0x3e: {  	[tilespmem:s23], [sflag:$0x2] =	stream.indirect.gather [hbm4b:s1+s21], $0x80, s29, s21, $0xb8;
	[tilespmem:$0x1DF00] =	vst v63  }
0x3f: {  	_ =	swait.ge [sflag:s24], $0x2800  }
0x40: {  	[sflag:s24] =	ssyncset.done $0x0  }
0x41: {  	s29 =	simm.s32 $0x2780;
	[sflag:s24] =	ssyncadd.s32 $0xFFFFD800  }
0x42: {  	[spmem:s3] =	stream.indirect.scatter.add.f32 [tilespmem:s22], [sflag:$0x3], $0x80, s29, s21, $0xb8;
	[tilespmem:$0x1DF00] =	vst v63  }
0x43: {  	_ =	swait.ge [sflag:s17], $0x2800  }
0x44: {  	[sflag:s17] =	ssyncset.done $0x0  }
0x45: {  	s29 =	simm.s32 $0xA0;
	[sflag:s17] =	ssyncadd.s32 $0xFFFFD800  }
0x46: {  	[tilespmem:s22], [sflag:$0x1] =	stream.indirect.gather [hbm4b:s1+s21], $0x80, s29, s21, $0xb8;
	[tilespmem:$0x1DF00] =	vst v63  }
0x47: {  	_ =	swait.ge [sflag:s25], $0x2800  }
0x48: {  	[sflag:s25] =	ssyncset.done $0x0  }
0x49: {  	s29 =	simm.s32 $0x27D0;
	[sflag:s25] =	ssyncadd.s32 $0xFFFFD800  }
0x4a: {  	[spmem:s3] =	stream.indirect.scatter.add.f32 [tilespmem:s23], [sflag:$0x3], $0x80, s29, s21, $0xb8;
	[tilespmem:$0x1DF00] =	vst v63  }
0x4b: {  	_ =	swait.ge [sflag:s17], $0x2800  }
0x4c: {  	s30 =	simm.s32 $0x500;
	s29 =	simm.s32 $0xA0;
	[sflag:s17] =	ssyncset.done $0x0  }
.LBB2_3:
0x4d: {  	s31 =	sadd.s32 $0x50, s29  }
0x4e: {  	[sflag:s17] =	ssyncadd.s32 $0xFFFFD800;
	s0 =	smov.u32 s30;
	s2 =	sadd.s32 $0x280, s30  }
0x4f: {  	[tilespmem:s23], [sflag:$0x2] =	stream.indirect.gather [hbm4b:s1+s21], $0x80, s31, s21, $0xb8;
	[tilespmem:$0x1DF00] =	vst v63  }
0x50: {  	p1 =	seq.s32 s30, $0x9880;
	_ =	swait.ge [sflag:s24], $0x2800  }
0x51: {  	[sflag:s24] =	ssyncset.done $0x0  }
0x52: {  	s30 =	sadd.s32 $0x2780, s29;
	[sflag:s24] =	ssyncadd.s32 $0xFFFFD800  }
0x53: {  	[spmem:s3] =	stream.indirect.scatter.add.f32 [tilespmem:s22], [sflag:$0x3], $0x80, s30, s21, $0xb8;
	[tilespmem:$0x1DF00] =	vst v63  }
0x54: {  	_ =	swait.ge [sflag:s17], $0x2800  }
0x55: {  	[sflag:s17] =	ssyncset.done $0x0  }
0x56: {  	s30 =	sadd.s32 $0xA0, s29;
	[sflag:s17] =	ssyncadd.s32 $0xFFFFD800  }
0x57: {  	[tilespmem:s22], [sflag:$0x1] =	stream.indirect.gather [hbm4b:s1+s21], $0x80, s30, s21, $0xb8;
	[tilespmem:$0x1DF00] =	vst v63  }
0x58: {  	_ =	swait.ge [sflag:s25], $0x2800  }
.Ltmp3:
0x59: {  	[sflag:s25] =	ssyncset.done $0x0;
	(pc) =	sbr.rel @!p1 .LBB2_3-.Ltmp3, $4  }
0x5a: {  	s29 =	sadd.s32 $0x27D0, s29;
	[sflag:s25] =	ssyncadd.s32 $0xFFFFD800  }
0x5b: {  	[spmem:s3] =	stream.indirect.scatter.add.f32 [tilespmem:s23], [sflag:$0x3], $0x80, s29, s21, $0xb8;
	[tilespmem:$0x1DF00] =	vst v63  }
0x5c: {  	_ =	swait.ge [sflag:s17], $0x2800  }
0x5d: {  	s30 =	smov.u32 s2;
	s29 =	sshra.s32 s0, $0x2;
	[sflag:s17] =	ssyncset.done $0x0  }
0x5e: {  	s0 =	sadd.s32 $0x50, s29;
	[sflag:s17] =	ssyncadd.s32 $0xFFFFD800  }
0x5f: {  	[tilespmem:s23], [sflag:$0x2] =	stream.indirect.gather [hbm4b:s1+s21], $0x80, s0, s21, $0xb8;
	[tilespmem:$0x1DF00] =	vst v63  }
0x60: {  	_ =	swait.ge [sflag:s24], $0x2800  }
0x61: {  	[sflag:s24] =	ssyncset.done $0x0  }
0x62: {  	s2 =	sadd.s32 $0x2780, s29;
	[sflag:s24] =	ssyncadd.s32 $0xFFFFD800  }
0x63: {  	[spmem:s3] =	stream.indirect.scatter.add.f32 [tilespmem:s22], [sflag:$0x3], $0x80, s2, s21, $0xb8;
	[tilespmem:$0x1DF00] =	vst v63  }
0x64: {  	_ =	swait.ge [sflag:s17], $0x2800  }
0x65: {  	[sflag:s17] =	ssyncset.done $0x0  }
0x66: {  	s30 =	sadd.s32 $0xA0, s29;
	[sflag:s17] =	ssyncadd.s32 $0xFFFFD800  }
0x67: {  	[tilespmem:s22], [sflag:$0x1] =	stream.indirect.gather [hbm4b:s1+s21], $0x80, s30, s21, $0xb8;
	[tilespmem:$0x1DF00] =	vst v63  }
0x68: {  	_ =	swait.ge [sflag:s25], $0x2800  }
0x69: {  	[sflag:s25] =	ssyncset.done $0x0  }
.Ltmp4:
0x6a: {  	s31 =	sadd.s32 $0x27D0, s29;
	[sflag:s25] =	ssyncadd.s32 $0xFFFFD800;
	(pc) =	sbr.rel .LBB2_8-.Ltmp4, $4  }
0x6b: {  	[spmem:s3] =	stream.indirect.scatter.add.f32 [tilespmem:s23], [sflag:$0x3], $0x80, s31, s21, $0xb8;
	[tilespmem:$0x1DF00] =	vst v63  }
0x6c: {  	_ =	swait.ge [sflag:s17], $0x2800  }
0x6d: {  	[sflag:s17] =	ssyncset.done $0x0  }
0x6e: {  	s29 =	smov.u32 s9;
	[sflag:s17] =	ssyncadd.s32 $0xFFFFD800  }
.LBB2_5:
0x6f: {  	s0 =	simm.s32 $0x0  }
0x70: {  	[tilespmem:s22], [sflag:$0x1] =	stream.indirect.gather [hbm4b:s5+s21], $0x80, s0, s21, $0xb8;
	[tilespmem:$0x1DF00] =	vst v63  }
0x71: {  	s2 =	simm.s32 $0x50  }
0x72: {  	[tilespmem:s23], [sflag:$0x2] =	stream.indirect.gather [hbm4b:s5+s21], $0x80, s2, s21, $0xb8;
	[tilespmem:$0x1DF00] =	vst v63  }
0x73: {  	_ =	swait.ge [sflag:s24], $0x2800  }
0x74: {  	[sflag:s24] =	ssyncset.done $0x0  }
0x75: {  	s31 =	simm.s32 $0x2780;
	[sflag:s24] =	ssyncadd.s32 $0xFFFFD800  }
0x76: {  	[spmem:s3] =	stream.indirect.scatter.add.f32 [tilespmem:s22], [sflag:$0x3], $0x80, s31, s21, $0xb8;
	[tilespmem:$0x1DF00] =	vst v63  }
0x77: {  	_ =	swait.ge [sflag:s17], $0x2800  }
0x78: {  	[sflag:s17] =	ssyncset.done $0x0  }
0x79: {  	s2 =	simm.s32 $0xA0;
	[sflag:s17] =	ssyncadd.s32 $0xFFFFD800  }
0x7a: {  	[tilespmem:s22], [sflag:$0x1] =	stream.indirect.gather [hbm4b:s5+s21], $0x80, s2, s21, $0xb8;
	[tilespmem:$0x1DF00] =	vst v63  }
0x7b: {  	_ =	swait.ge [sflag:s25], $0x2800  }
0x7c: {  	[sflag:s25] =	ssyncset.done $0x0  }
0x7d: {  	s31 =	simm.s32 $0x27D0;
	[sflag:s25] =	ssyncadd.s32 $0xFFFFD800  }
0x7e: {  	[spmem:s3] =	stream.indirect.scatter.add.f32 [tilespmem:s23], [sflag:$0x3], $0x80, s31, s21, $0xb8;
	[tilespmem:$0x1DF00] =	vst v63  }
0x7f: {  	_ =	swait.ge [sflag:s17], $0x2800  }
0x80: {  	s30 =	simm.s32 $0x500;
	s29 =	simm.s32 $0xA0;
	[sflag:s17] =	ssyncset.done $0x0  }
.LBB2_6:
0x81: {  	s0 =	sadd.s32 $0x50, s29  }
0x82: {  	[sflag:s17] =	ssyncadd.s32 $0xFFFFD800;
	s2 =	smov.u32 s30;
	s31 =	sadd.s32 $0x280, s30  }
0x83: {  	[tilespmem:s23], [sflag:$0x2] =	stream.indirect.gather [hbm4b:s5+s21], $0x80, s0, s21, $0xb8;
	[tilespmem:$0x1DF00] =	vst v63  }
0x84: {  	p1 =	sne.s32 s30, $0x9880;
	_ =	swait.ge [sflag:s24], $0x2800  }
0x85: {  	[sflag:s24] =	ssyncset.done $0x0  }
0x86: {  	s0 =	sadd.s32 $0x2780, s29;
	[sflag:s24] =	ssyncadd.s32 $0xFFFFD800  }
0x87: {  	[spmem:s3] =	stream.indirect.scatter.add.f32 [tilespmem:s22], [sflag:$0x3], $0x80, s0, s21, $0xb8;
	[tilespmem:$0x1DF00] =	vst v63  }
0x88: {  	_ =	swait.ge [sflag:s17], $0x2800  }
0x89: {  	[sflag:s17] =	ssyncset.done $0x0  }
0x8a: {  	s0 =	sadd.s32 $0xA0, s29;
	[sflag:s17] =	ssyncadd.s32 $0xFFFFD800  }
0x8b: {  	[tilespmem:s22], [sflag:$0x1] =	stream.indirect.gather [hbm4b:s5+s21], $0x80, s0, s21, $0xb8;
	[tilespmem:$0x1DF00] =	vst v63  }
0x8c: {  	_ =	swait.ge [sflag:s25], $0x2800  }
.Ltmp5:
0x8d: {  	[sflag:s25] =	ssyncset.done $0x0;
	(pc) =	sbr.rel @p1 .LBB2_6-.Ltmp5, $4  }
0x8e: {  	s0 =	sadd.s32 $0x27D0, s29;
	[sflag:s25] =	ssyncadd.s32 $0xFFFFD800  }
0x8f: {  	[spmem:s3] =	stream.indirect.scatter.add.f32 [tilespmem:s23], [sflag:$0x3], $0x80, s0, s21, $0xb8;
	[tilespmem:$0x1DF00] =	vst v63  }
0x90: {  	_ =	swait.ge [sflag:s17], $0x2800  }
0x91: {  	s30 =	smov.u32 s31;
	s29 =	sshra.s32 s2, $0x2;
	[sflag:s17] =	ssyncset.done $0x0  }
0x92: {  	s0 =	sadd.s32 $0x50, s29;
	[sflag:s17] =	ssyncadd.s32 $0xFFFFD800  }
0x93: {  	[tilespmem:s23], [sflag:$0x2] =	stream.indirect.gather [hbm4b:s5+s21], $0x80, s0, s21, $0xb8;
	[tilespmem:$0x1DF00] =	vst v63  }
0x94: {  	_ =	swait.ge [sflag:s24], $0x2800  }
0x95: {  	[sflag:s24] =	ssyncset.done $0x0  }
0x96: {  	s2 =	sadd.s32 $0x2780, s29;
	[sflag:s24] =	ssyncadd.s32 $0xFFFFD800  }
0x97: {  	[spmem:s3] =	stream.indirect.scatter.add.f32 [tilespmem:s22], [sflag:$0x3], $0x80, s2, s21, $0xb8;
	[tilespmem:$0x1DF00] =	vst v63  }
0x98: {  	_ =	swait.ge [sflag:s17], $0x2800  }
0x99: {  	[sflag:s17] =	ssyncset.done $0x0  }
0x9a: {  	s30 =	sadd.s32 $0xA0, s29;
	[sflag:s17] =	ssyncadd.s32 $0xFFFFD800  }
0x9b: {  	[tilespmem:s22], [sflag:$0x1] =	stream.indirect.gather [hbm4b:s5+s21], $0x80, s30, s21, $0xb8;
	[tilespmem:$0x1DF00] =	vst v63  }
0x9c: {  	_ =	swait.ge [sflag:s25], $0x2800  }
0x9d: {  	[sflag:s25] =	ssyncset.done $0x0  }
0x9e: {  	s31 =	sadd.s32 $0x27D0, s29;
	[sflag:s25] =	ssyncadd.s32 $0xFFFFD800  }
0x9f: {  	[spmem:s3] =	stream.indirect.scatter.add.f32 [tilespmem:s23], [sflag:$0x3], $0x80, s31, s21, $0xb8;
	[tilespmem:$0x1DF00] =	vst v63  }
0xa0: {  	_ =	swait.ge [sflag:s17], $0x2800  }
0xa1: {  	[sflag:s17] =	ssyncset.done $0x0  }
0xa2: {  	s29 =	smov.u32 s10;
	[sflag:s17] =	ssyncadd.s32 $0xFFFFD800  }
.LBB2_8:
0xa3: {  	_ =	swait.ge [sflag:s24], $0x2800  }
0xa4: {  	[sflag:s24] =	ssyncset.done $0x0  }
0xa5: {  	[sflag:s24] =	ssyncadd.s32 $0xFFFFD800  }
0xa6: {  	[spmem:s3] =	stream.indirect.scatter.add.f32 [tilespmem:s22], [sflag:$0x3], $0x80, s26, s21, $0xb8;
	[tilespmem:$0x1DF00] =	vst v63  }
0xa7: {  	_ =	swait.ge [sflag:s17], $0x2800  }
0xa8: {  	[sflag:s17] =	ssyncset.done $0x0  }
0xa9: {  	[sflag:s17] =	ssyncadd.s32 $0xFFFFD800  }
0xaa: {  	s0 =	sadd.s32 s29, s15;
	[bflag:$0x0] =	sbarrier.arrive $0xFFFF  }
0xab: {  	[hbm:s0], [sflag:s19] =	dma.local [spmem:s20], $0x2800  }
0xac: {  	_ =	swait.ge [sflag:s17], $0x2800  }
0xad: {  	[sflag:s17] =	ssyncset.done $0x0  }
0xae: {  	[sflag:s17] =	ssyncadd.s32 $0xFFFFD800  }
0xaf: {  	[spmem:s20], [sflag:s19] =	dma.local [hbm:s8], $0x2800  }
.Ltmp6:
0xb0: {  	_ =	swait.ge [sflag:s17], $0x2800;
	(pc) =	sbr.rel @p0 .LBB2_12-.Ltmp6, $4  }
0xb1: {  	[sflag:s17] =	ssyncset.done $0x0  }
0xb2: {  	[sflag:s17] =	ssyncadd.s32 $0xFFFFD800  }
0xb3: {  	[bflag:$0x0] =	sbarrier.arrive $0xFFFF  }
0xb4: {  	s0 =	simm.s32 $0x0  }
0xb5: {  	[tilespmem:s22], [sflag:$0x1] =	stream.indirect.gather [hbm4b:s6+s21], $0x80, s0, s21, $0xb8;
	[tilespmem:$0x1DF00] =	vst v63  }
0xb6: {  	s2 =	simm.s32 $0x50  }
0xb7: {  	[tilespmem:s23], [sflag:$0x2] =	stream.indirect.gather [hbm4b:s6+s21], $0x80, s2, s21, $0xb8;
	[tilespmem:$0x1DF00] =	vst v63  }
0xb8: {  	_ =	swait.ge [sflag:s24], $0x2800  }
0xb9: {  	[sflag:s24] =	ssyncset.done $0x0  }
0xba: {  	s31 =	simm.s32 $0x2780;
	[sflag:s24] =	ssyncadd.s32 $0xFFFFD800  }
0xbb: {  	[spmem:s3] =	stream.indirect.scatter.add.f32 [tilespmem:s22], [sflag:$0x3], $0x80, s31, s21, $0xb8;
	[tilespmem:$0x1DF00] =	vst v63  }
0xbc: {  	_ =	swait.ge [sflag:s17], $0x2800  }
0xbd: {  	[sflag:s17] =	ssyncset.done $0x0  }
0xbe: {  	s2 =	simm.s32 $0xA0;
	[sflag:s17] =	ssyncadd.s32 $0xFFFFD800  }
0xbf: {  	[tilespmem:s22], [sflag:$0x1] =	stream.indirect.gather [hbm4b:s6+s21], $0x80, s2, s21, $0xb8;
	[tilespmem:$0x1DF00] =	vst v63  }
0xc0: {  	_ =	swait.ge [sflag:s25], $0x2800  }
0xc1: {  	[sflag:s25] =	ssyncset.done $0x0  }
0xc2: {  	s31 =	simm.s32 $0x27D0;
	[sflag:s25] =	ssyncadd.s32 $0xFFFFD800  }
0xc3: {  	[spmem:s3] =	stream.indirect.scatter.add.f32 [tilespmem:s23], [sflag:$0x3], $0x80, s31, s21, $0xb8;
	[tilespmem:$0x1DF00] =	vst v63  }
0xc4: {  	_ =	swait.ge [sflag:s17], $0x2800  }
0xc5: {  	s30 =	simm.s32 $0x500;
	s29 =	simm.s32 $0xA0;
	[sflag:s17] =	ssyncset.done $0x0  }
.LBB2_10:
0xc6: {  	s0 =	sadd.s32 $0x50, s29  }
0xc7: {  	[sflag:s17] =	ssyncadd.s32 $0xFFFFD800;
	s2 =	smov.u32 s30;
	s31 =	sadd.s32 $0x280, s30  }
0xc8: {  	[tilespmem:s23], [sflag:$0x2] =	stream.indirect.gather [hbm4b:s6+s21], $0x80, s0, s21, $0xb8;
	[tilespmem:$0x1DF00] =	vst v63  }
0xc9: {  	p1 =	seq.s32 s30, $0x9880;
	_ =	swait.ge [sflag:s24], $0x2800  }
0xca: {  	[sflag:s24] =	ssyncset.done $0x0  }
0xcb: {  	s0 =	sadd.s32 $0x2780, s29;
	[sflag:s24] =	ssyncadd.s32 $0xFFFFD800  }
0xcc: {  	[spmem:s3] =	stream.indirect.scatter.add.f32 [tilespmem:s22], [sflag:$0x3], $0x80, s0, s21, $0xb8;
	[tilespmem:$0x1DF00] =	vst v63  }
0xcd: {  	_ =	swait.ge [sflag:s17], $0x2800  }
0xce: {  	[sflag:s17] =	ssyncset.done $0x0  }
0xcf: {  	s0 =	sadd.s32 $0xA0, s29;
	[sflag:s17] =	ssyncadd.s32 $0xFFFFD800  }
0xd0: {  	[tilespmem:s22], [sflag:$0x1] =	stream.indirect.gather [hbm4b:s6+s21], $0x80, s0, s21, $0xb8;
	[tilespmem:$0x1DF00] =	vst v63  }
0xd1: {  	_ =	swait.ge [sflag:s25], $0x2800  }
.Ltmp7:
0xd2: {  	[sflag:s25] =	ssyncset.done $0x0;
	(pc) =	sbr.rel @!p1 .LBB2_10-.Ltmp7, $4  }
0xd3: {  	s0 =	sadd.s32 $0x27D0, s29;
	[sflag:s25] =	ssyncadd.s32 $0xFFFFD800  }
0xd4: {  	[spmem:s3] =	stream.indirect.scatter.add.f32 [tilespmem:s23], [sflag:$0x3], $0x80, s0, s21, $0xb8;
	[tilespmem:$0x1DF00] =	vst v63  }
0xd5: {  	_ =	swait.ge [sflag:s17], $0x2800  }
0xd6: {  	s30 =	smov.u32 s31;
	s29 =	sshra.s32 s2, $0x2;
	[sflag:s17] =	ssyncset.done $0x0  }
0xd7: {  	s0 =	sadd.s32 $0x50, s29;
	[sflag:s17] =	ssyncadd.s32 $0xFFFFD800  }
0xd8: {  	[tilespmem:s23], [sflag:$0x2] =	stream.indirect.gather [hbm4b:s6+s21], $0x80, s0, s21, $0xb8;
	[tilespmem:$0x1DF00] =	vst v63  }
0xd9: {  	_ =	swait.ge [sflag:s24], $0x2800  }
0xda: {  	[sflag:s24] =	ssyncset.done $0x0  }
0xdb: {  	s2 =	sadd.s32 $0x2780, s29;
	[sflag:s24] =	ssyncadd.s32 $0xFFFFD800  }
0xdc: {  	[spmem:s3] =	stream.indirect.scatter.add.f32 [tilespmem:s22], [sflag:$0x3], $0x80, s2, s21, $0xb8;
	[tilespmem:$0x1DF00] =	vst v63  }
0xdd: {  	_ =	swait.ge [sflag:s17], $0x2800  }
0xde: {  	[sflag:s17] =	ssyncset.done $0x0  }
0xdf: {  	s30 =	sadd.s32 $0xA0, s29;
	[sflag:s17] =	ssyncadd.s32 $0xFFFFD800  }
0xe0: {  	[tilespmem:s22], [sflag:$0x1] =	stream.indirect.gather [hbm4b:s6+s21], $0x80, s30, s21, $0xb8;
	[tilespmem:$0x1DF00] =	vst v63  }
0xe1: {  	_ =	swait.ge [sflag:s25], $0x2800  }
0xe2: {  	[sflag:s25] =	ssyncset.done $0x0  }
.Ltmp8:
0xe3: {  	s31 =	sadd.s32 $0x27D0, s29;
	[sflag:s25] =	ssyncadd.s32 $0xFFFFD800;
	(pc) =	sbr.rel .LBB2_15-.Ltmp8, $4  }
0xe4: {  	[spmem:s3] =	stream.indirect.scatter.add.f32 [tilespmem:s23], [sflag:$0x3], $0x80, s31, s21, $0xb8;
	[tilespmem:$0x1DF00] =	vst v63  }
0xe5: {  	_ =	swait.ge [sflag:s17], $0x2800  }
0xe6: {  	[sflag:s17] =	ssyncset.done $0x0  }
0xe7: {  	s29 =	smov.u32 s11;
	[sflag:s17] =	ssyncadd.s32 $0xFFFFD800  }
.LBB2_12:
0xe8: {  	[tilespmem:s22], [sflag:$0x1] =	stream.indirect.gather [hbm4b:s7+s21], $0x80, s0, s21, $0xb8;
	[tilespmem:$0x1DF00] =	vst v63  }
0xe9: {  	s2 =	simm.s32 $0x50  }
0xea: {  	[tilespmem:s23], [sflag:$0x2] =	stream.indirect.gather [hbm4b:s7+s21], $0x80, s2, s21, $0xb8;
	[tilespmem:$0x1DF00] =	vst v63  }
0xeb: {  	_ =	swait.ge [sflag:s24], $0x2800  }
0xec: {  	[sflag:s24] =	ssyncset.done $0x0  }
0xed: {  	s31 =	simm.s32 $0x2780;
	[sflag:s24] =	ssyncadd.s32 $0xFFFFD800  }
0xee: {  	[spmem:s3] =	stream.indirect.scatter.add.f32 [tilespmem:s22], [sflag:$0x3], $0x80, s31, s21, $0xb8;
	[tilespmem:$0x1DF00] =	vst v63  }
0xef: {  	_ =	swait.ge [sflag:s17], $0x2800  }
0xf0: {  	[sflag:s17] =	ssyncset.done $0x0  }
0xf1: {  	s2 =	simm.s32 $0xA0;
	[sflag:s17] =	ssyncadd.s32 $0xFFFFD800  }
0xf2: {  	[tilespmem:s22], [sflag:$0x1] =	stream.indirect.gather [hbm4b:s7+s21], $0x80, s2, s21, $0xb8;
	[tilespmem:$0x1DF00] =	vst v63  }
0xf3: {  	_ =	swait.ge [sflag:s25], $0x2800  }
0xf4: {  	[sflag:s25] =	ssyncset.done $0x0  }
0xf5: {  	s31 =	simm.s32 $0x27D0;
	[sflag:s25] =	ssyncadd.s32 $0xFFFFD800  }
0xf6: {  	[spmem:s3] =	stream.indirect.scatter.add.f32 [tilespmem:s23], [sflag:$0x3], $0x80, s31, s21, $0xb8;
	[tilespmem:$0x1DF00] =	vst v63  }
0xf7: {  	_ =	swait.ge [sflag:s17], $0x2800  }
0xf8: {  	s30 =	simm.s32 $0x500;
	s29 =	simm.s32 $0xA0;
	[sflag:s17] =	ssyncset.done $0x0  }
.LBB2_13:
0xf9: {  	s0 =	sadd.s32 $0x50, s29  }
0xfa: {  	[sflag:s17] =	ssyncadd.s32 $0xFFFFD800;
	s2 =	smov.u32 s30;
	s31 =	sadd.s32 $0x280, s30  }
0xfb: {  	[tilespmem:s23], [sflag:$0x2] =	stream.indirect.gather [hbm4b:s7+s21], $0x80, s0, s21, $0xb8;
	[tilespmem:$0x1DF00] =	vst v63  }
0xfc: {  	p1 =	sne.s32 s30, $0x9880;
	_ =	swait.ge [sflag:s24], $0x2800  }
0xfd: {  	[sflag:s24] =	ssyncset.done $0x0  }
0xfe: {  	s0 =	sadd.s32 $0x2780, s29;
	[sflag:s24] =	ssyncadd.s32 $0xFFFFD800  }
0xff: {  	[spmem:s3] =	stream.indirect.scatter.add.f32 [tilespmem:s22], [sflag:$0x3], $0x80, s0, s21, $0xb8;
	[tilespmem:$0x1DF00] =	vst v63  }
0x100: {  	_ =	swait.ge [sflag:s17], $0x2800  }
0x101: {  	[sflag:s17] =	ssyncset.done $0x0  }
0x102: {  	s0 =	sadd.s32 $0xA0, s29;
	[sflag:s17] =	ssyncadd.s32 $0xFFFFD800  }
0x103: {  	[tilespmem:s22], [sflag:$0x1] =	stream.indirect.gather [hbm4b:s7+s21], $0x80, s0, s21, $0xb8;
	[tilespmem:$0x1DF00] =	vst v63  }
0x104: {  	_ =	swait.ge [sflag:s25], $0x2800  }
.Ltmp9:
0x105: {  	[sflag:s25] =	ssyncset.done $0x0;
	(pc) =	sbr.rel @p1 .LBB2_13-.Ltmp9, $4  }
0x106: {  	s0 =	sadd.s32 $0x27D0, s29;
	[sflag:s25] =	ssyncadd.s32 $0xFFFFD800  }
0x107: {  	[spmem:s3] =	stream.indirect.scatter.add.f32 [tilespmem:s23], [sflag:$0x3], $0x80, s0, s21, $0xb8;
	[tilespmem:$0x1DF00] =	vst v63  }
0x108: {  	_ =	swait.ge [sflag:s17], $0x2800  }
0x109: {  	s30 =	smov.u32 s31;
	s29 =	sshra.s32 s2, $0x2;
	[sflag:s17] =	ssyncset.done $0x0  }
.Ltmp10:
0x10a: {  	_ = 	snop;
	(pc) =	sbr.rel .LBB2_14-.Ltmp10, $1  }
0x10b: {  	_ =	sdelay $0x3  }
.LBB2_16:
0x10c: {  	_ =	sfence.sel $0x180000  }
0x10d: {  	[bflag:$0x0] =	sbarrier.arrive $0xFFFF  }
0x10e: {  	_ =	strace $0x9000004A  }
0x10f: {  	s0 =	stileid.u32;
	[bflag:$0x2] =	sbarrier.arrive $0xFFFF  }
0x110: {  	p0 =	sne.s32 s0, $0x0;
	s0 =	rddreg [dreg:$0x3]  }
0x111: {  	s0 =	sadd.s32 @!p0 $0x100000, s0  }
0x112: {  	[sflag:s0] =	ssyncadd.tile.s32 @!p0 $0x1;
	_ =	shalt  }
.Lfunc_end2:
_tile_overlayer_lowered:
.L_overlay_start_2:
0x113: {  	(tag) =	ssettag $0x2  }
0x114: {  	s0 =	rddreg [dreg:$0x0];
	s2 =	stileid.u32  }
0x115: {  	s1 =	rddreg [dreg:$0x1];
	p0 =	sne.s32 s2, $0x0  }
0x116: {  	s3 =	rddreg [dreg:$0x2];
	[bflag:$0x3] =	sbarrier.arrive $0xFFFF;
	s2 =	simm.s32 @!p0 $0x1C03  }
0x117: {  	[timem:s3], [sflag:s2] =	dma.local @!p0 [hbm:s0], s1  }
0x118: {  	s0 =	simm.s32 @!p0 $0x3  }
0x119: {  	_ =	swait.ge @!p0 [sflag:s0], s1  }
0x11a: {  	s1 =	ssub.s32 @!p0 $0x0, s1;
	[sflag:s0] =	ssyncset.done @!p0 $0x0  }
0x11b: {  	[sflag:s0] =	ssyncadd.s32 @!p0 s1  }
0x11c: {  	[bflag:$0x3] =	sbarrier.arrive $0xFFFF  }
0x11d: {  	_ =	shalt  }

// kernel: kernel.14.cloned.1.call-start
scs
__scs_entry_jumppad:
0x0: {  	(pc) =	sbr.rel $0x88, $3  }
0x1: {  	(tag) =	ssettag $0x0;
	lr =	simm.s32 $0x1  }
0x2: {  	[smem:$0x3F99] =	sst lr;
	_ =	strace $0xD0000000  }
0x3: {  	_ = 	snop  }
0x4: {  	_ = 	snop  }
0x5: {  	_ = 	snop  }
0x6: {  	_ = 	snop  }
0x7: {  	_ = 	snop  }
__scs_overlays_trampoline_lowered:
0x8: {  	[smem:$0x3FA8] =	sst s0  }
0x9: {  	[smem:$0x3FA9] =	sst s1  }
0xa: {  	[smem:$0x3FAA] =	sst s2  }
0xb: {  	[smem:$0x3FAB] =	sst s3  }
0xc: {  	[smem:$0x3FAC] =	sst s4  }
0xd: {  	[smem:$0x3FAD] =	sst s5  }
0xe: {  	[smem:$0x3FAE] =	sst s6  }
0xf: {  	[smem:$0x3FAF] =	sst s7  }
0x10: {  	[smem:$0x3FB0] =	sst s8  }
0x11: {  	[smem:$0x3FB1] =	sst s9;
	s0 =	simm.s32 @!p0 $0x0  }
0x12: {  	s1 =	sld [smem:$0x3F97];
	s0 =	simm.s32 @p0 $0x1  }
0x13: {  	[smem:$0x3FB2] =	sst s0;
	s0 =	simm.s32 @!p1 $0x0  }
0x14: {  	s2 =	sld [smem:$0x3F96];
	s0 =	simm.s32 @p1 $0x1  }
0x15: {  	[smem:$0x3FB3] =	sst s0;
	s0 =	simm.s32 @!p2 $0x0  }
0x16: {  	s3 =	sld [smem:$0x3FDB];
	s0 =	simm.s32 @p2 $0x1  }
0x17: {  	s4 =	simm.s32 $0x1BF5;
	[smem:$0x3FB5] =	sst s0  }
0x18: {  	s0 =	sld [smem:$0x3F98];
	_ =	swait.ge [sflag:s4], $0x0  }
0x19: {  	s7 =	sld [smem:$0x3F99]  }
0x1a: {  	s8 =	sadd.s32 $0xFFFFE003, lr  }
0x1b: {  	s9 =	sadd.s32 $0xFFFFFEF7, lr;
	s5 =	simm.s32 $0xFFFFFFFF;
	p2 =	slt.u32 s8, $0xFFFFF086  }
0x1c: {  	p1 =	slt.u32 s9, $0xF7A;
	s5 =	simm.s32 @!p2 $0x0  }
0x1d: {  	s5 =	simm.s32 @p1 $0x1;
	p0 =	seq.s32 s7, s2  }
0x1e: {  	s7 =	smul.u32 @!p0 $0xF7A, s2;
	p2 =	seq.s32 @!p0 s5, $0x0  }
0x1f: {  	s9 =	smul.u32 $0xF7A, s1;
	s8 =	simm.s32 @!p0 $0x1BF5;
	p2 =	por !p2, p0  }
0x20: {  	[sflag:s8] =	ssyncset.s32 @!p0 $0xFFFFF086;
	s6 =	sadd.s32 @!p0 s3, s7;
	s7 =	simm.s32 @!p0 $0x108  }
0x21: {  	s3 =	sadd.s32 s3, s9;
	s6 =	sadd.s32 @!p0 $0x88, s6;
	s7 =	simm.s32 @p2 $0x1082  }
0x22: {  	[simem:s7], [sflag:s8] =	dma.local @!p0 [hbm:s6], $0xF7A  }
0x23: {  	s9 =	sor.u32 $0xD0000000, s2;
	s6 =	simm.s32 $0x108;
	_ =	swait.ge @!p0 [sflag:s8], $0x0  }
0x24: {  	s3 =	sadd.s32 $0x88, s3;
	s6 =	simm.s32 @!p1 $0x1082;
	[sflag:s4] =	ssyncset.s32 $0xFFFFF086  }
0x25: {  	[simem:s6], [sflag:s4] =	dma.local [hbm:s3], $0xF7A  }
0x26: {  	[smem:$0x3F99] =	sst s1;
	(tag) =	ssettag s2;
	_ =	strace s9  }
0x27: {  	s1 =	sld [smem:$0x3FA9]  }
0x28: {  	s2 =	sld [smem:$0x3FAA]  }
0x29: {  	s4 =	sld [smem:$0x3FAC]  }
0x2a: {  	p0 =	seq.s32 s5, $0x0;
	s5 =	sld [smem:$0x3FAD]  }
0x2b: {  	s6 =	sld [smem:$0x3FAE]  }
0x2c: {  	s7 =	sld [smem:$0x3FAF]  }
0x2d: {  	s3 =	simm.s32 $0x108;
	s8 =	sld [smem:$0x3FB0]  }
0x2e: {  	s3 =	simm.s32 @!p0 $0x1082;
	s9 =	sld [smem:$0x3FB1]  }
0x2f: {  	lr =	sadd.s32 s0, s3;
	s0 =	sld [smem:$0x3FA8]  }
0x30: {  	s3 =	sld [smem:$0x3FAB]  }
0x31: {  	[smem:$0x3FB4] =	sst s10  }
0x32: {  	s10 =	sld [smem:$0x3FB2];
	_ =	sdelay $0x3  }
0x33: {  	p0 =	seq.s32 s10, $0x1;
	s10 =	sld [smem:$0x3FB4];
	_ =	sdelay $0x3  }
0x34: {  	[smem:$0x3FB4] =	sst s10  }
0x35: {  	s10 =	sld [smem:$0x3FB3];
	_ =	sdelay $0x3  }
0x36: {  	p1 =	seq.s32 s10, $0x1;
	s10 =	sld [smem:$0x3FB4];
	_ =	sdelay $0x3  }
0x37: {  	[smem:$0x3FB4] =	sst s10  }
0x38: {  	s10 =	sld [smem:$0x3FB5]  }
0x39: {  	_ = 	snop;
	(pc) =	sbr.ind lr, $3  }
0x3a: {  	_ = 	snop  }
0x3b: {  	_ = 	snop  }
0x3c: {  	p2 =	seq.s32 s10, $0x1;
	s10 =	sld [smem:$0x3FB4]  }
0x3d: {  	_ =	shalt  }
0x3e: {  	_ =	shalt  }
0x3f: {  	_ =	shalt  }
0x40: {  	_ =	shalt  }
0x41: {  	_ =	shalt  }
0x42: {  	_ =	shalt  }
0x43: {  	_ =	shalt  }
0x44: {  	_ =	shalt  }
0x45: {  	_ =	shalt  }
0x46: {  	_ =	shalt  }
0x47: {  	_ =	shalt  }
0x48: {  	_ =	shalt  }
0x49: {  	_ =	shalt  }
0x4a: {  	_ =	shalt  }
0x4b: {  	_ =	shalt  }
0x4c: {  	_ =	shalt  }
0x4d: {  	_ =	shalt  }
0x4e: {  	_ =	shalt  }
0x4f: {  	_ =	shalt  }
0x50: {  	_ =	shalt  }
0x51: {  	_ =	shalt  }
0x52: {  	_ =	shalt  }
0x53: {  	_ =	shalt  }
0x54: {  	_ =	shalt  }
0x55: {  	_ =	shalt  }
0x56: {  	_ =	shalt  }
0x57: {  	_ =	shalt  }
0x58: {  	_ =	shalt  }
0x59: {  	_ =	shalt  }
0x5a: {  	_ =	shalt  }
0x5b: {  	_ =	shalt  }
0x5c: {  	_ =	shalt  }
0x5d: {  	_ =	shalt  }
0x5e: {  	_ =	shalt  }
0x5f: {  	_ =	shalt  }
0x60: {  	_ =	shalt  }
0x61: {  	_ =	shalt  }
0x62: {  	_ =	shalt  }
0x63: {  	_ =	shalt  }
0x64: {  	_ =	shalt  }
0x65: {  	_ =	shalt  }
0x66: {  	_ =	shalt  }
0x67: {  	_ =	shalt  }
0x68: {  	_ =	shalt  }
0x69: {  	_ =	shalt  }
0x6a: {  	_ =	shalt  }
0x6b: {  	_ =	shalt  }
0x6c: {  	_ =	shalt  }
0x6d: {  	_ =	shalt  }
0x6e: {  	_ =	shalt  }
0x6f: {  	_ =	shalt  }
0x70: {  	_ =	shalt  }
0x71: {  	_ =	shalt  }
0x72: {  	_ =	shalt  }
0x73: {  	_ =	shalt  }
0x74: {  	_ =	shalt  }
0x75: {  	_ =	shalt  }
0x76: {  	_ =	shalt  }
0x77: {  	_ =	shalt  }
0x78: {  	_ =	shalt  }
0x79: {  	_ =	shalt  }
0x7a: {  	_ =	shalt  }
0x7b: {  	_ =	shalt  }
0x7c: {  	_ =	shalt  }
0x7d: {  	_ =	shalt  }
0x7e: {  	_ =	shalt  }
0x7f: {  	_ =	shalt  }
0x80: {  	_ =	shalt  }
0x81: {  	_ =	shalt  }
0x82: {  	_ =	shalt  }
0x83: {  	_ =	shalt  }
0x84: {  	_ =	shalt  }
0x85: {  	_ =	shalt  }
0x86: {  	_ =	shalt  }
0x87: {  	_ =	shalt  }
.Lfunc_end0:
.L_simem_size_0:
called_computation.2_lowered:
.L_overlay_start_0:
0x88: {  	s2 =	sld [smem:$0x3FD9]  }
0x89: {  	s3 =	sld [smem:$0x3FFE];
	_ =	sdelay $0x1  }
0x8a: {  	s1 =	srdreg.scid  }
0x8b: {  	s0 =	sand.u32 $0x1, s1  }
0x8c: {  	s17 =	sshll.u32 s0, $0xA;
	s2 =	sadd.s32 s3, s2  }
0x8d: {  	s2 =	sadd.s32 s2, s17  }
0x8e: {  	[smem:$0x3FC0] =	sst s2  }
0x8f: {  	_ = 	snop  }
0x90: {  	s2 =	sld [smem:$0x3FD0];
	(tm) =	ssettm $0x1  }
0x91: {  	s18 =	sld [smem:$0x3FFB];
	_ =	sdelay $0x3  }
0x92: {  	_ =	strace s18  }
0x93: {  	s3 =	sld [smem:$0x3FFC];
	_ =	sdelay $0x3  }
0x94: {  	_ =	strace s3  }
0x95: {  	s3 =	sld [smem:$0x3FFD];
	_ =	sdelay $0x3  }
0x96: {  	_ =	strace s3  }
0x97: {  	_ =	strace $0x8FFFFFFF  }
0x98: {  	s19 =	sld [smem:$0x3FDB];
	_ =	sdelay $0x1  }
0x99: {  	s4 =	simm.s32 $_scs_section_size  }
0x9a: {  	s5 =	simm.s32 $_size__tile_overlayer_lowered;
	s6 =	simm.s32 $_tile_overlayer_lowered  }
0x9b: {  	s22 =	simm.s32 $0x1BFF;
	s21 =	sshll.u32 s6, $0x1;
	s3 =	sadd.s32 s4, s19  }
0x9c: {  	s7 =	simm.s32 $0x0;
	s20 =	sshll.u32 s5, $0x1;
	s5 =	sadd.s32 s21, s3  }
0x9d: {  	[timem:s7], [sflag:s22] =	dma.local [hbm:s5], s20  }
0x9e: {  	_ =	swait.ge [sflag:s22], s20  }
0x9f: {  	s4 =	ssub.s32 $0x0, s20;
	[sflag:s22] =	ssyncset.done $0x0  }
0xa0: {  	[sflag:s22] =	ssyncadd.s32 s4;
	_ =	sdelay $0x1  }
0xa1: {  	s23 =	simm.s32 $0x1B8B  }
0xa2: {  	_ =	swait.ge [sflag:s23], $0x1  }
0xa3: {  	[sflag:s23] =	ssyncset.done $0x0  }
0xa4: {  	s25 =	simm.s32 $0x1B8E;
	s24 =	sld [smem:$0x3FFE];
	[sflag:s23] =	ssyncadd.s32 $0xFFFFFFFF  }
0xa5: {  	s26 =	simm.s32 $execute0_lowered;
	[smem:$0x3FD2] =	sst s25  }
0xa6: {  	s5 =	sshll.u32 s26, $0x1;
	_ =	strace $0x8000004C;
	[dreg:$0x1] =	wrdreg $0xFFFFFFFF  }
0xa7: {  	s28 =	simm.s32 $_size_execute0_lowered;
	s3 =	sadd.s32 s3, s5;
	[dreg:$0x0] =	wrdreg $0x0  }
0xa8: {  	s5 =	sshll.u32 s28, $0x1;
	[dreg:$0x2] =	wrdreg s3  }
0xa9: {  	[dreg:$0x3] =	wrdreg s5  }
0xaa: {  	[dreg:$0x4] =	wrdreg $0xC0  }
0xab: {  	_ =	task [dreg:s7], $0x5FFFF  }
0xac: {  	[dreg:$0x1] =	wrdreg $0xFFFFFFFF  }
0xad: {  	[dreg:$0x0] =	wrdreg $0x60  }
0xae: {  	[dreg:$0x2] =	wrdreg s2  }
0xaf: {  	[dreg:$0x3] =	wrdreg s24  }
0xb0: {  	[dreg:$0x4] =	wrdreg $0x9F000  }
0xb1: {  	[dreg:$0x5] =	wrdreg $0x9  }
0xb2: {  	_ =	task.clear_ibuf [dreg:s7], $0x6FFFF;
	_ =	strace $0x9000004C  }
0xb3: {  	s29 =	simm.s32 $0x9;
	_ =	strace $0x8000004E  }
0xb4: {  	_ =	swait.ge [sflag:s29], $0x1  }
0xb5: {  	[sflag:s29] =	ssyncadd.s32 $0xFFFFFFFF  }
0xb6: {  	_ =	strace $0x9000004E  }
0xb7: {  	_ =	sfence  }
0xb8: {  	s30 =	sld [smem:$0x0];
	_ =	sdelay $0x2  }
0xb9: {  	s31 =	sshll.u32 s1, $0xD;
	s1 =	sshrl.u32 s1, $0x2  }
0xba: {  	s3 =	sand.u32 $0x4000, s31;
	s1 =	sadd.s32 s1, s30  }
0xbb: {  	s0 =	sor.u32 s3, s0;
	s1 =	sshll.u32 s1, $0x11  }
0xbc: {  	s0 =	sor.u32 s1, s0  }
0xbd: {  	s0 =	sadd.s32 $0x8F2B, s0  }
0xbe: {  	[sflag:s0] =	ssyncadd.remote.s32 $0x1  }
0xbf: {  	_ =	sfence.sel $0xFFFF  }
0xc0: {  	[dreg:$0x0] =	wrdreg $0xFFFFFFFF;
	(pc) =	sbr.abs _section_cstart, $3  }
0xc1: {  	[dreg:$0x1] =	wrdreg $0xFFFFFFFF  }
0xc2: {  	_ =	task.clear_ibuf [dreg:s7], $0x2FFFF;
	_ =	strace $0x9FFFFFFF  }
0xc3: {  	(tm) =	ssettm $0x7FFFFFFF  }
tec
execute0_lowered:
.L_overlay_start_1:
0x0: {  	(tag) =	ssettag $0x1  }
0x1: {  	s1 =	rddreg [dreg:$0x0]  }
0x2: {  	s8 =	rddreg [dreg:$0x1]  }
0x3: {  	s3 =	rddreg [dreg:$0x2]  }
0x4: {  	s0 =	rddreg [dreg:$0x3]  }
0x5: {  	s4 =	simm.s32 $0x0;
	s2 =	stileid.u32;
	s7 =	srdreg.scid  }
0x6: {  	s14 =	simm.s32 $0x2780;
	s17 =	simm.s32 $0x50;
	s18 =	simm.s32 $0x4F00  }
0x7: {  	s19 =	simm.s32 $0x7700;
	s20 =	simm.s32 $0x1;
	s21 =	simm.s32 $0x2  }
0x8: {  	s22 =	simm.s32 $0x4E40;
	s23 =	simm.s32 $0x0;
	[smem:$0x7FF] =	sst s4  }
0x9: {  	s6 =	smul.u32 $0x4E2, s2;
	s5 =	sadd.s32 $0xD600, s8;
	s13 =	sand.u32 $0x1, s7  }
0xa: {  	s11 =	smul.u32 $0x50000, s2;
	s7 =	sadd.s32 $0x5E800, s8;
	s15 =	sshll.u32 s2, $0x6  }
0xb: {  	_ =	strace $0x8000004D;
	s9 =	ssub.s32 $0x2, s13;
	p0 =	sne.s32 s13, $0x0  }
.Ltmp0:
0xc: {  	s13 =	simm.s32 $0x3;
	s15 =	sor.u32 $0x1C03, s15;
	(pc) =	sbr.rel .LBB2_1-.Ltmp0, $4  }
0xd: {  	s10 =	sadd.s32 s6, s8;
	s6 =	sadd.s32 $0x5C000, s8;
	s12 =	sshrl.u32 s9, $0x1  }
0xe: {  	s8 =	sadd.s32 $0x86800, s8;
	s11 =	sshrl.u32 s11, $0x2;
	s12 =	ssub.s32 s9, s12  }
0xf: {  	s9 =	sadd.s32 $0x8600, s10;
	s10 =	sadd.s32 $0x3600, s10;
	s16 =	sadd.s32 s11, s3  }
0x10: {  	s11 =	smul.u32 $0x2800, s2;
	s12 =	smax.u32 s12, $0x1;
	s16 =	sshrl.u32 s16, $0x3  }
.LBB2_7:
0x11: {  	s25 =	sadd.s32 $0x50, s24;
	[sflag:s13] =	ssyncadd.s32 $0xFFFFD800  }
0x12: {  	[tilespmem:s19], [sflag:$0x2] =	stream.indirect.gather [hbm4b:s5+s17], $0x80, s25, s17, $0xb8;
	[tilespmem:$0x1DF00] =	vst v63  }
0x13: {  	_ =	swait.ge [sflag:s20], $0x2800  }
0x14: {  	[sflag:s20] =	ssyncset.done $0x0  }
0x15: {  	s29 =	sadd.s32 $0x2780, s24;
	[sflag:s20] =	ssyncadd.s32 $0xFFFFD800  }
0x16: {  	[spmem:s3] =	stream.indirect.scatter.add.f32 [tilespmem:s18], [sflag:$0x3], $0x80, s29, s17, $0xb8;
	[tilespmem:$0x1DF00] =	vst v63  }
0x17: {  	_ =	swait.ge [sflag:s13], $0x2800  }
0x18: {  	[sflag:s13] =	ssyncset.done $0x0  }
0x19: {  	s30 =	sadd.s32 $0xA0, s24;
	[sflag:s13] =	ssyncadd.s32 $0xFFFFD800  }
0x1a: {  	[tilespmem:s18], [sflag:$0x1] =	stream.indirect.gather [hbm4b:s5+s17], $0x80, s30, s17, $0xb8;
	[tilespmem:$0x1DF00] =	vst v63  }
0x1b: {  	_ =	swait.ge [sflag:s21], $0x2800  }
0x1c: {  	[sflag:s21] =	ssyncset.done $0x0  }
0x1d: {  	s31 =	sadd.s32 $0x27D0, s24;
	[sflag:s21] =	ssyncadd.s32 $0xFFFFD800  }
0x1e: {  	[spmem:s3] =	stream.indirect.scatter.add.f32 [tilespmem:s19], [sflag:$0x3], $0x80, s31, s17, $0xb8;
	[tilespmem:$0x1DF00] =	vst v63  }
0x1f: {  	_ =	swait.ge [sflag:s13], $0x2800  }
0x20: {  	[sflag:s13] =	ssyncset.done $0x0  }
0x21: {  	s24 =	smov.u32 s8;
	[sflag:s13] =	ssyncadd.s32 $0xFFFFD800  }
.LBB2_8:
0x22: {  	_ =	swait.ge [sflag:s20], $0x2800  }
0x23: {  	[sflag:s20] =	ssyncset.done $0x0  }
0x24: {  	[sflag:s20] =	ssyncadd.s32 $0xFFFFD800  }
0x25: {  	[spmem:s3] =	stream.indirect.scatter.add.f32 [tilespmem:s18], [sflag:$0x3], $0x80, s22, s17, $0xb8;
	[tilespmem:$0x1DF00] =	vst v63  }
0x26: {  	_ =	swait.ge [sflag:s13], $0x2800  }
0x27: {  	s23 =	sadd.s32 $0x1, s23;
	[sflag:s13] =	ssyncset.done $0x0  }
0x28: {  	p1 =	sne.s32 s23, s12;
	[sflag:s13] =	ssyncadd.s32 $0xFFFFD800  }
.Ltmp1:
0x29: {  	s24 =	sadd.s32 s24, s11;
	[bflag:$0x0] =	sbarrier.arrive $0xFFFF;
	(pc) =	sbr.rel @!p1 .LBB2_9-.Ltmp1, $4  }
0x2a: {  	[hbm:s24], [sflag:s15] =	dma.local [spmem:s16], $0x2800  }
0x2b: {  	_ =	swait.ge [sflag:s13], $0x2800  }
0x2c: {  	[sflag:s13] =	ssyncset.done $0x0  }
0x2d: {  	[sflag:s13] =	ssyncadd.s32 $0xFFFFD800  }
.LBB2_1:
0x2e: {  	[tilespmem:s4], [sflag:$0x3] =	stream.linear.gather [hbm4b:s9+s4], $0x2710, $0x38;
	[tilespmem:$0x1DF00] =	vst v63  }
0x2f: {  	_ =	swait.ge [sflag:s13], $0x2710  }
0x30: {  	[sflag:s13] =	ssyncset.done $0x0  }
0x31: {  	[sflag:s13] =	ssyncadd.s32 $0xFFFFD8F0  }
0x32: {  	[tilespmem:s14], [sflag:$0x3] =	stream.linear.gather [hbm4b:s10+s4], $0x2710, $0x38;
	[tilespmem:$0x1DF00] =	vst v63  }
0x33: {  	_ =	swait.ge [sflag:s13], $0x2710  }
0x34: {  	[sflag:s13] =	ssyncset.done $0x0  }
0x35: {  	[sflag:s13] =	ssyncadd.s32 $0xFFFFD8F0  }
0x36: {  	[spmem:s16], [sflag:s15] =	dma.local [hbm:s6], $0x2800  }
.Ltmp2:
0x37: {  	_ =	swait.ge [sflag:s13], $0x2800;
	(pc) =	sbr.rel @p0 .LBB2_5-.Ltmp2, $4  }
0x38: {  	[sflag:s13] =	ssyncset.done $0x0  }
0x39: {  	[sflag:s13] =	ssyncadd.s32 $0xFFFFD800  }
0x3a: {  	[bflag:$0x0] =	sbarrier.arrive $0xFFFF  }
0x3b: {  	s24 =	simm.s32 $0x0  }
0x3c: {  	[tilespmem:s18], [sflag:$0x1] =	stream.indirect.gather [hbm4b:s1+s17], $0x80, s24, s17, $0xb8;
	[tilespmem:$0x1DF00] =	vst v63  }
0x3d: {  	s28 =	simm.s32 $0x50  }
0x3e: {  	[tilespmem:s19], [sflag:$0x2] =	stream.indirect.gather [hbm4b:s1+s17], $0x80, s28, s17, $0xb8;
	[tilespmem:$0x1DF00] =	vst v63  }
0x3f: {  	_ =	swait.ge [sflag:s20], $0x2800  }
0x40: {  	[sflag:s20] =	ssyncset.done $0x0  }
0x41: {  	s29 =	simm.s32 $0x2780;
	[sflag:s20] =	ssyncadd.s32 $0xFFFFD800  }
0x42: {  	[spmem:s3] =	stream.indirect.scatter.add.f32 [tilespmem:s18], [sflag:$0x3], $0x80, s29, s17, $0xb8;
	[tilespmem:$0x1DF00] =	vst v63  }
0x43: {  	_ =	swait.ge [sflag:s13], $0x2800  }
0x44: {  	[sflag:s13] =	ssyncset.done $0x0  }
0x45: {  	s30 =	simm.s32 $0xA0;
	[sflag:s13] =	ssyncadd.s32 $0xFFFFD800  }
0x46: {  	[tilespmem:s18], [sflag:$0x1] =	stream.indirect.gather [hbm4b:s1+s17], $0x80, s30, s17, $0xb8;
	[tilespmem:$0x1DF00] =	vst v63  }
0x47: {  	_ =	swait.ge [sflag:s21], $0x2800  }
0x48: {  	[sflag:s21] =	ssyncset.done $0x0  }
0x49: {  	s31 =	simm.s32 $0x27D0;
	[sflag:s21] =	ssyncadd.s32 $0xFFFFD800  }
0x4a: {  	[spmem:s3] =	stream.indirect.scatter.add.f32 [tilespmem:s19], [sflag:$0x3], $0x80, s31, s17, $0xb8;
	[tilespmem:$0x1DF00] =	vst v63  }
0x4b: {  	_ =	swait.ge [sflag:s13], $0x2800  }
0x4c: {  	s25 =	simm.s32 $0x500;
	s24 =	simm.s32 $0xA0;
	[sflag:s13] =	ssyncset.done $0x0  }
.LBB2_3:
0x4d: {  	s26 =	sadd.s32 $0x50, s24  }
0x4e: {  	[sflag:s13] =	ssyncadd.s32 $0xFFFFD800;
	s28 =	smov.u32 s25;
	s29 =	sadd.s32 $0x280, s25  }
0x4f: {  	[tilespmem:s19], [sflag:$0x2] =	stream.indirect.gather [hbm4b:s1+s17], $0x80, s26, s17, $0xb8;
	[tilespmem:$0x1DF00] =	vst v63  }
0x50: {  	p1 =	seq.s32 s25, $0x9880;
	_ =	swait.ge [sflag:s20], $0x2800  }
0x51: {  	[sflag:s20] =	ssyncset.done $0x0  }
0x52: {  	s25 =	sadd.s32 $0x2780, s24;
	[sflag:s20] =	ssyncadd.s32 $0xFFFFD800  }
0x53: {  	[spmem:s3] =	stream.indirect.scatter.add.f32 [tilespmem:s18], [sflag:$0x3], $0x80, s25, s17, $0xb8;
	[tilespmem:$0x1DF00] =	vst v63  }
0x54: {  	_ =	swait.ge [sflag:s13], $0x2800  }
0x55: {  	[sflag:s13] =	ssyncset.done $0x0  }
0x56: {  	s25 =	sadd.s32 $0xA0, s24;
	[sflag:s13] =	ssyncadd.s32 $0xFFFFD800  }
0x57: {  	[tilespmem:s18], [sflag:$0x1] =	stream.indirect.gather [hbm4b:s1+s17], $0x80, s25, s17, $0xb8;
	[tilespmem:$0x1DF00] =	vst v63  }
0x58: {  	_ =	swait.ge [sflag:s21], $0x2800  }
.Ltmp3:
0x59: {  	[sflag:s21] =	ssyncset.done $0x0;
	(pc) =	sbr.rel @!p1 .LBB2_3-.Ltmp3, $4  }
0x5a: {  	s24 =	sadd.s32 $0x27D0, s24;
	[sflag:s21] =	ssyncadd.s32 $0xFFFFD800  }
0x5b: {  	[spmem:s3] =	stream.indirect.scatter.add.f32 [tilespmem:s19], [sflag:$0x3], $0x80, s24, s17, $0xb8;
	[tilespmem:$0x1DF00] =	vst v63  }
0x5c: {  	_ =	swait.ge [sflag:s13], $0x2800  }
0x5d: {  	s25 =	smov.u32 s29;
	s24 =	sshra.s32 s28, $0x2;
	[sflag:s13] =	ssyncset.done $0x0  }
0x5e: {  	s25 =	sadd.s32 $0x50, s24;
	[sflag:s13] =	ssyncadd.s32 $0xFFFFD800  }
0x5f: {  	[tilespmem:s19], [sflag:$0x2] =	stream.indirect.gather [hbm4b:s1+s17], $0x80, s25, s17, $0xb8;
	[tilespmem:$0x1DF00] =	vst v63  }
0x60: {  	_ =	swait.ge [sflag:s20], $0x2800  }
0x61: {  	[sflag:s20] =	ssyncset.done $0x0  }
0x62: {  	s29 =	sadd.s32 $0x2780, s24;
	[sflag:s20] =	ssyncadd.s32 $0xFFFFD800  }
0x63: {  	[spmem:s3] =	stream.indirect.scatter.add.f32 [tilespmem:s18], [sflag:$0x3], $0x80, s29, s17, $0xb8;
	[tilespmem:$0x1DF00] =	vst v63  }
0x64: {  	_ =	swait.ge [sflag:s13], $0x2800  }
0x65: {  	[sflag:s13] =	ssyncset.done $0x0  }
0x66: {  	s30 =	sadd.s32 $0xA0, s24;
	[sflag:s13] =	ssyncadd.s32 $0xFFFFD800  }
0x67: {  	[tilespmem:s18], [sflag:$0x1] =	stream.indirect.gather [hbm4b:s1+s17], $0x80, s30, s17, $0xb8;
	[tilespmem:$0x1DF00] =	vst v63  }
0x68: {  	_ =	swait.ge [sflag:s21], $0x2800  }
0x69: {  	[sflag:s21] =	ssyncset.done $0x0  }
.Ltmp4:
0x6a: {  	s31 =	sadd.s32 $0x27D0, s24;
	[sflag:s21] =	ssyncadd.s32 $0xFFFFD800;
	(pc) =	sbr.rel .LBB2_8-.Ltmp4, $4  }
0x6b: {  	[spmem:s3] =	stream.indirect.scatter.add.f32 [tilespmem:s19], [sflag:$0x3], $0x80, s31, s17, $0xb8;
	[tilespmem:$0x1DF00] =	vst v63  }
0x6c: {  	_ =	swait.ge [sflag:s13], $0x2800  }
0x6d: {  	[sflag:s13] =	ssyncset.done $0x0  }
0x6e: {  	s24 =	smov.u32 s7;
	[sflag:s13] =	ssyncadd.s32 $0xFFFFD800  }
.LBB2_5:
0x6f: {  	[tilespmem:s18], [sflag:$0x1] =	stream.indirect.gather [hbm4b:s5+s17], $0x80, s24, s17, $0xb8;
	[tilespmem:$0x1DF00] =	vst v63  }
0x70: {  	s28 =	simm.s32 $0x50  }
0x71: {  	[tilespmem:s19], [sflag:$0x2] =	stream.indirect.gather [hbm4b:s5+s17], $0x80, s28, s17, $0xb8;
	[tilespmem:$0x1DF00] =	vst v63  }
0x72: {  	_ =	swait.ge [sflag:s20], $0x2800  }
0x73: {  	[sflag:s20] =	ssyncset.done $0x0  }
0x74: {  	s29 =	simm.s32 $0x2780;
	[sflag:s20] =	ssyncadd.s32 $0xFFFFD800  }
0x75: {  	[spmem:s3] =	stream.indirect.scatter.add.f32 [tilespmem:s18], [sflag:$0x3], $0x80, s29, s17, $0xb8;
	[tilespmem:$0x1DF00] =	vst v63  }
0x76: {  	_ =	swait.ge [sflag:s13], $0x2800  }
0x77: {  	[sflag:s13] =	ssyncset.done $0x0  }
0x78: {  	s30 =	simm.s32 $0xA0;
	[sflag:s13] =	ssyncadd.s32 $0xFFFFD800  }
0x79: {  	[tilespmem:s18], [sflag:$0x1] =	stream.indirect.gather [hbm4b:s5+s17], $0x80, s30, s17, $0xb8;
	[tilespmem:$0x1DF00] =	vst v63  }
0x7a: {  	_ =	swait.ge [sflag:s21], $0x2800  }
0x7b: {  	[sflag:s21] =	ssyncset.done $0x0  }
0x7c: {  	s31 =	simm.s32 $0x27D0;
	[sflag:s21] =	ssyncadd.s32 $0xFFFFD800  }
0x7d: {  	[spmem:s3] =	stream.indirect.scatter.add.f32 [tilespmem:s19], [sflag:$0x3], $0x80, s31, s17, $0xb8;
	[tilespmem:$0x1DF00] =	vst v63  }
0x7e: {  	_ =	swait.ge [sflag:s13], $0x2800  }
0x7f: {  	s25 =	simm.s32 $0x500;
	s24 =	simm.s32 $0xA0;
	[sflag:s13] =	ssyncset.done $0x0  }
.LBB2_6:
0x80: {  	s26 =	sadd.s32 $0x50, s24  }
0x81: {  	[sflag:s13] =	ssyncadd.s32 $0xFFFFD800;
	s28 =	smov.u32 s25;
	s29 =	sadd.s32 $0x280, s25  }
0x82: {  	[tilespmem:s19], [sflag:$0x2] =	stream.indirect.gather [hbm4b:s5+s17], $0x80, s26, s17, $0xb8;
	[tilespmem:$0x1DF00] =	vst v63  }
0x83: {  	p1 =	sne.s32 s25, $0x9880;
	_ =	swait.ge [sflag:s20], $0x2800  }
0x84: {  	[sflag:s20] =	ssyncset.done $0x0  }
0x85: {  	s25 =	sadd.s32 $0x2780, s24;
	[sflag:s20] =	ssyncadd.s32 $0xFFFFD800  }
0x86: {  	[spmem:s3] =	stream.indirect.scatter.add.f32 [tilespmem:s18], [sflag:$0x3], $0x80, s25, s17, $0xb8;
	[tilespmem:$0x1DF00] =	vst v63  }
0x87: {  	_ =	swait.ge [sflag:s13], $0x2800  }
0x88: {  	[sflag:s13] =	ssyncset.done $0x0  }
0x89: {  	s25 =	sadd.s32 $0xA0, s24;
	[sflag:s13] =	ssyncadd.s32 $0xFFFFD800  }
0x8a: {  	[tilespmem:s18], [sflag:$0x1] =	stream.indirect.gather [hbm4b:s5+s17], $0x80, s25, s17, $0xb8;
	[tilespmem:$0x1DF00] =	vst v63  }
0x8b: {  	_ =	swait.ge [sflag:s21], $0x2800  }
.Ltmp5:
0x8c: {  	[sflag:s21] =	ssyncset.done $0x0;
	(pc) =	sbr.rel @p1 .LBB2_6-.Ltmp5, $4  }
0x8d: {  	s24 =	sadd.s32 $0x27D0, s24;
	[sflag:s21] =	ssyncadd.s32 $0xFFFFD800  }
0x8e: {  	[spmem:s3] =	stream.indirect.scatter.add.f32 [tilespmem:s19], [sflag:$0x3], $0x80, s24, s17, $0xb8;
	[tilespmem:$0x1DF00] =	vst v63  }
0x8f: {  	_ =	swait.ge [sflag:s13], $0x2800  }
0x90: {  	s25 =	smov.u32 s29;
	s24 =	sshra.s32 s28, $0x2;
	[sflag:s13] =	ssyncset.done $0x0  }
.Ltmp6:
0x91: {  	_ = 	snop;
	(pc) =	sbr.rel .LBB2_7-.Ltmp6, $1  }
0x92: {  	_ =	sdelay $0x3  }
.LBB2_9:
0x93: {  	_ =	sfence.sel $0x180000  }
0x94: {  	[bflag:$0x0] =	sbarrier.arrive $0xFFFF  }
0x95: {  	p0 =	sne.s32 s2, $0x0;
	_ =	strace $0x9000004D  }
0x96: {  	s0 =	sadd.s32 @!p0 $0x100000, s0;
	[bflag:$0x2] =	sbarrier.arrive $0xFFFF  }
0x97: {  	[sflag:s0] =	ssyncadd.tile.s32 @!p0 $0x1;
	_ =	shalt  }
.Lfunc_end2:
_tile_overlayer_lowered:
.L_overlay_start_2:
0x98: {  	(tag) =	ssettag $0x2  }
0x99: {  	s0 =	rddreg [dreg:$0x0];
	s2 =	stileid.u32  }
0x9a: {  	s1 =	rddreg [dreg:$0x1];
	p0 =	sne.s32 s2, $0x0  }
0x9b: {  	s3 =	rddreg [dreg:$0x2];
	[bflag:$0x3] =	sbarrier.arrive $0xFFFF;
	s2 =	simm.s32 @!p0 $0x1C03  }
0x9c: {  	[timem:s3], [sflag:s2] =	dma.local @!p0 [hbm:s0], s1  }
0x9d: {  	s0 =	simm.s32 @!p0 $0x3  }
0x9e: {  	_ =	swait.ge @!p0 [sflag:s0], s1  }
0x9f: {  	s1 =	ssub.s32 @!p0 $0x0, s1;
	[sflag:s0] =	ssyncset.done @!p0 $0x0  }
0xa0: {  	[sflag:s0] =	ssyncadd.s32 @!p0 s1  }
0xa1: {  	[bflag:$0x3] =	sbarrier.arrive $0xFFFF  }
0xa2: {  	_ =	shalt  }

// kernel: kernel.8.cloned.1.call-start
scs
__scs_entry_jumppad:
0x0: {  	(pc) =	sbr.rel $0x88, $3  }
0x1: {  	(tag) =	ssettag $0x0;
	lr =	simm.s32 $0x1  }
0x2: {  	[smem:$0x3F99] =	sst lr;
	_ =	strace $0xD0000000  }
0x3: {  	_ = 	snop  }
0x4: {  	_ = 	snop  }
0x5: {  	_ = 	snop  }
0x6: {  	_ = 	snop  }
0x7: {  	_ = 	snop  }
__scs_overlays_trampoline_lowered:
0x8: {  	[smem:$0x3FA8] =	sst s0  }
0x9: {  	[smem:$0x3FA9] =	sst s1  }
0xa: {  	[smem:$0x3FAA] =	sst s2  }
0xb: {  	[smem:$0x3FAB] =	sst s3  }
0xc: {  	[smem:$0x3FAC] =	sst s4  }
0xd: {  	[smem:$0x3FAD] =	sst s5  }
0xe: {  	[smem:$0x3FAE] =	sst s6  }
0xf: {  	[smem:$0x3FAF] =	sst s7  }
0x10: {  	[smem:$0x3FB0] =	sst s8  }
0x11: {  	[smem:$0x3FB1] =	sst s9;
	s0 =	simm.s32 @!p0 $0x0  }
0x12: {  	s1 =	sld [smem:$0x3F97];
	s0 =	simm.s32 @p0 $0x1  }
0x13: {  	[smem:$0x3FB2] =	sst s0;
	s0 =	simm.s32 @!p1 $0x0  }
0x14: {  	s2 =	sld [smem:$0x3F96];
	s0 =	simm.s32 @p1 $0x1  }
0x15: {  	[smem:$0x3FB3] =	sst s0;
	s0 =	simm.s32 @!p2 $0x0  }
0x16: {  	s3 =	sld [smem:$0x3FDB];
	s0 =	simm.s32 @p2 $0x1  }
0x17: {  	s4 =	simm.s32 $0x1BF5;
	[smem:$0x3FB5] =	sst s0  }
0x18: {  	s0 =	sld [smem:$0x3F98];
	_ =	swait.ge [sflag:s4], $0x0  }
0x19: {  	s7 =	sld [smem:$0x3F99]  }
0x1a: {  	s8 =	sadd.s32 $0xFFFFE003, lr  }
0x1b: {  	s9 =	sadd.s32 $0xFFFFFEF7, lr;
	s5 =	simm.s32 $0xFFFFFFFF;
	p2 =	slt.u32 s8, $0xFFFFF086  }
0x1c: {  	p1 =	slt.u32 s9, $0xF7A;
	s5 =	simm.s32 @!p2 $0x0  }
0x1d: {  	s5 =	simm.s32 @p1 $0x1;
	p0 =	seq.s32 s7, s2  }
0x1e: {  	s7 =	smul.u32 @!p0 $0xF7A, s2;
	p2 =	seq.s32 @!p0 s5, $0x0  }
0x1f: {  	s9 =	smul.u32 $0xF7A, s1;
	s8 =	simm.s32 @!p0 $0x1BF5;
	p2 =	por !p2, p0  }
0x20: {  	[sflag:s8] =	ssyncset.s32 @!p0 $0xFFFFF086;
	s6 =	sadd.s32 @!p0 s3, s7;
	s7 =	simm.s32 @!p0 $0x108  }
0x21: {  	s3 =	sadd.s32 s3, s9;
	s6 =	sadd.s32 @!p0 $0x88, s6;
	s7 =	simm.s32 @p2 $0x1082  }
0x22: {  	[simem:s7], [sflag:s8] =	dma.local @!p0 [hbm:s6], $0xF7A  }
0x23: {  	s9 =	sor.u32 $0xD0000000, s2;
	s6 =	simm.s32 $0x108;
	_ =	swait.ge @!p0 [sflag:s8], $0x0  }
0x24: {  	s3 =	sadd.s32 $0x88, s3;
	s6 =	simm.s32 @!p1 $0x1082;
	[sflag:s4] =	ssyncset.s32 $0xFFFFF086  }
0x25: {  	[simem:s6], [sflag:s4] =	dma.local [hbm:s3], $0xF7A  }
0x26: {  	[smem:$0x3F99] =	sst s1;
	(tag) =	ssettag s2;
	_ =	strace s9  }
0x27: {  	s1 =	sld [smem:$0x3FA9]  }
0x28: {  	s2 =	sld [smem:$0x3FAA]  }
0x29: {  	s4 =	sld [smem:$0x3FAC]  }
0x2a: {  	p0 =	seq.s32 s5, $0x0;
	s5 =	sld [smem:$0x3FAD]  }
0x2b: {  	s6 =	sld [smem:$0x3FAE]  }
0x2c: {  	s7 =	sld [smem:$0x3FAF]  }
0x2d: {  	s3 =	simm.s32 $0x108;
	s8 =	sld [smem:$0x3FB0]  }
0x2e: {  	s3 =	simm.s32 @!p0 $0x1082;
	s9 =	sld [smem:$0x3FB1]  }
0x2f: {  	lr =	sadd.s32 s0, s3;
	s0 =	sld [smem:$0x3FA8]  }
0x30: {  	s3 =	sld [smem:$0x3FAB]  }
0x31: {  	[smem:$0x3FB4] =	sst s10  }
0x32: {  	s10 =	sld [smem:$0x3FB2];
	_ =	sdelay $0x3  }
0x33: {  	p0 =	seq.s32 s10, $0x1;
	s10 =	sld [smem:$0x3FB4];
	_ =	sdelay $0x3  }
0x34: {  	[smem:$0x3FB4] =	sst s10  }
0x35: {  	s10 =	sld [smem:$0x3FB3];
	_ =	sdelay $0x3  }
0x36: {  	p1 =	seq.s32 s10, $0x1;
	s10 =	sld [smem:$0x3FB4];
	_ =	sdelay $0x3  }
0x37: {  	[smem:$0x3FB4] =	sst s10  }
0x38: {  	s10 =	sld [smem:$0x3FB5]  }
0x39: {  	_ = 	snop;
	(pc) =	sbr.ind lr, $3  }
0x3a: {  	_ = 	snop  }
0x3b: {  	_ = 	snop  }
0x3c: {  	p2 =	seq.s32 s10, $0x1;
	s10 =	sld [smem:$0x3FB4]  }
0x3d: {  	_ =	shalt  }
0x3e: {  	_ =	shalt  }
0x3f: {  	_ =	shalt  }
0x40: {  	_ =	shalt  }
0x41: {  	_ =	shalt  }
0x42: {  	_ =	shalt  }
0x43: {  	_ =	shalt  }
0x44: {  	_ =	shalt  }
0x45: {  	_ =	shalt  }
0x46: {  	_ =	shalt  }
0x47: {  	_ =	shalt  }
0x48: {  	_ =	shalt  }
0x49: {  	_ =	shalt  }
0x4a: {  	_ =	shalt  }
0x4b: {  	_ =	shalt  }
0x4c: {  	_ =	shalt  }
0x4d: {  	_ =	shalt  }
0x4e: {  	_ =	shalt  }
0x4f: {  	_ =	shalt  }
0x50: {  	_ =	shalt  }
0x51: {  	_ =	shalt  }
0x52: {  	_ =	shalt  }
0x53: {  	_ =	shalt  }
0x54: {  	_ =	shalt  }
0x55: {  	_ =	shalt  }
0x56: {  	_ =	shalt  }
0x57: {  	_ =	shalt  }
0x58: {  	_ =	shalt  }
0x59: {  	_ =	shalt  }
0x5a: {  	_ =	shalt  }
0x5b: {  	_ =	shalt  }
0x5c: {  	_ =	shalt  }
0x5d: {  	_ =	shalt  }
0x5e: {  	_ =	shalt  }
0x5f: {  	_ =	shalt  }
0x60: {  	_ =	shalt  }
0x61: {  	_ =	shalt  }
0x62: {  	_ =	shalt  }
0x63: {  	_ =	shalt  }
0x64: {  	_ =	shalt  }
0x65: {  	_ =	shalt  }
0x66: {  	_ =	shalt  }
0x67: {  	_ =	shalt  }
0x68: {  	_ =	shalt  }
0x69: {  	_ =	shalt  }
0x6a: {  	_ =	shalt  }
0x6b: {  	_ =	shalt  }
0x6c: {  	_ =	shalt  }
0x6d: {  	_ =	shalt  }
0x6e: {  	_ =	shalt  }
0x6f: {  	_ =	shalt  }
0x70: {  	_ =	shalt  }
0x71: {  	_ =	shalt  }
0x72: {  	_ =	shalt  }
0x73: {  	_ =	shalt  }
0x74: {  	_ =	shalt  }
0x75: {  	_ =	shalt  }
0x76: {  	_ =	shalt  }
0x77: {  	_ =	shalt  }
0x78: {  	_ =	shalt  }
0x79: {  	_ =	shalt  }
0x7a: {  	_ =	shalt  }
0x7b: {  	_ =	shalt  }
0x7c: {  	_ =	shalt  }
0x7d: {  	_ =	shalt  }
0x7e: {  	_ =	shalt  }
0x7f: {  	_ =	shalt  }
0x80: {  	_ =	shalt  }
0x81: {  	_ =	shalt  }
0x82: {  	_ =	shalt  }
0x83: {  	_ =	shalt  }
0x84: {  	_ =	shalt  }
0x85: {  	_ =	shalt  }
0x86: {  	_ =	shalt  }
0x87: {  	_ =	shalt  }
.Lfunc_end0:
.L_simem_size_0:
called_computation_lowered:
.L_overlay_start_0:
0x88: {  	s2 =	sld [smem:$0x3FD9]  }
0x89: {  	s3 =	sld [smem:$0x3FFE];
	_ =	sdelay $0x1  }
0x8a: {  	s1 =	srdreg.scid  }
0x8b: {  	s0 =	sand.u32 $0x1, s1  }
0x8c: {  	s17 =	sshll.u32 s0, $0xA;
	s2 =	sadd.s32 s3, s2  }
0x8d: {  	s2 =	sadd.s32 s2, s17  }
0x8e: {  	[smem:$0x3FC0] =	sst s2  }
0x8f: {  	_ = 	snop  }
0x90: {  	s2 =	sld [smem:$0x3FD0];
	(tm) =	ssettm $0x1  }
0x91: {  	s18 =	sld [smem:$0x3FFB];
	_ =	sdelay $0x3  }
0x92: {  	_ =	strace s18  }
0x93: {  	s3 =	sld [smem:$0x3FFC];
	_ =	sdelay $0x3  }
0x94: {  	_ =	strace s3  }
0x95: {  	s3 =	sld [smem:$0x3FFD];
	_ =	sdelay $0x3  }
0x96: {  	_ =	strace s3  }
0x97: {  	_ =	strace $0x8FFFFFFF  }
0x98: {  	s19 =	sld [smem:$0x3FDB];
	_ =	sdelay $0x1  }
0x99: {  	s4 =	simm.s32 $_scs_section_size  }
0x9a: {  	s5 =	simm.s32 $_size__tile_overlayer_lowered;
	s6 =	simm.s32 $_tile_overlayer_lowered  }
0x9b: {  	s22 =	simm.s32 $0x1BFF;
	s21 =	sshll.u32 s6, $0x1;
	s3 =	sadd.s32 s4, s19  }
0x9c: {  	s7 =	simm.s32 $0x0;
	s20 =	sshll.u32 s5, $0x1;
	s5 =	sadd.s32 s21, s3  }
0x9d: {  	[timem:s7], [sflag:s22] =	dma.local [hbm:s5], s20  }
0x9e: {  	_ =	swait.ge [sflag:s22], s20  }
0x9f: {  	s4 =	ssub.s32 $0x0, s20;
	[sflag:s22] =	ssyncset.done $0x0  }
0xa0: {  	[sflag:s22] =	ssyncadd.s32 s4;
	_ =	sdelay $0x1  }
0xa1: {  	s23 =	simm.s32 $0x1B8B  }
0xa2: {  	_ =	swait.ge [sflag:s23], $0x1  }
0xa3: {  	[sflag:s23] =	ssyncset.done $0x0  }
0xa4: {  	s25 =	simm.s32 $0x1B8E;
	s24 =	sld [smem:$0x3FFE];
	[sflag:s23] =	ssyncadd.s32 $0xFFFFFFFF  }
0xa5: {  	s26 =	simm.s32 $execute0_lowered;
	[smem:$0x3FD2] =	sst s25  }
0xa6: {  	s5 =	sshll.u32 s26, $0x1;
	_ =	strace $0x80000046;
	[dreg:$0x1] =	wrdreg $0xFFFFFFFF  }
0xa7: {  	s28 =	simm.s32 $_size_execute0_lowered;
	s3 =	sadd.s32 s3, s5;
	[dreg:$0x0] =	wrdreg $0x0  }
0xa8: {  	s5 =	sshll.u32 s28, $0x1;
	[dreg:$0x2] =	wrdreg s3  }
0xa9: {  	[dreg:$0x3] =	wrdreg s5  }
0xaa: {  	[dreg:$0x4] =	wrdreg $0xC0  }
0xab: {  	_ =	task [dreg:s7], $0x5FFFF  }
0xac: {  	[dreg:$0x1] =	wrdreg $0xFFFFFFFF  }
0xad: {  	[dreg:$0x0] =	wrdreg $0x60  }
0xae: {  	[dreg:$0x2] =	wrdreg s24  }
0xaf: {  	[dreg:$0x3] =	wrdreg s2  }
0xb0: {  	[dreg:$0x4] =	wrdreg $0x9F000  }
0xb1: {  	[dreg:$0x5] =	wrdreg $0x9  }
0xb2: {  	_ =	task.clear_ibuf [dreg:s7], $0x6FFFF;
	_ =	strace $0x90000046  }
0xb3: {  	s29 =	simm.s32 $0x9;
	_ =	strace $0x80000048  }
0xb4: {  	_ =	swait.ge [sflag:s29], $0x1  }
0xb5: {  	[sflag:s29] =	ssyncadd.s32 $0xFFFFFFFF  }
0xb6: {  	_ =	strace $0x90000048  }
0xb7: {  	_ =	sfence  }
0xb8: {  	s30 =	sld [smem:$0x0];
	_ =	sdelay $0x2  }
0xb9: {  	s31 =	sshll.u32 s1, $0xD;
	s1 =	sshrl.u32 s1, $0x2  }
0xba: {  	s3 =	sand.u32 $0x4000, s31;
	s1 =	sadd.s32 s1, s30  }
0xbb: {  	s0 =	sor.u32 s3, s0;
	s1 =	sshll.u32 s1, $0x11  }
0xbc: {  	s0 =	sor.u32 s1, s0  }
0xbd: {  	s0 =	sadd.s32 $0x8F2B, s0  }
0xbe: {  	[sflag:s0] =	ssyncadd.remote.s32 $0x1  }
0xbf: {  	_ =	sfence.sel $0xFFFF  }
0xc0: {  	[dreg:$0x0] =	wrdreg $0xFFFFFFFF;
	(pc) =	sbr.abs _section_cstart, $3  }
0xc1: {  	[dreg:$0x1] =	wrdreg $0xFFFFFFFF  }
0xc2: {  	_ =	task.clear_ibuf [dreg:s7], $0x2FFFF;
	_ =	strace $0x9FFFFFFF  }
0xc3: {  	(tm) =	ssettm $0x7FFFFFFF  }
tec
execute0_lowered:
.L_overlay_start_1:
0x0: {  	(tag) =	ssettag $0x1  }
0x1: {  	s10 =	rddreg [dreg:$0x0]  }
0x2: {  	s2 =	rddreg [dreg:$0x1]  }
0x3: {  	s3 =	rddreg [dreg:$0x2];
	s4 =	simm.s32 $0x0  }
0x4: {  	s1 =	stileid.u32;
	s12 =	srdreg.scid;
	s19 =	simm.s32 $0x50  }
0x5: {  	s20 =	simm.s32 $0x4F00;
	s21 =	simm.s32 $0x7700;
	s22 =	simm.s32 $0x1  }
0x6: {  	s23 =	simm.s32 $0x2;
	s26 =	simm.s32 $0x0;
	[smem:$0x7FF] =	sst s4  }
0x7: {  	s7 =	smul.u32 $0x4E2, s1;
	s5 =	sadd.s32 $0x34800, s10;
	s6 =	sadd.s32 $0xD600, s10  }
0x8: {  	s8 =	sadd.s32 $0x5BA00, s10;
	s9 =	sadd.s32 $0x5E800, s10;
	s15 =	sand.u32 $0x1, s12  }
0x9: {  	s25 =	sadd.s32 $0x86800, s10;
	s13 =	smul.u32 $0x50000, s1;
	s24 =	sadd.s32 $0xAE800, s10  }
0xa: {  	s17 =	sshll.u32 s1, $0x6;
	_ =	strace $0x80000047;
	s12 =	ssub.s32 $0x2, s15  }
0xb: {  	s14 =	smul.u32 $0x140, s15;
	p0 =	sne.s32 s15, $0x0;
	s15 =	simm.s32 $0x3  }
0xc: {  	s17 =	sor.u32 $0x1C03, s17;
	s11 =	sadd.s32 s7, s10;
	s7 =	sadd.s32 $0x5C000, s10  }
0xd: {  	s30 =	sshrl.u32 s12, $0x1;
	s31 =	sshrl.u32 s13, $0x2;
	s25 =	smov.u32 @p0 s24  }
0xe: {  	s24 =	simm.s32 $0x4E40;
	s16 =	ssub.s32 s12, s30;
	s10 =	sadd.s32 $0x8600, s11  }
0xf: {  	s11 =	sadd.s32 $0x3600, s11;
	s14 =	sshrl.u32 s14, $0x2;
	s12 =	smul.u32 $0x2800, s1  }
0x10: {  	s18 =	sadd.s32 s31, s3;
	s13 =	smax.u32 s16, $0x1;
	s14 =	sor.u32 $0x2780, s14  }
0x11: {  	s16 =	simm.s32 $0x2780;
	s18 =	sshrl.u32 s18, $0x3;
	s25 =	sadd.s32 s25, s12  }
.LBB2_1:
0x12: {  	[tilespmem:s4], [sflag:$0x3] =	stream.linear.gather [hbm4b:s10+s4], $0x2710, $0x38;
	[tilespmem:$0x1DF00] =	vst v63  }
0x13: {  	_ =	swait.ge [sflag:s15], $0x2710  }
0x14: {  	[sflag:s15] =	ssyncset.done $0x0  }
0x15: {  	[sflag:s15] =	ssyncadd.s32 $0xFFFFD8F0  }
0x16: {  	[tilespmem:s16], [sflag:$0x3] =	stream.linear.gather [hbm4b:s11+s4], $0x2710, $0x38;
	[tilespmem:$0x1DF00] =	vst v63  }
0x17: {  	_ =	swait.ge [sflag:s15], $0x2710  }
0x18: {  	[sflag:s15] =	ssyncset.done $0x0  }
0x19: {  	[sflag:s15] =	ssyncadd.s32 $0xFFFFD8F0  }
0x1a: {  	[spmem:s18], [sflag:s17] =	dma.local [hbm:s7], $0x2800  }
.Ltmp0:
0x1b: {  	_ =	swait.ge [sflag:s15], $0x2800;
	(pc) =	sbr.rel @p0 .LBB2_5-.Ltmp0, $3  }
0x1c: {  	[sflag:s15] =	ssyncset.done $0x0  }
0x1d: {  	[sflag:s15] =	ssyncadd.s32 $0xFFFFD800  }
0x1e: {  	[bflag:$0x0] =	sbarrier.arrive $0xFFFF;
	_ =	sdelay $0x1  }
0x1f: {  	s28 =	simm.s32 $0x0  }
0x20: {  	[tilespmem:s20], [sflag:$0x1] =	stream.indirect.gather [hbm4b:s5+s19], $0x80, s28, s19, $0xb8;
	[tilespmem:$0x1DF00] =	vst v63  }
0x21: {  	s28 =	simm.s32 $0x50  }
0x22: {  	[tilespmem:s21], [sflag:$0x2] =	stream.indirect.gather [hbm4b:s5+s19], $0x80, s28, s19, $0xb8;
	[tilespmem:$0x1DF00] =	vst v63  }
0x23: {  	_ =	swait.ge [sflag:s22], $0x2800  }
0x24: {  	[sflag:s22] =	ssyncset.done $0x0  }
0x25: {  	s28 =	simm.s32 $0x2780;
	[sflag:s22] =	ssyncadd.s32 $0xFFFFD800  }
0x26: {  	[spmem:s3] =	stream.indirect.scatter.add.f32 [tilespmem:s20], [sflag:$0x3], $0x80, s28, s19, $0xb8;
	[tilespmem:$0x1DF00] =	vst v63  }
0x27: {  	_ =	swait.ge [sflag:s15], $0x2800  }
0x28: {  	[sflag:s15] =	ssyncset.done $0x0  }
0x29: {  	s28 =	simm.s32 $0xA0;
	[sflag:s15] =	ssyncadd.s32 $0xFFFFD800  }
0x2a: {  	[tilespmem:s20], [sflag:$0x1] =	stream.indirect.gather [hbm4b:s5+s19], $0x80, s28, s19, $0xb8;
	[tilespmem:$0x1DF00] =	vst v63  }
0x2b: {  	_ =	swait.ge [sflag:s23], $0x2800  }
0x2c: {  	[sflag:s23] =	ssyncset.done $0x0  }
0x2d: {  	s28 =	simm.s32 $0x27D0;
	[sflag:s23] =	ssyncadd.s32 $0xFFFFD800  }
0x2e: {  	[spmem:s3] =	stream.indirect.scatter.add.f32 [tilespmem:s21], [sflag:$0x3], $0x80, s28, s19, $0xb8;
	[tilespmem:$0x1DF00] =	vst v63  }
0x2f: {  	_ =	swait.ge [sflag:s15], $0x2800  }
0x30: {  	s29 =	simm.s32 $0x500;
	s28 =	simm.s32 $0xA0;
	[sflag:s15] =	ssyncset.done $0x0  }
.LBB2_3:
0x31: {  	s30 =	sadd.s32 $0x50, s28  }
0x32: {  	[sflag:s15] =	ssyncadd.s32 $0xFFFFD800;
	s31 =	smov.u32 s29;
	s0 =	sadd.s32 $0x280, s29  }
0x33: {  	[tilespmem:s21], [sflag:$0x2] =	stream.indirect.gather [hbm4b:s5+s19], $0x80, s30, s19, $0xb8;
	[tilespmem:$0x1DF00] =	vst v63  }
0x34: {  	p1 =	seq.s32 s29, $0x9880;
	_ =	swait.ge [sflag:s22], $0x2800  }
0x35: {  	[sflag:s22] =	ssyncset.done $0x0  }
0x36: {  	s29 =	sadd.s32 $0x2780, s28;
	[sflag:s22] =	ssyncadd.s32 $0xFFFFD800  }
0x37: {  	[spmem:s3] =	stream.indirect.scatter.add.f32 [tilespmem:s20], [sflag:$0x3], $0x80, s29, s19, $0xb8;
	[tilespmem:$0x1DF00] =	vst v63  }
0x38: {  	_ =	swait.ge [sflag:s15], $0x2800  }
0x39: {  	[sflag:s15] =	ssyncset.done $0x0  }
0x3a: {  	s29 =	sadd.s32 $0xA0, s28;
	[sflag:s15] =	ssyncadd.s32 $0xFFFFD800  }
0x3b: {  	[tilespmem:s20], [sflag:$0x1] =	stream.indirect.gather [hbm4b:s5+s19], $0x80, s29, s19, $0xb8;
	[tilespmem:$0x1DF00] =	vst v63  }
0x3c: {  	_ =	swait.ge [sflag:s23], $0x2800  }
.Ltmp1:
0x3d: {  	[sflag:s23] =	ssyncset.done $0x0;
	(pc) =	sbr.rel @!p1 .LBB2_3-.Ltmp1, $4  }
0x3e: {  	s28 =	sadd.s32 $0x27D0, s28;
	[sflag:s23] =	ssyncadd.s32 $0xFFFFD800  }
0x3f: {  	[spmem:s3] =	stream.indirect.scatter.add.f32 [tilespmem:s21], [sflag:$0x3], $0x80, s28, s19, $0xb8;
	[tilespmem:$0x1DF00] =	vst v63  }
0x40: {  	_ =	swait.ge [sflag:s15], $0x2800  }
0x41: {  	s29 =	smov.u32 s0;
	s28 =	sshra.s32 s31, $0x2;
	[sflag:s15] =	ssyncset.done $0x0  }
0x42: {  	s0 =	sadd.s32 $0x50, s28;
	[sflag:s15] =	ssyncadd.s32 $0xFFFFD800  }
0x43: {  	[tilespmem:s21], [sflag:$0x2] =	stream.indirect.gather [hbm4b:s5+s19], $0x80, s0, s19, $0xb8;
	[tilespmem:$0x1DF00] =	vst v63  }
0x44: {  	_ =	swait.ge [sflag:s22], $0x2800  }
0x45: {  	[sflag:s22] =	ssyncset.done $0x0  }
0x46: {  	s29 =	sadd.s32 $0x2780, s28;
	[sflag:s22] =	ssyncadd.s32 $0xFFFFD800  }
0x47: {  	[spmem:s3] =	stream.indirect.scatter.add.f32 [tilespmem:s20], [sflag:$0x3], $0x80, s29, s19, $0xb8;
	[tilespmem:$0x1DF00] =	vst v63  }
0x48: {  	_ =	swait.ge [sflag:s15], $0x2800  }
0x49: {  	[sflag:s15] =	ssyncset.done $0x0  }
0x4a: {  	s30 =	sadd.s32 $0xA0, s28;
	[sflag:s15] =	ssyncadd.s32 $0xFFFFD800  }
0x4b: {  	[tilespmem:s20], [sflag:$0x1] =	stream.indirect.gather [hbm4b:s5+s19], $0x80, s30, s19, $0xb8;
	[tilespmem:$0x1DF00] =	vst v63  }
0x4c: {  	_ =	swait.ge [sflag:s23], $0x2800  }
0x4d: {  	[sflag:s23] =	ssyncset.done $0x0  }
.Ltmp2:
0x4e: {  	s31 =	sadd.s32 $0x27D0, s28;
	[sflag:s23] =	ssyncadd.s32 $0xFFFFD800;
	(pc) =	sbr.rel .LBB2_8-.Ltmp2, $4  }
0x4f: {  	[spmem:s3] =	stream.indirect.scatter.add.f32 [tilespmem:s21], [sflag:$0x3], $0x80, s31, s19, $0xb8;
	[tilespmem:$0x1DF00] =	vst v63  }
0x50: {  	_ =	swait.ge [sflag:s15], $0x2800  }
0x51: {  	[sflag:s15] =	ssyncset.done $0x0  }
0x52: {  	s28 =	smov.u32 s2;
	[sflag:s15] =	ssyncadd.s32 $0xFFFFD800  }
.LBB2_5:
0x53: {  	s0 =	simm.s32 $0x0  }
0x54: {  	[tilespmem:s20], [sflag:$0x1] =	stream.indirect.gather [hbm4b:s6+s19], $0x80, s0, s19, $0xb8;
	[tilespmem:$0x1DF00] =	vst v63  }
0x55: {  	s30 =	simm.s32 $0x50  }
0x56: {  	[tilespmem:s21], [sflag:$0x2] =	stream.indirect.gather [hbm4b:s6+s19], $0x80, s30, s19, $0xb8;
	[tilespmem:$0x1DF00] =	vst v63  }
0x57: {  	_ =	swait.ge [sflag:s22], $0x2800  }
0x58: {  	[sflag:s22] =	ssyncset.done $0x0  }
0x59: {  	s31 =	simm.s32 $0x2780;
	[sflag:s22] =	ssyncadd.s32 $0xFFFFD800  }
0x5a: {  	[spmem:s3] =	stream.indirect.scatter.add.f32 [tilespmem:s20], [sflag:$0x3], $0x80, s31, s19, $0xb8;
	[tilespmem:$0x1DF00] =	vst v63  }
0x5b: {  	_ =	swait.ge [sflag:s15], $0x2800  }
0x5c: {  	[sflag:s15] =	ssyncset.done $0x0  }
0x5d: {  	s30 =	simm.s32 $0xA0;
	[sflag:s15] =	ssyncadd.s32 $0xFFFFD800  }
0x5e: {  	[tilespmem:s20], [sflag:$0x1] =	stream.indirect.gather [hbm4b:s6+s19], $0x80, s30, s19, $0xb8;
	[tilespmem:$0x1DF00] =	vst v63  }
0x5f: {  	_ =	swait.ge [sflag:s23], $0x2800  }
0x60: {  	[sflag:s23] =	ssyncset.done $0x0  }
0x61: {  	s31 =	simm.s32 $0x27D0;
	[sflag:s23] =	ssyncadd.s32 $0xFFFFD800  }
0x62: {  	[spmem:s3] =	stream.indirect.scatter.add.f32 [tilespmem:s21], [sflag:$0x3], $0x80, s31, s19, $0xb8;
	[tilespmem:$0x1DF00] =	vst v63  }
0x63: {  	_ =	swait.ge [sflag:s15], $0x2800  }
0x64: {  	s29 =	simm.s32 $0x500;
	s28 =	simm.s32 $0xA0;
	[sflag:s15] =	ssyncset.done $0x0  }
.LBB2_6:
0x65: {  	s0 =	sadd.s32 $0x50, s28  }
0x66: {  	[sflag:s15] =	ssyncadd.s32 $0xFFFFD800;
	s30 =	smov.u32 s29;
	s31 =	sadd.s32 $0x280, s29  }
0x67: {  	[tilespmem:s21], [sflag:$0x2] =	stream.indirect.gather [hbm4b:s6+s19], $0x80, s0, s19, $0xb8;
	[tilespmem:$0x1DF00] =	vst v63  }
0x68: {  	p1 =	sne.s32 s29, $0x9880;
	_ =	swait.ge [sflag:s22], $0x2800  }
0x69: {  	[sflag:s22] =	ssyncset.done $0x0  }
0x6a: {  	s0 =	sadd.s32 $0x2780, s28;
	[sflag:s22] =	ssyncadd.s32 $0xFFFFD800  }
0x6b: {  	[spmem:s3] =	stream.indirect.scatter.add.f32 [tilespmem:s20], [sflag:$0x3], $0x80, s0, s19, $0xb8;
	[tilespmem:$0x1DF00] =	vst v63  }
0x6c: {  	_ =	swait.ge [sflag:s15], $0x2800  }
0x6d: {  	[sflag:s15] =	ssyncset.done $0x0  }
0x6e: {  	s0 =	sadd.s32 $0xA0, s28;
	[sflag:s15] =	ssyncadd.s32 $0xFFFFD800  }
0x6f: {  	[tilespmem:s20], [sflag:$0x1] =	stream.indirect.gather [hbm4b:s6+s19], $0x80, s0, s19, $0xb8;
	[tilespmem:$0x1DF00] =	vst v63  }
0x70: {  	_ =	swait.ge [sflag:s23], $0x2800  }
.Ltmp3:
0x71: {  	[sflag:s23] =	ssyncset.done $0x0;
	(pc) =	sbr.rel @p1 .LBB2_6-.Ltmp3, $4  }
0x72: {  	s0 =	sadd.s32 $0x27D0, s28;
	[sflag:s23] =	ssyncadd.s32 $0xFFFFD800  }
0x73: {  	[spmem:s3] =	stream.indirect.scatter.add.f32 [tilespmem:s21], [sflag:$0x3], $0x80, s0, s19, $0xb8;
	[tilespmem:$0x1DF00] =	vst v63  }
0x74: {  	_ =	swait.ge [sflag:s15], $0x2800  }
0x75: {  	s29 =	smov.u32 s31;
	s28 =	sshra.s32 s30, $0x2;
	[sflag:s15] =	ssyncset.done $0x0  }
0x76: {  	s0 =	sadd.s32 $0x50, s28;
	[sflag:s15] =	ssyncadd.s32 $0xFFFFD800  }
0x77: {  	[tilespmem:s21], [sflag:$0x2] =	stream.indirect.gather [hbm4b:s6+s19], $0x80, s0, s19, $0xb8;
	[tilespmem:$0x1DF00] =	vst v63  }
0x78: {  	_ =	swait.ge [sflag:s22], $0x2800  }
0x79: {  	[sflag:s22] =	ssyncset.done $0x0  }
0x7a: {  	s29 =	sadd.s32 $0x2780, s28;
	[sflag:s22] =	ssyncadd.s32 $0xFFFFD800  }
0x7b: {  	[spmem:s3] =	stream.indirect.scatter.add.f32 [tilespmem:s20], [sflag:$0x3], $0x80, s29, s19, $0xb8;
	[tilespmem:$0x1DF00] =	vst v63  }
0x7c: {  	_ =	swait.ge [sflag:s15], $0x2800  }
0x7d: {  	[sflag:s15] =	ssyncset.done $0x0  }
0x7e: {  	s30 =	sadd.s32 $0xA0, s28;
	[sflag:s15] =	ssyncadd.s32 $0xFFFFD800  }
0x7f: {  	[tilespmem:s20], [sflag:$0x1] =	stream.indirect.gather [hbm4b:s6+s19], $0x80, s30, s19, $0xb8;
	[tilespmem:$0x1DF00] =	vst v63  }
0x80: {  	_ =	swait.ge [sflag:s23], $0x2800  }
0x81: {  	[sflag:s23] =	ssyncset.done $0x0  }
0x82: {  	s31 =	sadd.s32 $0x27D0, s28;
	[sflag:s23] =	ssyncadd.s32 $0xFFFFD800  }
0x83: {  	[spmem:s3] =	stream.indirect.scatter.add.f32 [tilespmem:s21], [sflag:$0x3], $0x80, s31, s19, $0xb8;
	[tilespmem:$0x1DF00] =	vst v63  }
0x84: {  	_ =	swait.ge [sflag:s15], $0x2800  }
0x85: {  	[sflag:s15] =	ssyncset.done $0x0  }
0x86: {  	s28 =	smov.u32 s9;
	[sflag:s15] =	ssyncadd.s32 $0xFFFFD800  }
.LBB2_8:
0x87: {  	_ =	swait.ge [sflag:s22], $0x2800  }
0x88: {  	[sflag:s22] =	ssyncset.done $0x0  }
0x89: {  	[sflag:s22] =	ssyncadd.s32 $0xFFFFD800  }
0x8a: {  	[spmem:s3] =	stream.indirect.scatter.add.f32 [tilespmem:s20], [sflag:$0x3], $0x80, s24, s19, $0xb8;
	[tilespmem:$0x1DF00] =	vst v63  }
0x8b: {  	_ =	swait.ge [sflag:s15], $0x2800  }
0x8c: {  	[sflag:s15] =	ssyncset.done $0x0  }
0x8d: {  	[sflag:s15] =	ssyncadd.s32 $0xFFFFD800  }
0x8e: {  	s0 =	sadd.s32 s28, s12;
	[bflag:$0x0] =	sbarrier.arrive $0xFFFF  }
0x8f: {  	[hbm:s0], [sflag:s17] =	dma.local [spmem:s18], $0x2800  }
0x90: {  	_ =	swait.ge [sflag:s15], $0x2800  }
0x91: {  	[sflag:s15] =	ssyncset.done $0x0  }
0x92: {  	[sflag:s15] =	ssyncadd.s32 $0xFFFFD800  }
0x93: {  	[spmem:s18], [sflag:s17] =	dma.local [hbm:s7], $0x2800  }
0x94: {  	_ =	swait.ge [sflag:s15], $0x2800  }
0x95: {  	[sflag:s15] =	ssyncset.done $0x0  }
0x96: {  	s30 =	simm.s32 $0x0;
	[sflag:s15] =	ssyncadd.s32 $0xFFFFD800  }
0x97: {  	[tilespmem:s20], [sflag:$0x3] =	stream.linear.gather [hbm4b:s8+s30], $0x2800, $0x38;
	[tilespmem:$0x1DF00] =	vst v63  }
0x98: {  	_ =	swait.ge [sflag:s15], $0x2800  }
0x99: {  	[sflag:s15] =	ssyncset.done $0x0  }
0x9a: {  	[sflag:s15] =	ssyncadd.s32 $0xFFFFD800  }
0x9b: {  	s31 =	sadd.s32 $0x0, s14;
	[bflag:$0x0] =	sbarrier.arrive $0xFFFF  }
0x9c: {  	[spmem:s3] =	stream.indirect.scatter.add.f32 [tilespmem:s20], [sflag:$0x3], $0x80, s31, s19, $0xb8;
	[tilespmem:$0x1DF00] =	vst v63  }
0x9d: {  	s28 =	simm.s32 $0x280;
	_ =	swait.ge [sflag:s15], $0x2800  }
.LBB2_9:
0x9e: {  	s0 =	sshra.s32 s28, $0x2;
	[sflag:s15] =	ssyncset.done $0x0;
	p1 =	sne.s32 s28, $0x9880  }
.Ltmp4:
0x9f: {  	s0 =	sadd.s32 s0, s14;
	[sflag:s15] =	ssyncadd.s32 $0xFFFFD800;
	(pc) =	sbr.rel @p1 .LBB2_9-.Ltmp4, $3  }
0xa0: {  	[spmem:s3] =	stream.indirect.scatter.add.f32 [tilespmem:s20], [sflag:$0x3], $0x80, s0, s19, $0xb8;
	[tilespmem:$0x1DF00] =	vst v63  }
0xa1: {  	s28 =	sadd.s32 $0x280, s28;
	_ =	sdelay $0x1  }
0xa2: {  	_ =	swait.ge [sflag:s15], $0x2800  }
0xa3: {  	[sflag:s15] =	ssyncset.done $0x0;
	s0 =	simm.s32 @!p0 $0x50  }
0xa4: {  	s28 =	simm.s32 @!p0 $0x4E40;
	s29 =	simm.s32 @!p0 $0x4F00;
	[sflag:s15] =	ssyncadd.s32 $0xFFFFD800  }
0xa5: {  	[spmem:s3] =	stream.indirect.scatter.add.f32 @!p0 [tilespmem:s29], [sflag:$0x3], $0x80, s28, s0, $0xb8;
	[tilespmem:$0x1DF00] =	vst v63  }
0xa6: {  	s0 =	simm.s32 @!p0 $0x3  }
0xa7: {  	_ =	swait.ge @!p0 [sflag:s0], $0x2800  }
0xa8: {  	s26 =	sadd.s32 $0x1, s26;
	[sflag:s0] =	ssyncset.done @!p0 $0x0  }
0xa9: {  	p1 =	sne.s32 s26, s13;
	[sflag:s0] =	ssyncadd.s32 @!p0 $0xFFFFD800  }
.Ltmp5:
0xaa: {  	[bflag:$0x0] =	sbarrier.arrive $0xFFFF;
	(pc) =	sbr.rel @p1 .LBB2_1-.Ltmp5, $4  }
0xab: {  	[hbm:s25], [sflag:s17] =	dma.local [spmem:s18], $0x2800  }
0xac: {  	_ =	swait.ge [sflag:s15], $0x2800  }
0xad: {  	[sflag:s15] =	ssyncset.done $0x0  }
0xae: {  	[sflag:s15] =	ssyncadd.s32 $0xFFFFD800  }
0xaf: {  	_ =	sfence.sel $0x180000  }
0xb0: {  	[bflag:$0x0] =	sbarrier.arrive $0xFFFF  }
0xb1: {  	_ =	strace $0x90000047  }
0xb2: {  	[bflag:$0x2] =	sbarrier.arrive $0xFFFF  }
0xb3: {  	p0 =	sne.s32 s1, $0x0;
	s0 =	rddreg [dreg:$0x3]  }
0xb4: {  	s0 =	sadd.s32 @!p0 $0x100000, s0  }
0xb5: {  	[sflag:s0] =	ssyncadd.tile.s32 @!p0 $0x1;
	_ =	shalt  }
.Lfunc_end2:
_tile_overlayer_lowered:
.L_overlay_start_2:
0xb6: {  	(tag) =	ssettag $0x2  }
0xb7: {  	s0 =	rddreg [dreg:$0x0];
	s2 =	stileid.u32  }
0xb8: {  	s1 =	rddreg [dreg:$0x1];
	p0 =	sne.s32 s2, $0x0  }
0xb9: {  	s3 =	rddreg [dreg:$0x2];
	[bflag:$0x3] =	sbarrier.arrive $0xFFFF;
	s2 =	simm.s32 @!p0 $0x1C03  }
0xba: {  	[timem:s3], [sflag:s2] =	dma.local @!p0 [hbm:s0], s1  }
0xbb: {  	s0 =	simm.s32 @!p0 $0x3  }
0xbc: {  	_ =	swait.ge @!p0 [sflag:s0], s1  }
0xbd: {  	s1 =	ssub.s32 @!p0 $0x0, s1;
	[sflag:s0] =	ssyncset.done @!p0 $0x0  }
0xbe: {  	[sflag:s0] =	ssyncadd.s32 @!p0 s1  }
0xbf: {  	[bflag:$0x3] =	sbarrier.arrive $0xFFFF  }
0xc0: {  	_ =	shalt  }

</sc_bundles>
